<compile_context>
chip_gen: v7x
topology: tpu7x:2x2x1
jax: 0.10.2.dev20260603
libtpu: 0.0.44.dev20260713+nightly
codegen_flags: <defaults>
</compile_context>

<pallas_src>
import functools

import jax
import jax.numpy as jnp
from jax import lax
from jax.experimental import pallas as pl
from jax.experimental.pallas import tpu as pltpu
from jax.experimental.pallas import tpu_sc as plsc

N = 10000
E = 320000
D = 128
H = 64
NTEC = 16
K = 40
BLK = 2000
EPT = E // NTEC
NBLK = EPT // BLK
CPB = BLK // K
NROWS = 1000
BE = 4000


def _node_linear_body(nf, wsg, bsg, wdg, bdg, wdu, bdu, wsu, bsu,
                      tsrc, tdst, ax):
    x = nf[...]
    dn = (((1,), (1,)), ((), ()))
    es = lax.dot_general(x, wsg[...], dn, preferred_element_type=jnp.float32) + bsg[...]
    ed = lax.dot_general(x, wdg[...], dn, preferred_element_type=jnp.float32) + bdg[...]
    bh = lax.dot_general(x, wdu[...], dn, preferred_element_type=jnp.float32) + bdu[...]
    ax[...] = lax.dot_general(x, wsu[...], dn, preferred_element_type=jnp.float32) + bsu[...]
    tsrc[0, :, :] = jnp.concatenate([es[:, :H], bh[:, :H]], axis=1)
    tsrc[1, :, :] = jnp.concatenate([es[:, H:], bh[:, H:]], axis=1)
    tdst[...] = ed


def _node_linear(nf, wsg, bsg, wdg, bdg, wdu, bdu, wsu, bsu):
    return pl.pallas_call(
        _node_linear_body,
        out_shape=[
            jax.ShapeDtypeStruct((2, N, D), jnp.float32),
            jax.ShapeDtypeStruct((N, D), jnp.float32),
            jax.ShapeDtypeStruct((N, D), jnp.float32),
        ],
    )(nf, wsg, bsg, wdg, bdg, wdu, bdu, wsu, bsu)


def _edge_linear_body(ef, weg, beg, out):
    e = lax.dot_general(ef[...], weg[...], (((1,), (1,)), ((), ())),
                        preferred_element_type=jnp.float32) + beg[...]
    out[0, :, :] = e[:, :H]
    out[1, :, :] = e[:, H:]


def _edge_linear(ef, weg, beg):
    return pl.pallas_call(
        _edge_linear_body,
        grid=(E // BE,),
        in_specs=[
            pl.BlockSpec((BE, D), lambda i: (i, 0)),
            pl.BlockSpec((D, D), lambda i: (0, 0)),
            pl.BlockSpec((1, D), lambda i: (0, 0)),
        ],
        out_specs=pl.BlockSpec((2, BE, H), lambda i: (0, i, 0)),
        out_shape=jax.ShapeDtypeStruct((2, E, H), jnp.float32),
    )(ef, weg, beg)


def _edge_pass_body(src_idx, dst_idx, tsrc, tdst, ee,
                    m_out, acc_out, sm_out, sq_out,
                    isrcg_b, idst_b, idst_c,
                    tsrc_v0, tsrc_v1, tdst_v0, tdst_v1, ee_v0, ee_v1,
                    ss_v, st_v, acc_sh, gsem0, gsem1):
    c = lax.axis_index("c")
    s = lax.axis_index("s")

    def _zero(i, _):
        ss_v[i // 8, pl.ds((i % 8) * 16, 16)] = jnp.zeros((16,), jnp.float32)
        return 0
    lax.fori_loop(0, K * 8, _zero, 0)

    @pl.when(s < N // NROWS)
    def _zero_slice():
        for j in range(NROWS // K):
            pltpu.sync_copy(ss_v, acc_sh.at[pl.ds(s * NROWS + j * K, K), :])
    plsc.subcore_barrier()

    ebase = s * EPT
    coff = c * N
    ch = c * H
    zero16 = jnp.zeros((16,), jnp.float32)

    def _gathers(bbase, cb, tsv, tdv, eev, sem):
        off = cb * K
        base = bbase + off
        a = pltpu.make_async_copy(tsrc.at[isrcg_b.at[pl.ds(off, K)]], tsv, sem)
        b = pltpu.make_async_copy(tdst.at[idst_b.at[pl.ds(off, K)]], tdv, sem)
        d = pltpu.make_async_copy(ee.at[c, pl.ds(base, K), :], eev, sem)
        return a, b, d

    def _start(bbase, cb, tsv, tdv, eev, sem):
        for h in _gathers(bbase, cb, tsv, tdv, eev, sem):
            h.start()

    def _wait(bbase, cb, tsv, tdv, eev, sem):
        for h in _gathers(bbase, cb, tsv, tdv, eev, sem):
            h.wait()

    def _compute(bbase, cb, tsv, tdv, eev, carry):
        base = bbase + cb * K

        def _edge(k, cr):
            vs = list(cr)
            for r in range(4):
                col = r * 16
                esv = tsv[k, pl.ds(col, 16)]
                bhv = tsv[k, pl.ds(H + col, 16)]
                edv = tdv[k, pl.ds(ch + col, 16)]
                eevv = eev[k, pl.ds(col, 16)]
                mm = esv + edv + eevv
                eev[k, pl.ds(col, 16)] = mm
                sg = 1.0 / (1.0 + jnp.exp(-mm))
                ss_v[k, pl.ds(H + col, 16)] = sg
                ss_v[k, pl.ds(col, 16)] = bhv * sg
                vs[r] = vs[r] + mm
                vs[4 + r] = vs[4 + r] + mm * mm
            return tuple(vs)
        carry = lax.fori_loop(0, 1, _edge, carry)

        for o in (0, 16, 24):
            idst_c[pl.ds(o, 16)] = idst_b[pl.ds(cb * K + o, 16)]

        pltpu.sync_copy(eev, m_out.at[c, pl.ds(base, K), :])
        pltpu.sync_copy(ss_v, acc_sh.at[idst_c], add=True)
        return carry

    def _block(b, carry):
        bbase = ebase + b * BLK
        pltpu.sync_copy(src_idx.at[pl.ds(bbase, BLK)], isrcg_b)
        pltpu.sync_copy(dst_idx.at[pl.ds(bbase, BLK)], idst_b)

        def _adj(j, _):
            isrcg_b[pl.ds(j * 16, 16)] = isrcg_b[pl.ds(j * 16, 16)] + coff
            return 0
        lax.fori_loop(0, BLK // 16, _adj, 0)

        _start(bbase, 0, tsrc_v0, tdst_v0, ee_v0, gsem0)

        def _pair(t, cr):
            ca = 2 * t
            _start(bbase, jnp.minimum(ca + 1, CPB - 1),
                   tsrc_v1, tdst_v1, ee_v1, gsem1)
            _wait(bbase, ca, tsrc_v0, tdst_v0, ee_v0, gsem0)
            cr = _compute(bbase, ca, tsrc_v0, tdst_v0, ee_v0, cr)
            _start(bbase, jnp.minimum(ca + 2, CPB - 1),
                   tsrc_v0, tdst_v0, ee_v0, gsem0)
            _wait(bbase, ca + 1, tsrc_v1, tdst_v1, ee_v1, gsem1)
            cr = _compute(bbase, ca + 1, tsrc_v1, tdst_v1, ee_v1, cr)
            return cr
        carry = lax.fori_loop(0, CPB // 2, _pair, carry)
        _wait(bbase, CPB - 1, tsrc_v0, tdst_v0, ee_v0, gsem0)
        return carry

    carry = lax.fori_loop(0, NBLK, _block, (zero16,) * 8)

    for r in range(4):
        st_v[0, pl.ds(r * 16, 16)] = carry[r]
        st_v[1, pl.ds(r * 16, 16)] = carry[4 + r]
    pltpu.sync_copy(st_v.at[0, :], sm_out.at[c, s])
    pltpu.sync_copy(st_v.at[1, :], sq_out.at[c, s])

    plsc.subcore_barrier()

    @pl.when(s < N // NROWS)
    def _copy_out():
        pltpu.sync_copy(acc_sh.at[pl.ds(s * NROWS, NROWS), :],
                        acc_out.at[c, pl.ds(s * NROWS, NROWS), :])


def _edge_pass(src_idx, dst_idx, tsrc, tdst, ee):
    mesh = plsc.VectorSubcoreMesh(core_axis_name="c", subcore_axis_name="s")
    f = functools.partial(
        pl.kernel,
        mesh=mesh,
        out_type=[
            jax.ShapeDtypeStruct((2, E, H), jnp.float32),
            jax.ShapeDtypeStruct((2, N, D), jnp.float32),
            jax.ShapeDtypeStruct((2, NTEC, H), jnp.float32),
            jax.ShapeDtypeStruct((2, NTEC, H), jnp.float32),
        ],
        scratch_types=[
            pltpu.VMEM((BLK,), jnp.int32),
            pltpu.VMEM((BLK,), jnp.int32),
            pltpu.VMEM((K,), jnp.int32),
            pltpu.VMEM((K, D), jnp.float32),
            pltpu.VMEM((K, D), jnp.float32),
            pltpu.VMEM((K, D), jnp.float32),
            pltpu.VMEM((K, D), jnp.float32),
            pltpu.VMEM((K, H), jnp.float32),
            pltpu.VMEM((K, H), jnp.float32),
            pltpu.VMEM((K, D), jnp.float32),
            pltpu.VMEM((2, H), jnp.float32),
            pltpu.VMEM_SHARED((N, D), jnp.float32),
            pltpu.SemaphoreType.DMA,
            pltpu.SemaphoreType.DMA,
        ],
    )(_edge_pass_body)
    return f(src_idx, dst_idx, tsrc, tdst, ee)


def _node_final_body(nf, ax, acc, sm, sq, gn, bn, ge, be_,
                     x_out, ae_out, be_out):
    h0 = acc[0, :, :H] / (acc[0, :, H:] + 1e-6)
    h1 = acc[1, :, :H] / (acc[1, :, H:] + 1e-6)
    x1 = ax[...] + jnp.concatenate([h0, h1], axis=1)
    mu = jnp.mean(x1, axis=0, keepdims=True)
    var = jnp.mean((x1 - mu) ** 2, axis=0, keepdims=True)
    xn = (x1 - mu) / jnp.sqrt(var + 1e-5) * gn[...] + bn[...]
    x_out[...] = nf[...] + xn / (1.0 + jnp.exp(-xn))

    sum_m = jnp.sum(sm[...], axis=1)
    sum_q = jnp.sum(sq[...], axis=1)
    mu_e = sum_m / float(E)
    var_e = sum_q / float(E) - mu_e * mu_e
    g2 = jnp.concatenate([ge[:, :H], ge[:, H:]], axis=0)
    b2 = jnp.concatenate([be_[:, :H], be_[:, H:]], axis=0)
    a = g2 / jnp.sqrt(var_e + 1e-5)
    ae_out[...] = a
    be_out[...] = b2 - mu_e * a


def _node_final(nf, ax, acc, sm, sq, gn, bn, ge, be_):
    return pl.pallas_call(
        _node_final_body,
        out_shape=[
            jax.ShapeDtypeStruct((N, D), jnp.float32),
            jax.ShapeDtypeStruct((2, H), jnp.float32),
            jax.ShapeDtypeStruct((2, H), jnp.float32),
        ],
    )(nf, ax, acc, sm, sq, gn, bn, ge, be_)


def _edge_out_body(m, ef, ae, be_, y):
    for c in range(2):
        yn = m[c, :, :] * ae[c:c + 1, :] + be_[c:c + 1, :]
        ys = yn / (1.0 + jnp.exp(-yn))
        y[:, c * H:(c + 1) * H] = ef[:, c * H:(c + 1) * H] + ys


def _edge_out(m, ef, ae, be_):
    return pl.pallas_call(
        _edge_out_body,
        grid=(E // BE,),
        in_specs=[
            pl.BlockSpec((2, BE, H), lambda i: (0, i, 0)),
            pl.BlockSpec((BE, D), lambda i: (i, 0)),
            pl.BlockSpec((2, H), lambda i: (0, 0)),
            pl.BlockSpec((2, H), lambda i: (0, 0)),
        ],
        out_specs=pl.BlockSpec((BE, D), lambda i: (i, 0)),
        out_shape=jax.ShapeDtypeStruct((E, D), jnp.float32),
    )(m, ef, ae, be_)


def kernel(edge_index, node_feats, edge_feats, W_sg, b_sg, W_dg, b_dg,
           W_eg, b_eg, W_su, b_su, W_du, b_du,
           gamma_n, beta_n, gamma_e, beta_e):
    r1 = lambda v: v.reshape(1, D)
    tsrc, tdst, ax = _node_linear(node_feats, W_sg, r1(b_sg), W_dg, r1(b_dg),
                                  W_du, r1(b_du), W_su, r1(b_su))
    ee = _edge_linear(edge_feats, W_eg, r1(b_eg))
    m, acc, sm, sq = _edge_pass(edge_index[0], edge_index[1],
                                tsrc.reshape(2 * N, D), tdst, ee)
    x, ae, be_ = _node_final(node_feats, ax, acc, sm, sq,
                             r1(gamma_n), r1(beta_n), r1(gamma_e), r1(beta_e))
    y = _edge_out(m, edge_feats, ae, be_)
    return (x, y)

# --- scband reference (transcript-rebuilt; emitter-appended) ---
"""Pipeline reference for scband-edge-gated-graph-conv-27290222198788 (READ-ONLY COPY).

The authoritative reference and input builder live on the scoring server;
editing this copy changes nothing except your own understanding.
"""

import jax, jax.numpy as jnp
import numpy as np

N = 10000
E = 320000
D = 128


def _linear(x, W, b):
    return x @ W.T + b


def _batch_norm(x, gamma, beta):
    mu = jnp.mean(x, axis=0)
    var = jnp.var(x, axis=0)
    return (x - mu) / jnp.sqrt(var + 1e-5) * gamma + beta


def _silu(x):
    return x * jax.nn.sigmoid(x)


def setup_inputs(seed: int = 0) -> dict:
    key = jax.random.key(seed)
    ks = jax.random.split(key, 16)
    s = 1.0 / np.sqrt(D)
    inp = {}
    inp['edge_index'] = jax.random.randint(ks[0], (2, E), 0, N, dtype=jnp.int32)
    inp['node_feats'] = jax.random.normal(ks[1], (N, D), dtype=jnp.float32)
    inp['edge_feats'] = jax.random.normal(ks[2], (E, D), dtype=jnp.float32)
    inp['W_sg'] = jax.random.uniform(ks[3], (D, D), jnp.float32, -s, s)
    inp['b_sg'] = jax.random.uniform(ks[4], (D,), jnp.float32, -s, s)
    inp['W_dg'] = jax.random.uniform(ks[5], (D, D), jnp.float32, -s, s)
    inp['b_dg'] = jax.random.uniform(ks[6], (D,), jnp.float32, -s, s)
    inp['W_eg'] = jax.random.uniform(ks[7], (D, D), jnp.float32, -s, s)
    inp['b_eg'] = jax.random.uniform(ks[8], (D,), jnp.float32, -s, s)
    inp['W_su'] = jax.random.uniform(ks[9], (D, D), jnp.float32, -s, s)
    inp['b_su'] = jax.random.uniform(ks[10], (D,), jnp.float32, -s, s)
    inp['W_du'] = jax.random.uniform(ks[11], (D, D), jnp.float32, -s, s)
    inp['b_du'] = jax.random.uniform(ks[12], (D,), jnp.float32, -s, s)
    inp['gamma_n'] = jnp.ones((D,), jnp.float32)
    inp['beta_n'] = jnp.zeros((D,), jnp.float32)
    inp['gamma_e'] = jnp.ones((D,), jnp.float32)
    inp['beta_e'] = jnp.zeros((D,), jnp.float32)
    return inp


def reference(edge_index, node_feats, edge_feats, W_sg, b_sg, W_dg, b_dg, W_eg, b_eg, W_su, b_su, W_du, b_du, gamma_n, beta_n, gamma_e, beta_e):
    src = edge_index[0]
    dst = edge_index[1]
    e_src = _linear(node_feats, W_sg, b_sg)
    e_dst = _linear(node_feats, W_dg, b_dg)
    m = e_src[src] + e_dst[dst] + _linear(edge_feats, W_eg, b_eg)
    sigma = jax.nn.sigmoid(m)
    Bh = _linear(node_feats, W_du, b_du)
    sum_sigma_h = jax.ops.segment_sum(Bh[src] * sigma, dst, num_segments=N)
    sum_sigma = jax.ops.segment_sum(sigma, dst, num_segments=N)
    h = sum_sigma_h / (sum_sigma + 1e-6)
    x = _linear(node_feats, W_su, b_su) + h
    x = _silu(_batch_norm(x, gamma_n, beta_n))
    y = _silu(_batch_norm(m, gamma_e, beta_e))
    x = node_feats + x
    y = edge_feats + y
    return (x, y)

if __name__ == "__main__":
    import jax
    _d = setup_inputs()
    print(jax.jit(kernel)(*tuple(_d.values())))

</pallas_src>

<mosaic_0001>
#map = affine_map<(d0, d1) -> (0)>
#map1 = affine_map<(d0, d1) -> (0, 0)>
#map2 = affine_map<(d0, d1) -> (0, 0, 0)>
module attributes {stable_mosaic.version = 14 : i64} {
  func.func @_edge_pass_body(%arg0: i32, %arg1: i32, %arg2: memref<320000xi32, #tpu.memory_space<hbm>>, %arg3: memref<320000xi32, #tpu.memory_space<hbm>>, %arg4: memref<20000x128xf32, #tpu.memory_space<hbm>>, %arg5: memref<10000x128xf32, #tpu.memory_space<hbm>>, %arg6: memref<2x320000x64xf32, #tpu.memory_space<hbm>>, %arg7: memref<2x320000x64xf32, #tpu.memory_space<hbm>>, %arg8: memref<2x10000x128xf32, #tpu.memory_space<hbm>>, %arg9: memref<2x16x64xf32, #tpu.memory_space<hbm>>, %arg10: memref<2x16x64xf32, #tpu.memory_space<hbm>>, %arg11: memref<2000xi32, #tpu.memory_space<vmem>>, %arg12: memref<2000xi32, #tpu.memory_space<vmem>>, %arg13: memref<40xi32, #tpu.memory_space<vmem>>, %arg14: memref<40x128xf32, #tpu.memory_space<vmem>>, %arg15: memref<40x128xf32, #tpu.memory_space<vmem>>, %arg16: memref<40x128xf32, #tpu.memory_space<vmem>>, %arg17: memref<40x128xf32, #tpu.memory_space<vmem>>, %arg18: memref<40x64xf32, #tpu.memory_space<vmem>>, %arg19: memref<40x64xf32, #tpu.memory_space<vmem>>, %arg20: memref<40x128xf32, #tpu.memory_space<vmem>>, %arg21: memref<2x64xf32, #tpu.memory_space<vmem>>, %arg22: memref<10000x128xf32, #tpu.memory_space<vmem_shared>>, %arg23: memref<!tpu.dma_semaphore, #tpu.memory_space<semaphore_mem>>, %arg24: memref<!tpu.dma_semaphore, #tpu.memory_space<semaphore_mem>>) attributes {dimension_semantics = [#tpu.dimension_semantics<core_parallel>, #tpu.dimension_semantics<subcore_parallel>], iteration_bounds = array<i64: 2, 16>, scalar_prefetch = 0 : i64, scratch_operands = 14 : i64, tpu.core_type = #tpu.core_type<sc_vector_subcore>, window_params = [{transform_indices = #map}, {transform_indices = #map}, {transform_indices = #map1}, {transform_indices = #map1}, {transform_indices = #map2}, {transform_indices = #map2}, {transform_indices = #map2}, {transform_indices = #map2}, {transform_indices = #map2}]} {
    %scan3A = arith.constant 0 : i32
    %scan3A_0 = arith.constant 0 : i32
    %scan3A_1 = arith.constant 320 : i32
    %scan3A_2 = arith.addi %scan3A_0, %scan3A_1 : i32
    %scan3A_3 = arith.constant 1 : i32
    %scan3A_4 = scf.for %scan3A_74 = %scan3A_0 to %scan3A_2 step %scan3A_3 iter_args(%scan3A_75 = %scan3A) -> (i32)  : i32 {
      %broadcast_in_dim3A_76 = arith.constant 0.000000e+00 : f32
      %broadcast_in_dim3A_77 = vector.broadcast %broadcast_in_dim3A_76 : f32 to vector<16xf32>
      %jit3A = arith.constant 8 : i32
      %div3A = arith.divsi %scan3A_74, %jit3A : i32
      %sign3A = arith.constant 0 : i32
      %sign3A_78 = arith.cmpi sgt, %scan3A_74, %sign3A : i32
      %sign3A_79 = arith.extui %sign3A_78 : i1 to i32
      %sign3A_80 = arith.constant 0 : i32
      %sign3A_81 = arith.cmpi slt, %scan3A_74, %sign3A_80 : i32
      %sign3A_82 = arith.extui %sign3A_81 : i1 to i32
      %sign3A_83 = arith.subi %sign3A_79, %sign3A_82 : i32
      %sign3A_84 = arith.constant 0 : i32
      %sign3A_85 = arith.cmpi sgt, %jit3A, %sign3A_84 : i32
      %sign3A_86 = arith.extui %sign3A_85 : i1 to i32
      %sign3A_87 = arith.constant 0 : i32
      %sign3A_88 = arith.cmpi slt, %jit3A, %sign3A_87 : i32
      %sign3A_89 = arith.extui %sign3A_88 : i1 to i32
      %sign3A_90 = arith.subi %sign3A_86, %sign3A_89 : i32
      %ne3A = arith.cmpi ne, %sign3A_83, %sign3A_90 : i32
      %rem3A = arith.remsi %scan3A_74, %jit3A : i32
      %ne3A_91 = arith.constant 0 : i32
      %ne3A_92 = arith.cmpi ne, %rem3A, %ne3A_91 : i32
      %and3A = arith.andi %ne3A, %ne3A_92 : i1
      %sub3A = arith.constant 1 : i32
      %sub3A_93 = arith.subi %div3A, %sub3A : i32
      %select_n3A = arith.select %and3A, %sub3A_93, %div3A : i32
      %jit3A_94 = arith.constant 8 : i32
      %eq3A = arith.constant 0 : i32
      %eq3A_95 = arith.cmpi eq, %jit3A_94, %eq3A : i32
      %jit3A_96 = arith.constant 1 : i32
      %select_n3A_97 = arith.select %eq3A_95, %jit3A_96, %jit3A_94 : i32
      %rem3A_98 = arith.remsi %scan3A_74, %select_n3A_97 : i32
      %ne3A_99 = arith.constant 0 : i32
      %ne3A_100 = arith.cmpi ne, %rem3A_98, %ne3A_99 : i32
      %lt3A_101 = arith.constant 0 : i32
      %lt3A_102 = arith.cmpi slt, %rem3A_98, %lt3A_101 : i32
      %lt3A_103 = arith.constant 0 : i32
      %lt3A_104 = arith.cmpi slt, %select_n3A_97, %lt3A_103 : i32
      %ne3A_105 = arith.xori %lt3A_102, %lt3A_104 : i1
      %and3A_106 = arith.andi %ne3A_105, %ne3A_100 : i1
      %add3A = arith.addi %rem3A_98, %select_n3A_97 : i32
      %select_n3A_107 = arith.select %and3A_106, %add3A, %rem3A_98 : i32
      %mul3A_108 = arith.constant 16 : i32
      %mul3A_109 = arith.muli %select_n3A_107, %mul3A_108 : i32
      %swap3A_110 = arith.index_cast %select_n3A : i32 to index
      %swap3A_111 = arith.index_cast %mul3A_109 : i32 to index
      %swap3A_112 = tpu.vector_load %arg20[%swap3A_110, %swap3A_111] {strides = array<i32>} : memref<40x128xf32, #tpu.memory_space<vmem>>, vector<1x16xf32>,
      %swap3A_113 = vector.shape_cast %swap3A_112 : vector<1x16xf32> to vector<16xf32>
      %swap3A_114 = vector.shape_cast %broadcast_in_dim3A_77 : vector<16xf32> to vector<1x16xf32>
      tpu.vector_store %arg20[%swap3A_110, %swap3A_111], %swap3A_114 {strides = array<i32>} : memref<40x128xf32, #tpu.memory_space<vmem>>, vector<1x16xf32>,
      %scan3A_115 = arith.constant 0 : i32
      scf.yield %scan3A_115 : i32
    }
    %scan3A_5 = arith.constant 320 : i32
    %lt3A = arith.constant 10 : i32
    %lt3A_6 = arith.cmpi slt, %arg1, %lt3A : i32
    %convert_element_type3A = arith.extui %lt3A_6 : i1 to i32
    %cond3A = arith.constant 0 : i32
    %cond3A_7 = arith.cmpi ne, %convert_element_type3A, %cond3A : i32
    scf.if %cond3A_7 {
      %mul3A_74 = arith.constant 1000 : i32
      %mul3A_75 = arith.muli %arg1, %mul3A_74 : i32
      %add3A = arith.constant 0 : i32
      %add3A_76 = arith.addi %mul3A_75, %add3A : i32
      "tpu.region"() ({
        %run_scoped3A_173 = tpu.sem_alloc : memref<!tpu.dma_semaphore, #tpu.memory_space<semaphore_mem>>
        %dma_start3A = arith.constant 0 : i32
        %dma_start3A_174 = tpu.memref_slice %arg22[%add3A_76, %dma_start3A] : memref<10000x128xf32, #tpu.memory_space<vmem_shared>> -> memref<40x128xf32, #tpu.memory_space<vmem_shared>>
        %dma_start3A_175 = arith.constant 0 : i32
        %dma_start3A_176 = tpu.memref_slice %arg22[%add3A_76, %dma_start3A_175] : memref<10000x128xf32, #tpu.memory_space<vmem_shared>> -> memref<40x128xf32, #tpu.memory_space<vmem_shared>>
        tpu.enqueue_dma source(%arg20 : memref<40x128xf32, #tpu.memory_space<vmem>>) target(%dma_start3A_176 : memref<40x128xf32, #tpu.memory_space<vmem_shared>>) target_semaphore(%run_scoped3A_173 : memref<!tpu.dma_semaphore, #tpu.memory_space<semaphore_mem>>)
        %dma_wait3A = arith.constant 0 : i32
        %dma_wait3A_177 = tpu.memref_slice %arg22[%add3A_76, %dma_wait3A] : memref<10000x128xf32, #tpu.memory_space<vmem_shared>> -> memref<40x128xf32, #tpu.memory_space<vmem_shared>>
        %dma_wait3A_178 = arith.constant 0 : i32
        %dma_wait3A_179 = tpu.memref_slice %arg22[%add3A_76, %dma_wait3A_178] : memref<10000x128xf32, #tpu.memory_space<vmem_shared>> -> memref<40x128xf32, #tpu.memory_space<vmem_shared>>
        tpu.wait_dma2 semaphore(%run_scoped3A_173 : memref<!tpu.dma_semaphore, #tpu.memory_space<semaphore_mem>>) src(%arg20 : memref<40x128xf32, #tpu.memory_space<vmem>>) dst(%dma_wait3A_179 : memref<40x128xf32, #tpu.memory_space<vmem_shared>>)
        tpu.yield
      }) : () -> ()
      %mul3A_77 = arith.constant 1000 : i32
      %mul3A_78 = arith.muli %arg1, %mul3A_77 : i32
      %add3A_79 = arith.constant 40 : i32
      %add3A_80 = arith.addi %mul3A_78, %add3A_79 : i32
      "tpu.region"() ({
        %run_scoped3A_173 = tpu.sem_alloc : memref<!tpu.dma_semaphore, #tpu.memory_space<semaphore_mem>>
        %dma_start3A = arith.constant 0 : i32
        %dma_start3A_174 = tpu.memref_slice %arg22[%add3A_80, %dma_start3A] : memref<10000x128xf32, #tpu.memory_space<vmem_shared>> -> memref<40x128xf32, #tpu.memory_space<vmem_shared>>
        %dma_start3A_175 = arith.constant 0 : i32
        %dma_start3A_176 = tpu.memref_slice %arg22[%add3A_80, %dma_start3A_175] : memref<10000x128xf32, #tpu.memory_space<vmem_shared>> -> memref<40x128xf32, #tpu.memory_space<vmem_shared>>
        tpu.enqueue_dma source(%arg20 : memref<40x128xf32, #tpu.memory_space<vmem>>) target(%dma_start3A_176 : memref<40x128xf32, #tpu.memory_space<vmem_shared>>) target_semaphore(%run_scoped3A_173 : memref<!tpu.dma_semaphore, #tpu.memory_space<semaphore_mem>>)
        %dma_wait3A = arith.constant 0 : i32
        %dma_wait3A_177 = tpu.memref_slice %arg22[%add3A_80, %dma_wait3A] : memref<10000x128xf32, #tpu.memory_space<vmem_shared>> -> memref<40x128xf32, #tpu.memory_space<vmem_shared>>
        %dma_wait3A_178 = arith.constant 0 : i32
        %dma_wait3A_179 = tpu.memref_slice %arg22[%add3A_80, %dma_wait3A_178] : memref<10000x128xf32, #tpu.memory_space<vmem_shared>> -> memref<40x128xf32, #tpu.memory_space<vmem_shared>>
        tpu.wait_dma2 semaphore(%run_scoped3A_173 : memref<!tpu.dma_semaphore, #tpu.memory_space<semaphore_mem>>) src(%arg20 : memref<40x128xf32, #tpu.memory_space<vmem>>) dst(%dma_wait3A_179 : memref<40x128xf32, #tpu.memory_space<vmem_shared>>)
        tpu.yield
      }) : () -> ()
      %mul3A_81 = arith.constant 1000 : i32
      %mul3A_82 = arith.muli %arg1, %mul3A_81 : i32
      %add3A_83 = arith.constant 80 : i32
      %add3A_84 = arith.addi %mul3A_82, %add3A_83 : i32
      "tpu.region"() ({
        %run_scoped3A_173 = tpu.sem_alloc : memref<!tpu.dma_semaphore, #tpu.memory_space<semaphore_mem>>
        %dma_start3A = arith.constant 0 : i32
        %dma_start3A_174 = tpu.memref_slice %arg22[%add3A_84, %dma_start3A] : memref<10000x128xf32, #tpu.memory_space<vmem_shared>> -> memref<40x128xf32, #tpu.memory_space<vmem_shared>>
        %dma_start3A_175 = arith.constant 0 : i32
        %dma_start3A_176 = tpu.memref_slice %arg22[%add3A_84, %dma_start3A_175] : memref<10000x128xf32, #tpu.memory_space<vmem_shared>> -> memref<40x128xf32, #tpu.memory_space<vmem_shared>>
        tpu.enqueue_dma source(%arg20 : memref<40x128xf32, #tpu.memory_space<vmem>>) target(%dma_start3A_176 : memref<40x128xf32, #tpu.memory_space<vmem_shared>>) target_semaphore(%run_scoped3A_173 : memref<!tpu.dma_semaphore, #tpu.memory_space<semaphore_mem>>)
        %dma_wait3A = arith.constant 0 : i32
        %dma_wait3A_177 = tpu.memref_slice %arg22[%add3A_84, %dma_wait3A] : memref<10000x128xf32, #tpu.memory_space<vmem_shared>> -> memref<40x128xf32, #tpu.memory_space<vmem_shared>>
        %dma_wait3A_178 = arith.constant 0 : i32
        %dma_wait3A_179 = tpu.memref_slice %arg22[%add3A_84, %dma_wait3A_178] : memref<10000x128xf32, #tpu.memory_space<vmem_shared>> -> memref<40x128xf32, #tpu.memory_space<vmem_shared>>
        tpu.wait_dma2 semaphore(%run_scoped3A_173 : memref<!tpu.dma_semaphore, #tpu.memory_space<semaphore_mem>>) src(%arg20 : memref<40x128xf32, #tpu.memory_space<vmem>>) dst(%dma_wait3A_179 : memref<40x128xf32, #tpu.memory_space<vmem_shared>>)
        tpu.yield
      }) : () -> ()
      %mul3A_85 = arith.constant 1000 : i32
      %mul3A_86 = arith.muli %arg1, %mul3A_85 : i32
      %add3A_87 = arith.constant 120 : i32
      %add3A_88 = arith.addi %mul3A_86, %add3A_87 : i32
      "tpu.region"() ({
        %run_scoped3A_173 = tpu.sem_alloc : memref<!tpu.dma_semaphore, #tpu.memory_space<semaphore_mem>>
        %dma_start3A = arith.constant 0 : i32
        %dma_start3A_174 = tpu.memref_slice %arg22[%add3A_88, %dma_start3A] : memref<10000x128xf32, #tpu.memory_space<vmem_shared>> -> memref<40x128xf32, #tpu.memory_space<vmem_shared>>
        %dma_start3A_175 = arith.constant 0 : i32
        %dma_start3A_176 = tpu.memref_slice %arg22[%add3A_88, %dma_start3A_175] : memref<10000x128xf32, #tpu.memory_space<vmem_shared>> -> memref<40x128xf32, #tpu.memory_space<vmem_shared>>
        tpu.enqueue_dma source(%arg20 : memref<40x128xf32, #tpu.memory_space<vmem>>) target(%dma_start3A_176 : memref<40x128xf32, #tpu.memory_space<vmem_shared>>) target_semaphore(%run_scoped3A_173 : memref<!tpu.dma_semaphore, #tpu.memory_space<semaphore_mem>>)
        %dma_wait3A = arith.constant 0 : i32
        %dma_wait3A_177 = tpu.memref_slice %arg22[%add3A_88, %dma_wait3A] : memref<10000x128xf32, #tpu.memory_space<vmem_shared>> -> memref<40x128xf32, #tpu.memory_space<vmem_shared>>
        %dma_wait3A_178 = arith.constant 0 : i32
        %dma_wait3A_179 = tpu.memref_slice %arg22[%add3A_88, %dma_wait3A_178] : memref<10000x128xf32, #tpu.memory_space<vmem_shared>> -> memref<40x128xf32, #tpu.memory_space<vmem_shared>>
        tpu.wait_dma2 semaphore(%run_scoped3A_173 : memref<!tpu.dma_semaphore, #tpu.memory_space<semaphore_mem>>) src(%arg20 : memref<40x128xf32, #tpu.memory_space<vmem>>) dst(%dma_wait3A_179 : memref<40x128xf32, #tpu.memory_space<vmem_shared>>)
        tpu.yield
      }) : () -> ()
      %mul3A_89 = arith.constant 1000 : i32
      %mul3A_90 = arith.muli %arg1, %mul3A_89 : i32
      %add3A_91 = arith.constant 160 : i32
      %add3A_92 = arith.addi %mul3A_90, %add3A_91 : i32
      "tpu.region"() ({
        %run_scoped3A_173 = tpu.sem_alloc : memref<!tpu.dma_semaphore, #tpu.memory_space<semaphore_mem>>
        %dma_start3A = arith.constant 0 : i32
        %dma_start3A_174 = tpu.memref_slice %arg22[%add3A_92, %dma_start3A] : memref<10000x128xf32, #tpu.memory_space<vmem_shared>> -> memref<40x128xf32, #tpu.memory_space<vmem_shared>>
        %dma_start3A_175 = arith.constant 0 : i32
        %dma_start3A_176 = tpu.memref_slice %arg22[%add3A_92, %dma_start3A_175] : memref<10000x128xf32, #tpu.memory_space<vmem_shared>> -> memref<40x128xf32, #tpu.memory_space<vmem_shared>>
        tpu.enqueue_dma source(%arg20 : memref<40x128xf32, #tpu.memory_space<vmem>>) target(%dma_start3A_176 : memref<40x128xf32, #tpu.memory_space<vmem_shared>>) target_semaphore(%run_scoped3A_173 : memref<!tpu.dma_semaphore, #tpu.memory_space<semaphore_mem>>)
        %dma_wait3A = arith.constant 0 : i32
        %dma_wait3A_177 = tpu.memref_slice %arg22[%add3A_92, %dma_wait3A] : memref<10000x128xf32, #tpu.memory_space<vmem_shared>> -> memref<40x128xf32, #tpu.memory_space<vmem_shared>>
        %dma_wait3A_178 = arith.constant 0 : i32
        %dma_wait3A_179 = tpu.memref_slice %arg22[%add3A_92, %dma_wait3A_178] : memref<10000x128xf32, #tpu.memory_space<vmem_shared>> -> memref<40x128xf32, #tpu.memory_space<vmem_shared>>
        tpu.wait_dma2 semaphore(%run_scoped3A_173 : memref<!tpu.dma_semaphore, #tpu.memory_space<semaphore_mem>>) src(%arg20 : memref<40x128xf32, #tpu.memory_space<vmem>>) dst(%dma_wait3A_179 : memref<40x128xf32, #tpu.memory_space<vmem_shared>>)
        tpu.yield
      }) : () -> ()
      %mul3A_93 = arith.constant 1000 : i32
      %mul3A_94 = arith.muli %arg1, %mul3A_93 : i32
      %add3A_95 = arith.constant 200 : i32
      %add3A_96 = arith.addi %mul3A_94, %add3A_95 : i32
      "tpu.region"() ({
        %run_scoped3A_173 = tpu.sem_alloc : memref<!tpu.dma_semaphore, #tpu.memory_space<semaphore_mem>>
        %dma_start3A = arith.constant 0 : i32
        %dma_start3A_174 = tpu.memref_slice %arg22[%add3A_96, %dma_start3A] : memref<10000x128xf32, #tpu.memory_space<vmem_shared>> -> memref<40x128xf32, #tpu.memory_space<vmem_shared>>
        %dma_start3A_175 = arith.constant 0 : i32
        %dma_start3A_176 = tpu.memref_slice %arg22[%add3A_96, %dma_start3A_175] : memref<10000x128xf32, #tpu.memory_space<vmem_shared>> -> memref<40x128xf32, #tpu.memory_space<vmem_shared>>
        tpu.enqueue_dma source(%arg20 : memref<40x128xf32, #tpu.memory_space<vmem>>) target(%dma_start3A_176 : memref<40x128xf32, #tpu.memory_space<vmem_shared>>) target_semaphore(%run_scoped3A_173 : memref<!tpu.dma_semaphore, #tpu.memory_space<semaphore_mem>>)
        %dma_wait3A = arith.constant 0 : i32
        %dma_wait3A_177 = tpu.memref_slice %arg22[%add3A_96, %dma_wait3A] : memref<10000x128xf32, #tpu.memory_space<vmem_shared>> -> memref<40x128xf32, #tpu.memory_space<vmem_shared>>
        %dma_wait3A_178 = arith.constant 0 : i32
        %dma_wait3A_179 = tpu.memref_slice %arg22[%add3A_96, %dma_wait3A_178] : memref<10000x128xf32, #tpu.memory_space<vmem_shared>> -> memref<40x128xf32, #tpu.memory_space<vmem_shared>>
        tpu.wait_dma2 semaphore(%run_scoped3A_173 : memref<!tpu.dma_semaphore, #tpu.memory_space<semaphore_mem>>) src(%arg20 : memref<40x128xf32, #tpu.memory_space<vmem>>) dst(%dma_wait3A_179 : memref<40x128xf32, #tpu.memory_space<vmem_shared>>)
        tpu.yield
      }) : () -> ()
      %mul3A_97 = arith.constant 1000 : i32
      %mul3A_98 = arith.muli %arg1, %mul3A_97 : i32
      %add3A_99 = arith.constant 240 : i32
      %add3A_100 = arith.addi %mul3A_98, %add3A_99 : i32
      "tpu.region"() ({
        %run_scoped3A_173 = tpu.sem_alloc : memref<!tpu.dma_semaphore, #tpu.memory_space<semaphore_mem>>
        %dma_start3A = arith.constant 0 : i32
        %dma_start3A_174 = tpu.memref_slice %arg22[%add3A_100, %dma_start3A] : memref<10000x128xf32, #tpu.memory_space<vmem_shared>> -> memref<40x128xf32, #tpu.memory_space<vmem_shared>>
        %dma_start3A_175 = arith.constant 0 : i32
        %dma_start3A_176 = tpu.memref_slice %arg22[%add3A_100, %dma_start3A_175] : memref<10000x128xf32, #tpu.memory_space<vmem_shared>> -> memref<40x128xf32, #tpu.memory_space<vmem_shared>>
        tpu.enqueue_dma source(%arg20 : memref<40x128xf32, #tpu.memory_space<vmem>>) target(%dma_start3A_176 : memref<40x128xf32, #tpu.memory_space<vmem_shared>>) target_semaphore(%run_scoped3A_173 : memref<!tpu.dma_semaphore, #tpu.memory_space<semaphore_mem>>)
        %dma_wait3A = arith.constant 0 : i32
        %dma_wait3A_177 = tpu.memref_slice %arg22[%add3A_100, %dma_wait3A] : memref<10000x128xf32, #tpu.memory_space<vmem_shared>> -> memref<40x128xf32, #tpu.memory_space<vmem_shared>>
        %dma_wait3A_178 = arith.constant 0 : i32
        %dma_wait3A_179 = tpu.memref_slice %arg22[%add3A_100, %dma_wait3A_178] : memref<10000x128xf32, #tpu.memory_space<vmem_shared>> -> memref<40x128xf32, #tpu.memory_space<vmem_shared>>
        tpu.wait_dma2 semaphore(%run_scoped3A_173 : memref<!tpu.dma_semaphore, #tpu.memory_space<semaphore_mem>>) src(%arg20 : memref<40x128xf32, #tpu.memory_space<vmem>>) dst(%dma_wait3A_179 : memref<40x128xf32, #tpu.memory_space<vmem_shared>>)
        tpu.yield
      }) : () -> ()
      %mul3A_101 = arith.constant 1000 : i32
      %mul3A_102 = arith.muli %arg1, %mul3A_101 : i32
      %add3A_103 = arith.constant 280 : i32
      %add3A_104 = arith.addi %mul3A_102, %add3A_103 : i32
      "tpu.region"() ({
        %run_scoped3A_173 = tpu.sem_alloc : memref<!tpu.dma_semaphore, #tpu.memory_space<semaphore_mem>>
        %dma_start3A = arith.constant 0 : i32
        %dma_start3A_174 = tpu.memref_slice %arg22[%add3A_104, %dma_start3A] : memref<10000x128xf32, #tpu.memory_space<vmem_shared>> -> memref<40x128xf32, #tpu.memory_space<vmem_shared>>
        %dma_start3A_175 = arith.constant 0 : i32
        %dma_start3A_176 = tpu.memref_slice %arg22[%add3A_104, %dma_start3A_175] : memref<10000x128xf32, #tpu.memory_space<vmem_shared>> -> memref<40x128xf32, #tpu.memory_space<vmem_shared>>
        tpu.enqueue_dma source(%arg20 : memref<40x128xf32, #tpu.memory_space<vmem>>) target(%dma_start3A_176 : memref<40x128xf32, #tpu.memory_space<vmem_shared>>) target_semaphore(%run_scoped3A_173 : memref<!tpu.dma_semaphore, #tpu.memory_space<semaphore_mem>>)
        %dma_wait3A = arith.constant 0 : i32
        %dma_wait3A_177 = tpu.memref_slice %arg22[%add3A_104, %dma_wait3A] : memref<10000x128xf32, #tpu.memory_space<vmem_shared>> -> memref<40x128xf32, #tpu.memory_space<vmem_shared>>
        %dma_wait3A_178 = arith.constant 0 : i32
        %dma_wait3A_179 = tpu.memref_slice %arg22[%add3A_104, %dma_wait3A_178] : memref<10000x128xf32, #tpu.memory_space<vmem_shared>> -> memref<40x128xf32, #tpu.memory_space<vmem_shared>>
        tpu.wait_dma2 semaphore(%run_scoped3A_173 : memref<!tpu.dma_semaphore, #tpu.memory_space<semaphore_mem>>) src(%arg20 : memref<40x128xf32, #tpu.memory_space<vmem>>) dst(%dma_wait3A_179 : memref<40x128xf32, #tpu.memory_space<vmem_shared>>)
        tpu.yield
      }) : () -> ()
      %mul3A_105 = arith.constant 1000 : i32
      %mul3A_106 = arith.muli %arg1, %mul3A_105 : i32
      %add3A_107 = arith.constant 320 : i32
      %add3A_108 = arith.addi %mul3A_106, %add3A_107 : i32
      "tpu.region"() ({
        %run_scoped3A_173 = tpu.sem_alloc : memref<!tpu.dma_semaphore, #tpu.memory_space<semaphore_mem>>
        %dma_start3A = arith.constant 0 : i32
        %dma_start3A_174 = tpu.memref_slice %arg22[%add3A_108, %dma_start3A] : memref<10000x128xf32, #tpu.memory_space<vmem_shared>> -> memref<40x128xf32, #tpu.memory_space<vmem_shared>>
        %dma_start3A_175 = arith.constant 0 : i32
        %dma_start3A_176 = tpu.memref_slice %arg22[%add3A_108, %dma_start3A_175] : memref<10000x128xf32, #tpu.memory_space<vmem_shared>> -> memref<40x128xf32, #tpu.memory_space<vmem_shared>>
        tpu.enqueue_dma source(%arg20 : memref<40x128xf32, #tpu.memory_space<vmem>>) target(%dma_start3A_176 : memref<40x128xf32, #tpu.memory_space<vmem_shared>>) target_semaphore(%run_scoped3A_173 : memref<!tpu.dma_semaphore, #tpu.memory_space<semaphore_mem>>)
        %dma_wait3A = arith.constant 0 : i32
        %dma_wait3A_177 = tpu.memref_slice %arg22[%add3A_108, %dma_wait3A] : memref<10000x128xf32, #tpu.memory_space<vmem_shared>> -> memref<40x128xf32, #tpu.memory_space<vmem_shared>>
        %dma_wait3A_178 = arith.constant 0 : i32
        %dma_wait3A_179 = tpu.memref_slice %arg22[%add3A_108, %dma_wait3A_178] : memref<10000x128xf32, #tpu.memory_space<vmem_shared>> -> memref<40x128xf32, #tpu.memory_space<vmem_shared>>
        tpu.wait_dma2 semaphore(%run_scoped3A_173 : memref<!tpu.dma_semaphore, #tpu.memory_space<semaphore_mem>>) src(%arg20 : memref<40x128xf32, #tpu.memory_space<vmem>>) dst(%dma_wait3A_179 : memref<40x128xf32, #tpu.memory_space<vmem_shared>>)
        tpu.yield
      }) : () -> ()
      %mul3A_109 = arith.constant 1000 : i32
      %mul3A_110 = arith.muli %arg1, %mul3A_109 : i32
      %add3A_111 = arith.constant 360 : i32
      %add3A_112 = arith.addi %mul3A_110, %add3A_111 : i32
      "tpu.region"() ({
        %run_scoped3A_173 = tpu.sem_alloc : memref<!tpu.dma_semaphore, #tpu.memory_space<semaphore_mem>>
        %dma_start3A = arith.constant 0 : i32
        %dma_start3A_174 = tpu.memref_slice %arg22[%add3A_112, %dma_start3A] : memref<10000x128xf32, #tpu.memory_space<vmem_shared>> -> memref<40x128xf32, #tpu.memory_space<vmem_shared>>
        %dma_start3A_175 = arith.constant 0 : i32
        %dma_start3A_176 = tpu.memref_slice %arg22[%add3A_112, %dma_start3A_175] : memref<10000x128xf32, #tpu.memory_space<vmem_shared>> -> memref<40x128xf32, #tpu.memory_space<vmem_shared>>
        tpu.enqueue_dma source(%arg20 : memref<40x128xf32, #tpu.memory_space<vmem>>) target(%dma_start3A_176 : memref<40x128xf32, #tpu.memory_space<vmem_shared>>) target_semaphore(%run_scoped3A_173 : memref<!tpu.dma_semaphore, #tpu.memory_space<semaphore_mem>>)
        %dma_wait3A = arith.constant 0 : i32
        %dma_wait3A_177 = tpu.memref_slice %arg22[%add3A_112, %dma_wait3A] : memref<10000x128xf32, #tpu.memory_space<vmem_shared>> -> memref<40x128xf32, #tpu.memory_space<vmem_shared>>
        %dma_wait3A_178 = arith.constant 0 : i32
        %dma_wait3A_179 = tpu.memref_slice %arg22[%add3A_112, %dma_wait3A_178] : memref<10000x128xf32, #tpu.memory_space<vmem_shared>> -> memref<40x128xf32, #tpu.memory_space<vmem_shared>>
        tpu.wait_dma2 semaphore(%run_scoped3A_173 : memref<!tpu.dma_semaphore, #tpu.memory_space<semaphore_mem>>) src(%arg20 : memref<40x128xf32, #tpu.memory_space<vmem>>) dst(%dma_wait3A_179 : memref<40x128xf32, #tpu.memory_space<vmem_shared>>)
        tpu.yield
      }) : () -> ()
      %mul3A_113 = arith.constant 1000 : i32
      %mul3A_114 = arith.muli %arg1, %mul3A_113 : i32
      %add3A_115 = arith.constant 400 : i32
      %add3A_116 = arith.addi %mul3A_114, %add3A_115 : i32
      "tpu.region"() ({
        %run_scoped3A_173 = tpu.sem_alloc : memref<!tpu.dma_semaphore, #tpu.memory_space<semaphore_mem>>
        %dma_start3A = arith.constant 0 : i32
        %dma_start3A_174 = tpu.memref_slice %arg22[%add3A_116, %dma_start3A] : memref<10000x128xf32, #tpu.memory_space<vmem_shared>> -> memref<40x128xf32, #tpu.memory_space<vmem_shared>>
        %dma_start3A_175 = arith.constant 0 : i32
        %dma_start3A_176 = tpu.memref_slice %arg22[%add3A_116, %dma_start3A_175] : memref<10000x128xf32, #tpu.memory_space<vmem_shared>> -> memref<40x128xf32, #tpu.memory_space<vmem_shared>>
        tpu.enqueue_dma source(%arg20 : memref<40x128xf32, #tpu.memory_space<vmem>>) target(%dma_start3A_176 : memref<40x128xf32, #tpu.memory_space<vmem_shared>>) target_semaphore(%run_scoped3A_173 : memref<!tpu.dma_semaphore, #tpu.memory_space<semaphore_mem>>)
        %dma_wait3A = arith.constant 0 : i32
        %dma_wait3A_177 = tpu.memref_slice %arg22[%add3A_116, %dma_wait3A] : memref<10000x128xf32, #tpu.memory_space<vmem_shared>> -> memref<40x128xf32, #tpu.memory_space<vmem_shared>>
        %dma_wait3A_178 = arith.constant 0 : i32
        %dma_wait3A_179 = tpu.memref_slice %arg22[%add3A_116, %dma_wait3A_178] : memref<10000x128xf32, #tpu.memory_space<vmem_shared>> -> memref<40x128xf32, #tpu.memory_space<vmem_shared>>
        tpu.wait_dma2 semaphore(%run_scoped3A_173 : memref<!tpu.dma_semaphore, #tpu.memory_space<semaphore_mem>>) src(%arg20 : memref<40x128xf32, #tpu.memory_space<vmem>>) dst(%dma_wait3A_179 : memref<40x128xf32, #tpu.memory_space<vmem_shared>>)
        tpu.yield
      }) : () -> ()
      %mul3A_117 = arith.constant 1000 : i32
      %mul3A_118 = arith.muli %arg1, %mul3A_117 : i32
      %add3A_119 = arith.constant 440 : i32
      %add3A_120 = arith.addi %mul3A_118, %add3A_119 : i32
      "tpu.region"() ({
        %run_scoped3A_173 = tpu.sem_alloc : memref<!tpu.dma_semaphore, #tpu.memory_space<semaphore_mem>>
        %dma_start3A = arith.constant 0 : i32
        %dma_start3A_174 = tpu.memref_slice %arg22[%add3A_120, %dma_start3A] : memref<10000x128xf32, #tpu.memory_space<vmem_shared>> -> memref<40x128xf32, #tpu.memory_space<vmem_shared>>
        %dma_start3A_175 = arith.constant 0 : i32
        %dma_start3A_176 = tpu.memref_slice %arg22[%add3A_120, %dma_start3A_175] : memref<10000x128xf32, #tpu.memory_space<vmem_shared>> -> memref<40x128xf32, #tpu.memory_space<vmem_shared>>
        tpu.enqueue_dma source(%arg20 : memref<40x128xf32, #tpu.memory_space<vmem>>) target(%dma_start3A_176 : memref<40x128xf32, #tpu.memory_space<vmem_shared>>) target_semaphore(%run_scoped3A_173 : memref<!tpu.dma_semaphore, #tpu.memory_space<semaphore_mem>>)
        %dma_wait3A = arith.constant 0 : i32
        %dma_wait3A_177 = tpu.memref_slice %arg22[%add3A_120, %dma_wait3A] : memref<10000x128xf32, #tpu.memory_space<vmem_shared>> -> memref<40x128xf32, #tpu.memory_space<vmem_shared>>
        %dma_wait3A_178 = arith.constant 0 : i32
        %dma_wait3A_179 = tpu.memref_slice %arg22[%add3A_120, %dma_wait3A_178] : memref<10000x128xf32, #tpu.memory_space<vmem_shared>> -> memref<40x128xf32, #tpu.memory_space<vmem_shared>>
        tpu.wait_dma2 semaphore(%run_scoped3A_173 : memref<!tpu.dma_semaphore, #tpu.memory_space<semaphore_mem>>) src(%arg20 : memref<40x128xf32, #tpu.memory_space<vmem>>) dst(%dma_wait3A_179 : memref<40x128xf32, #tpu.memory_space<vmem_shared>>)
        tpu.yield
      }) : () -> ()
      %mul3A_121 = arith.constant 1000 : i32
      %mul3A_122 = arith.muli %arg1, %mul3A_121 : i32
      %add3A_123 = arith.constant 480 : i32
      %add3A_124 = arith.addi %mul3A_122, %add3A_123 : i32
      "tpu.region"() ({
        %run_scoped3A_173 = tpu.sem_alloc : memref<!tpu.dma_semaphore, #tpu.memory_space<semaphore_mem>>
        %dma_start3A = arith.constant 0 : i32
        %dma_start3A_174 = tpu.memref_slice %arg22[%add3A_124, %dma_start3A] : memref<10000x128xf32, #tpu.memory_space<vmem_shared>> -> memref<40x128xf32, #tpu.memory_space<vmem_shared>>
        %dma_start3A_175 = arith.constant 0 : i32
        %dma_start3A_176 = tpu.memref_slice %arg22[%add3A_124, %dma_start3A_175] : memref<10000x128xf32, #tpu.memory_space<vmem_shared>> -> memref<40x128xf32, #tpu.memory_space<vmem_shared>>
        tpu.enqueue_dma source(%arg20 : memref<40x128xf32, #tpu.memory_space<vmem>>) target(%dma_start3A_176 : memref<40x128xf32, #tpu.memory_space<vmem_shared>>) target_semaphore(%run_scoped3A_173 : memref<!tpu.dma_semaphore, #tpu.memory_space<semaphore_mem>>)
        %dma_wait3A = arith.constant 0 : i32
        %dma_wait3A_177 = tpu.memref_slice %arg22[%add3A_124, %dma_wait3A] : memref<10000x128xf32, #tpu.memory_space<vmem_shared>> -> memref<40x128xf32, #tpu.memory_space<vmem_shared>>
        %dma_wait3A_178 = arith.constant 0 : i32
        %dma_wait3A_179 = tpu.memref_slice %arg22[%add3A_124, %dma_wait3A_178] : memref<10000x128xf32, #tpu.memory_space<vmem_shared>> -> memref<40x128xf32, #tpu.memory_space<vmem_shared>>
        tpu.wait_dma2 semaphore(%run_scoped3A_173 : memref<!tpu.dma_semaphore, #tpu.memory_space<semaphore_mem>>) src(%arg20 : memref<40x128xf32, #tpu.memory_space<vmem>>) dst(%dma_wait3A_179 : memref<40x128xf32, #tpu.memory_space<vmem_shared>>)
        tpu.yield
      }) : () -> ()
      %mul3A_125 = arith.constant 1000 : i32
      %mul3A_126 = arith.muli %arg1, %mul3A_125 : i32
      %add3A_127 = arith.constant 520 : i32
      %add3A_128 = arith.addi %mul3A_126, %add3A_127 : i32
      "tpu.region"() ({
        %run_scoped3A_173 = tpu.sem_alloc : memref<!tpu.dma_semaphore, #tpu.memory_space<semaphore_mem>>
        %dma_start3A = arith.constant 0 : i32
        %dma_start3A_174 = tpu.memref_slice %arg22[%add3A_128, %dma_start3A] : memref<10000x128xf32, #tpu.memory_space<vmem_shared>> -> memref<40x128xf32, #tpu.memory_space<vmem_shared>>
        %dma_start3A_175 = arith.constant 0 : i32
        %dma_start3A_176 = tpu.memref_slice %arg22[%add3A_128, %dma_start3A_175] : memref<10000x128xf32, #tpu.memory_space<vmem_shared>> -> memref<40x128xf32, #tpu.memory_space<vmem_shared>>
        tpu.enqueue_dma source(%arg20 : memref<40x128xf32, #tpu.memory_space<vmem>>) target(%dma_start3A_176 : memref<40x128xf32, #tpu.memory_space<vmem_shared>>) target_semaphore(%run_scoped3A_173 : memref<!tpu.dma_semaphore, #tpu.memory_space<semaphore_mem>>)
        %dma_wait3A = arith.constant 0 : i32
        %dma_wait3A_177 = tpu.memref_slice %arg22[%add3A_128, %dma_wait3A] : memref<10000x128xf32, #tpu.memory_space<vmem_shared>> -> memref<40x128xf32, #tpu.memory_space<vmem_shared>>
        %dma_wait3A_178 = arith.constant 0 : i32
        %dma_wait3A_179 = tpu.memref_slice %arg22[%add3A_128, %dma_wait3A_178] : memref<10000x128xf32, #tpu.memory_space<vmem_shared>> -> memref<40x128xf32, #tpu.memory_space<vmem_shared>>
        tpu.wait_dma2 semaphore(%run_scoped3A_173 : memref<!tpu.dma_semaphore, #tpu.memory_space<semaphore_mem>>) src(%arg20 : memref<40x128xf32, #tpu.memory_space<vmem>>) dst(%dma_wait3A_179 : memref<40x128xf32, #tpu.memory_space<vmem_shared>>)
        tpu.yield
      }) : () -> ()
      %mul3A_129 = arith.constant 1000 : i32
      %mul3A_130 = arith.muli %arg1, %mul3A_129 : i32
      %add3A_131 = arith.constant 560 : i32
      %add3A_132 = arith.addi %mul3A_130, %add3A_131 : i32
      "tpu.region"() ({
        %run_scoped3A_173 = tpu.sem_alloc : memref<!tpu.dma_semaphore, #tpu.memory_space<semaphore_mem>>
        %dma_start3A = arith.constant 0 : i32
        %dma_start3A_174 = tpu.memref_slice %arg22[%add3A_132, %dma_start3A] : memref<10000x128xf32, #tpu.memory_space<vmem_shared>> -> memref<40x128xf32, #tpu.memory_space<vmem_shared>>
        %dma_start3A_175 = arith.constant 0 : i32
        %dma_start3A_176 = tpu.memref_slice %arg22[%add3A_132, %dma_start3A_175] : memref<10000x128xf32, #tpu.memory_space<vmem_shared>> -> memref<40x128xf32, #tpu.memory_space<vmem_shared>>
        tpu.enqueue_dma source(%arg20 : memref<40x128xf32, #tpu.memory_space<vmem>>) target(%dma_start3A_176 : memref<40x128xf32, #tpu.memory_space<vmem_shared>>) target_semaphore(%run_scoped3A_173 : memref<!tpu.dma_semaphore, #tpu.memory_space<semaphore_mem>>)
        %dma_wait3A = arith.constant 0 : i32
        %dma_wait3A_177 = tpu.memref_slice %arg22[%add3A_132, %dma_wait3A] : memref<10000x128xf32, #tpu.memory_space<vmem_shared>> -> memref<40x128xf32, #tpu.memory_space<vmem_shared>>
        %dma_wait3A_178 = arith.constant 0 : i32
        %dma_wait3A_179 = tpu.memref_slice %arg22[%add3A_132, %dma_wait3A_178] : memref<10000x128xf32, #tpu.memory_space<vmem_shared>> -> memref<40x128xf32, #tpu.memory_space<vmem_shared>>
        tpu.wait_dma2 semaphore(%run_scoped3A_173 : memref<!tpu.dma_semaphore, #tpu.memory_space<semaphore_mem>>) src(%arg20 : memref<40x128xf32, #tpu.memory_space<vmem>>) dst(%dma_wait3A_179 : memref<40x128xf32, #tpu.memory_space<vmem_shared>>)
        tpu.yield
      }) : () -> ()
      %mul3A_133 = arith.constant 1000 : i32
      %mul3A_134 = arith.muli %arg1, %mul3A_133 : i32
      %add3A_135 = arith.constant 600 : i32
      %add3A_136 = arith.addi %mul3A_134, %add3A_135 : i32
      "tpu.region"() ({
        %run_scoped3A_173 = tpu.sem_alloc : memref<!tpu.dma_semaphore, #tpu.memory_space<semaphore_mem>>
        %dma_start3A = arith.constant 0 : i32
        %dma_start3A_174 = tpu.memref_slice %arg22[%add3A_136, %dma_start3A] : memref<10000x128xf32, #tpu.memory_space<vmem_shared>> -> memref<40x128xf32, #tpu.memory_space<vmem_shared>>
        %dma_start3A_175 = arith.constant 0 : i32
        %dma_start3A_176 = tpu.memref_slice %arg22[%add3A_136, %dma_start3A_175] : memref<10000x128xf32, #tpu.memory_space<vmem_shared>> -> memref<40x128xf32, #tpu.memory_space<vmem_shared>>
        tpu.enqueue_dma source(%arg20 : memref<40x128xf32, #tpu.memory_space<vmem>>) target(%dma_start3A_176 : memref<40x128xf32, #tpu.memory_space<vmem_shared>>) target_semaphore(%run_scoped3A_173 : memref<!tpu.dma_semaphore, #tpu.memory_space<semaphore_mem>>)
        %dma_wait3A = arith.constant 0 : i32
        %dma_wait3A_177 = tpu.memref_slice %arg22[%add3A_136, %dma_wait3A] : memref<10000x128xf32, #tpu.memory_space<vmem_shared>> -> memref<40x128xf32, #tpu.memory_space<vmem_shared>>
        %dma_wait3A_178 = arith.constant 0 : i32
        %dma_wait3A_179 = tpu.memref_slice %arg22[%add3A_136, %dma_wait3A_178] : memref<10000x128xf32, #tpu.memory_space<vmem_shared>> -> memref<40x128xf32, #tpu.memory_space<vmem_shared>>
        tpu.wait_dma2 semaphore(%run_scoped3A_173 : memref<!tpu.dma_semaphore, #tpu.memory_space<semaphore_mem>>) src(%arg20 : memref<40x128xf32, #tpu.memory_space<vmem>>) dst(%dma_wait3A_179 : memref<40x128xf32, #tpu.memory_space<vmem_shared>>)
        tpu.yield
      }) : () -> ()
      %mul3A_137 = arith.constant 1000 : i32
      %mul3A_138 = arith.muli %arg1, %mul3A_137 : i32
      %add3A_139 = arith.constant 640 : i32
      %add3A_140 = arith.addi %mul3A_138, %add3A_139 : i32
      "tpu.region"() ({
        %run_scoped3A_173 = tpu.sem_alloc : memref<!tpu.dma_semaphore, #tpu.memory_space<semaphore_mem>>
        %dma_start3A = arith.constant 0 : i32
        %dma_start3A_174 = tpu.memref_slice %arg22[%add3A_140, %dma_start3A] : memref<10000x128xf32, #tpu.memory_space<vmem_shared>> -> memref<40x128xf32, #tpu.memory_space<vmem_shared>>
        %dma_start3A_175 = arith.constant 0 : i32
        %dma_start3A_176 = tpu.memref_slice %arg22[%add3A_140, %dma_start3A_175] : memref<10000x128xf32, #tpu.memory_space<vmem_shared>> -> memref<40x128xf32, #tpu.memory_space<vmem_shared>>
        tpu.enqueue_dma source(%arg20 : memref<40x128xf32, #tpu.memory_space<vmem>>) target(%dma_start3A_176 : memref<40x128xf32, #tpu.memory_space<vmem_shared>>) target_semaphore(%run_scoped3A_173 : memref<!tpu.dma_semaphore, #tpu.memory_space<semaphore_mem>>)
        %dma_wait3A = arith.constant 0 : i32
        %dma_wait3A_177 = tpu.memref_slice %arg22[%add3A_140, %dma_wait3A] : memref<10000x128xf32, #tpu.memory_space<vmem_shared>> -> memref<40x128xf32, #tpu.memory_space<vmem_shared>>
        %dma_wait3A_178 = arith.constant 0 : i32
        %dma_wait3A_179 = tpu.memref_slice %arg22[%add3A_140, %dma_wait3A_178] : memref<10000x128xf32, #tpu.memory_space<vmem_shared>> -> memref<40x128xf32, #tpu.memory_space<vmem_shared>>
        tpu.wait_dma2 semaphore(%run_scoped3A_173 : memref<!tpu.dma_semaphore, #tpu.memory_space<semaphore_mem>>) src(%arg20 : memref<40x128xf32, #tpu.memory_space<vmem>>) dst(%dma_wait3A_179 : memref<40x128xf32, #tpu.memory_space<vmem_shared>>)
        tpu.yield
      }) : () -> ()
      %mul3A_141 = arith.constant 1000 : i32
      %mul3A_142 = arith.muli %arg1, %mul3A_141 : i32
      %add3A_143 = arith.constant 680 : i32
      %add3A_144 = arith.addi %mul3A_142, %add3A_143 : i32
      "tpu.region"() ({
        %run_scoped3A_173 = tpu.sem_alloc : memref<!tpu.dma_semaphore, #tpu.memory_space<semaphore_mem>>
        %dma_start3A = arith.constant 0 : i32
        %dma_start3A_174 = tpu.memref_slice %arg22[%add3A_144, %dma_start3A] : memref<10000x128xf32, #tpu.memory_space<vmem_shared>> -> memref<40x128xf32, #tpu.memory_space<vmem_shared>>
        %dma_start3A_175 = arith.constant 0 : i32
        %dma_start3A_176 = tpu.memref_slice %arg22[%add3A_144, %dma_start3A_175] : memref<10000x128xf32, #tpu.memory_space<vmem_shared>> -> memref<40x128xf32, #tpu.memory_space<vmem_shared>>
        tpu.enqueue_dma source(%arg20 : memref<40x128xf32, #tpu.memory_space<vmem>>) target(%dma_start3A_176 : memref<40x128xf32, #tpu.memory_space<vmem_shared>>) target_semaphore(%run_scoped3A_173 : memref<!tpu.dma_semaphore, #tpu.memory_space<semaphore_mem>>)
        %dma_wait3A = arith.constant 0 : i32
        %dma_wait3A_177 = tpu.memref_slice %arg22[%add3A_144, %dma_wait3A] : memref<10000x128xf32, #tpu.memory_space<vmem_shared>> -> memref<40x128xf32, #tpu.memory_space<vmem_shared>>
        %dma_wait3A_178 = arith.constant 0 : i32
        %dma_wait3A_179 = tpu.memref_slice %arg22[%add3A_144, %dma_wait3A_178] : memref<10000x128xf32, #tpu.memory_space<vmem_shared>> -> memref<40x128xf32, #tpu.memory_space<vmem_shared>>
        tpu.wait_dma2 semaphore(%run_scoped3A_173 : memref<!tpu.dma_semaphore, #tpu.memory_space<semaphore_mem>>) src(%arg20 : memref<40x128xf32, #tpu.memory_space<vmem>>) dst(%dma_wait3A_179 : memref<40x128xf32, #tpu.memory_space<vmem_shared>>)
        tpu.yield
      }) : () -> ()
      %mul3A_145 = arith.constant 1000 : i32
      %mul3A_146 = arith.muli %arg1, %mul3A_145 : i32
      %add3A_147 = arith.constant 720 : i32
      %add3A_148 = arith.addi %mul3A_146, %add3A_147 : i32
      "tpu.region"() ({
        %run_scoped3A_173 = tpu.sem_alloc : memref<!tpu.dma_semaphore, #tpu.memory_space<semaphore_mem>>
        %dma_start3A = arith.constant 0 : i32
        %dma_start3A_174 = tpu.memref_slice %arg22[%add3A_148, %dma_start3A] : memref<10000x128xf32, #tpu.memory_space<vmem_shared>> -> memref<40x128xf32, #tpu.memory_space<vmem_shared>>
        %dma_start3A_175 = arith.constant 0 : i32
        %dma_start3A_176 = tpu.memref_slice %arg22[%add3A_148, %dma_start3A_175] : memref<10000x128xf32, #tpu.memory_space<vmem_shared>> -> memref<40x128xf32, #tpu.memory_space<vmem_shared>>
        tpu.enqueue_dma source(%arg20 : memref<40x128xf32, #tpu.memory_space<vmem>>) target(%dma_start3A_176 : memref<40x128xf32, #tpu.memory_space<vmem_shared>>) target_semaphore(%run_scoped3A_173 : memref<!tpu.dma_semaphore, #tpu.memory_space<semaphore_mem>>)
        %dma_wait3A = arith.constant 0 : i32
        %dma_wait3A_177 = tpu.memref_slice %arg22[%add3A_148, %dma_wait3A] : memref<10000x128xf32, #tpu.memory_space<vmem_shared>> -> memref<40x128xf32, #tpu.memory_space<vmem_shared>>
        %dma_wait3A_178 = arith.constant 0 : i32
        %dma_wait3A_179 = tpu.memref_slice %arg22[%add3A_148, %dma_wait3A_178] : memref<10000x128xf32, #tpu.memory_space<vmem_shared>> -> memref<40x128xf32, #tpu.memory_space<vmem_shared>>
        tpu.wait_dma2 semaphore(%run_scoped3A_173 : memref<!tpu.dma_semaphore, #tpu.memory_space<semaphore_mem>>) src(%arg20 : memref<40x128xf32, #tpu.memory_space<vmem>>) dst(%dma_wait3A_179 : memref<40x128xf32, #tpu.memory_space<vmem_shared>>)
        tpu.yield
      }) : () -> ()
      %mul3A_149 = arith.constant 1000 : i32
      %mul3A_150 = arith.muli %arg1, %mul3A_149 : i32
      %add3A_151 = arith.constant 760 : i32
      %add3A_152 = arith.addi %mul3A_150, %add3A_151 : i32
      "tpu.region"() ({
        %run_scoped3A_173 = tpu.sem_alloc : memref<!tpu.dma_semaphore, #tpu.memory_space<semaphore_mem>>
        %dma_start3A = arith.constant 0 : i32
        %dma_start3A_174 = tpu.memref_slice %arg22[%add3A_152, %dma_start3A] : memref<10000x128xf32, #tpu.memory_space<vmem_shared>> -> memref<40x128xf32, #tpu.memory_space<vmem_shared>>
        %dma_start3A_175 = arith.constant 0 : i32
        %dma_start3A_176 = tpu.memref_slice %arg22[%add3A_152, %dma_start3A_175] : memref<10000x128xf32, #tpu.memory_space<vmem_shared>> -> memref<40x128xf32, #tpu.memory_space<vmem_shared>>
        tpu.enqueue_dma source(%arg20 : memref<40x128xf32, #tpu.memory_space<vmem>>) target(%dma_start3A_176 : memref<40x128xf32, #tpu.memory_space<vmem_shared>>) target_semaphore(%run_scoped3A_173 : memref<!tpu.dma_semaphore, #tpu.memory_space<semaphore_mem>>)
        %dma_wait3A = arith.constant 0 : i32
        %dma_wait3A_177 = tpu.memref_slice %arg22[%add3A_152, %dma_wait3A] : memref<10000x128xf32, #tpu.memory_space<vmem_shared>> -> memref<40x128xf32, #tpu.memory_space<vmem_shared>>
        %dma_wait3A_178 = arith.constant 0 : i32
        %dma_wait3A_179 = tpu.memref_slice %arg22[%add3A_152, %dma_wait3A_178] : memref<10000x128xf32, #tpu.memory_space<vmem_shared>> -> memref<40x128xf32, #tpu.memory_space<vmem_shared>>
        tpu.wait_dma2 semaphore(%run_scoped3A_173 : memref<!tpu.dma_semaphore, #tpu.memory_space<semaphore_mem>>) src(%arg20 : memref<40x128xf32, #tpu.memory_space<vmem>>) dst(%dma_wait3A_179 : memref<40x128xf32, #tpu.memory_space<vmem_shared>>)
        tpu.yield
      }) : () -> ()
      %mul3A_153 = arith.constant 1000 : i32
      %mul3A_154 = arith.muli %arg1, %mul3A_153 : i32
      %add3A_155 = arith.constant 800 : i32
      %add3A_156 = arith.addi %mul3A_154, %add3A_155 : i32
      "tpu.region"() ({
        %run_scoped3A_173 = tpu.sem_alloc : memref<!tpu.dma_semaphore, #tpu.memory_space<semaphore_mem>>
        %dma_start3A = arith.constant 0 : i32
        %dma_start3A_174 = tpu.memref_slice %arg22[%add3A_156, %dma_start3A] : memref<10000x128xf32, #tpu.memory_space<vmem_shared>> -> memref<40x128xf32, #tpu.memory_space<vmem_shared>>
        %dma_start3A_175 = arith.constant 0 : i32
        %dma_start3A_176 = tpu.memref_slice %arg22[%add3A_156, %dma_start3A_175] : memref<10000x128xf32, #tpu.memory_space<vmem_shared>> -> memref<40x128xf32, #tpu.memory_space<vmem_shared>>
        tpu.enqueue_dma source(%arg20 : memref<40x128xf32, #tpu.memory_space<vmem>>) target(%dma_start3A_176 : memref<40x128xf32, #tpu.memory_space<vmem_shared>>) target_semaphore(%run_scoped3A_173 : memref<!tpu.dma_semaphore, #tpu.memory_space<semaphore_mem>>)
        %dma_wait3A = arith.constant 0 : i32
        %dma_wait3A_177 = tpu.memref_slice %arg22[%add3A_156, %dma_wait3A] : memref<10000x128xf32, #tpu.memory_space<vmem_shared>> -> memref<40x128xf32, #tpu.memory_space<vmem_shared>>
        %dma_wait3A_178 = arith.constant 0 : i32
        %dma_wait3A_179 = tpu.memref_slice %arg22[%add3A_156, %dma_wait3A_178] : memref<10000x128xf32, #tpu.memory_space<vmem_shared>> -> memref<40x128xf32, #tpu.memory_space<vmem_shared>>
        tpu.wait_dma2 semaphore(%run_scoped3A_173 : memref<!tpu.dma_semaphore, #tpu.memory_space<semaphore_mem>>) src(%arg20 : memref<40x128xf32, #tpu.memory_space<vmem>>) dst(%dma_wait3A_179 : memref<40x128xf32, #tpu.memory_space<vmem_shared>>)
        tpu.yield
      }) : () -> ()
      %mul3A_157 = arith.constant 1000 : i32
      %mul3A_158 = arith.muli %arg1, %mul3A_157 : i32
      %add3A_159 = arith.constant 840 : i32
      %add3A_160 = arith.addi %mul3A_158, %add3A_159 : i32
      "tpu.region"() ({
        %run_scoped3A_173 = tpu.sem_alloc : memref<!tpu.dma_semaphore, #tpu.memory_space<semaphore_mem>>
        %dma_start3A = arith.constant 0 : i32
        %dma_start3A_174 = tpu.memref_slice %arg22[%add3A_160, %dma_start3A] : memref<10000x128xf32, #tpu.memory_space<vmem_shared>> -> memref<40x128xf32, #tpu.memory_space<vmem_shared>>
        %dma_start3A_175 = arith.constant 0 : i32
        %dma_start3A_176 = tpu.memref_slice %arg22[%add3A_160, %dma_start3A_175] : memref<10000x128xf32, #tpu.memory_space<vmem_shared>> -> memref<40x128xf32, #tpu.memory_space<vmem_shared>>
        tpu.enqueue_dma source(%arg20 : memref<40x128xf32, #tpu.memory_space<vmem>>) target(%dma_start3A_176 : memref<40x128xf32, #tpu.memory_space<vmem_shared>>) target_semaphore(%run_scoped3A_173 : memref<!tpu.dma_semaphore, #tpu.memory_space<semaphore_mem>>)
        %dma_wait3A = arith.constant 0 : i32
        %dma_wait3A_177 = tpu.memref_slice %arg22[%add3A_160, %dma_wait3A] : memref<10000x128xf32, #tpu.memory_space<vmem_shared>> -> memref<40x128xf32, #tpu.memory_space<vmem_shared>>
        %dma_wait3A_178 = arith.constant 0 : i32
        %dma_wait3A_179 = tpu.memref_slice %arg22[%add3A_160, %dma_wait3A_178] : memref<10000x128xf32, #tpu.memory_space<vmem_shared>> -> memref<40x128xf32, #tpu.memory_space<vmem_shared>>
        tpu.wait_dma2 semaphore(%run_scoped3A_173 : memref<!tpu.dma_semaphore, #tpu.memory_space<semaphore_mem>>) src(%arg20 : memref<40x128xf32, #tpu.memory_space<vmem>>) dst(%dma_wait3A_179 : memref<40x128xf32, #tpu.memory_space<vmem_shared>>)
        tpu.yield
      }) : () -> ()
      %mul3A_161 = arith.constant 1000 : i32
      %mul3A_162 = arith.muli %arg1, %mul3A_161 : i32
      %add3A_163 = arith.constant 880 : i32
      %add3A_164 = arith.addi %mul3A_162, %add3A_163 : i32
      "tpu.region"() ({
        %run_scoped3A_173 = tpu.sem_alloc : memref<!tpu.dma_semaphore, #tpu.memory_space<semaphore_mem>>
        %dma_start3A = arith.constant 0 : i32
        %dma_start3A_174 = tpu.memref_slice %arg22[%add3A_164, %dma_start3A] : memref<10000x128xf32, #tpu.memory_space<vmem_shared>> -> memref<40x128xf32, #tpu.memory_space<vmem_shared>>
        %dma_start3A_175 = arith.constant 0 : i32
        %dma_start3A_176 = tpu.memref_slice %arg22[%add3A_164, %dma_start3A_175] : memref<10000x128xf32, #tpu.memory_space<vmem_shared>> -> memref<40x128xf32, #tpu.memory_space<vmem_shared>>
        tpu.enqueue_dma source(%arg20 : memref<40x128xf32, #tpu.memory_space<vmem>>) target(%dma_start3A_176 : memref<40x128xf32, #tpu.memory_space<vmem_shared>>) target_semaphore(%run_scoped3A_173 : memref<!tpu.dma_semaphore, #tpu.memory_space<semaphore_mem>>)
        %dma_wait3A = arith.constant 0 : i32
        %dma_wait3A_177 = tpu.memref_slice %arg22[%add3A_164, %dma_wait3A] : memref<10000x128xf32, #tpu.memory_space<vmem_shared>> -> memref<40x128xf32, #tpu.memory_space<vmem_shared>>
        %dma_wait3A_178 = arith.constant 0 : i32
        %dma_wait3A_179 = tpu.memref_slice %arg22[%add3A_164, %dma_wait3A_178] : memref<10000x128xf32, #tpu.memory_space<vmem_shared>> -> memref<40x128xf32, #tpu.memory_space<vmem_shared>>
        tpu.wait_dma2 semaphore(%run_scoped3A_173 : memref<!tpu.dma_semaphore, #tpu.memory_space<semaphore_mem>>) src(%arg20 : memref<40x128xf32, #tpu.memory_space<vmem>>) dst(%dma_wait3A_179 : memref<40x128xf32, #tpu.memory_space<vmem_shared>>)
        tpu.yield
      }) : () -> ()
      %mul3A_165 = arith.constant 1000 : i32
      %mul3A_166 = arith.muli %arg1, %mul3A_165 : i32
      %add3A_167 = arith.constant 920 : i32
      %add3A_168 = arith.addi %mul3A_166, %add3A_167 : i32
      "tpu.region"() ({
        %run_scoped3A_173 = tpu.sem_alloc : memref<!tpu.dma_semaphore, #tpu.memory_space<semaphore_mem>>
        %dma_start3A = arith.constant 0 : i32
        %dma_start3A_174 = tpu.memref_slice %arg22[%add3A_168, %dma_start3A] : memref<10000x128xf32, #tpu.memory_space<vmem_shared>> -> memref<40x128xf32, #tpu.memory_space<vmem_shared>>
        %dma_start3A_175 = arith.constant 0 : i32
        %dma_start3A_176 = tpu.memref_slice %arg22[%add3A_168, %dma_start3A_175] : memref<10000x128xf32, #tpu.memory_space<vmem_shared>> -> memref<40x128xf32, #tpu.memory_space<vmem_shared>>
        tpu.enqueue_dma source(%arg20 : memref<40x128xf32, #tpu.memory_space<vmem>>) target(%dma_start3A_176 : memref<40x128xf32, #tpu.memory_space<vmem_shared>>) target_semaphore(%run_scoped3A_173 : memref<!tpu.dma_semaphore, #tpu.memory_space<semaphore_mem>>)
        %dma_wait3A = arith.constant 0 : i32
        %dma_wait3A_177 = tpu.memref_slice %arg22[%add3A_168, %dma_wait3A] : memref<10000x128xf32, #tpu.memory_space<vmem_shared>> -> memref<40x128xf32, #tpu.memory_space<vmem_shared>>
        %dma_wait3A_178 = arith.constant 0 : i32
        %dma_wait3A_179 = tpu.memref_slice %arg22[%add3A_168, %dma_wait3A_178] : memref<10000x128xf32, #tpu.memory_space<vmem_shared>> -> memref<40x128xf32, #tpu.memory_space<vmem_shared>>
        tpu.wait_dma2 semaphore(%run_scoped3A_173 : memref<!tpu.dma_semaphore, #tpu.memory_space<semaphore_mem>>) src(%arg20 : memref<40x128xf32, #tpu.memory_space<vmem>>) dst(%dma_wait3A_179 : memref<40x128xf32, #tpu.memory_space<vmem_shared>>)
        tpu.yield
      }) : () -> ()
      %mul3A_169 = arith.constant 1000 : i32
      %mul3A_170 = arith.muli %arg1, %mul3A_169 : i32
      %add3A_171 = arith.constant 960 : i32
      %add3A_172 = arith.addi %mul3A_170, %add3A_171 : i32
      "tpu.region"() ({
        %run_scoped3A_173 = tpu.sem_alloc : memref<!tpu.dma_semaphore, #tpu.memory_space<semaphore_mem>>
        %dma_start3A = arith.constant 0 : i32
        %dma_start3A_174 = tpu.memref_slice %arg22[%add3A_172, %dma_start3A] : memref<10000x128xf32, #tpu.memory_space<vmem_shared>> -> memref<40x128xf32, #tpu.memory_space<vmem_shared>>
        %dma_start3A_175 = arith.constant 0 : i32
        %dma_start3A_176 = tpu.memref_slice %arg22[%add3A_172, %dma_start3A_175] : memref<10000x128xf32, #tpu.memory_space<vmem_shared>> -> memref<40x128xf32, #tpu.memory_space<vmem_shared>>
        tpu.enqueue_dma source(%arg20 : memref<40x128xf32, #tpu.memory_space<vmem>>) target(%dma_start3A_176 : memref<40x128xf32, #tpu.memory_space<vmem_shared>>) target_semaphore(%run_scoped3A_173 : memref<!tpu.dma_semaphore, #tpu.memory_space<semaphore_mem>>)
        %dma_wait3A = arith.constant 0 : i32
        %dma_wait3A_177 = tpu.memref_slice %arg22[%add3A_172, %dma_wait3A] : memref<10000x128xf32, #tpu.memory_space<vmem_shared>> -> memref<40x128xf32, #tpu.memory_space<vmem_shared>>
        %dma_wait3A_178 = arith.constant 0 : i32
        %dma_wait3A_179 = tpu.memref_slice %arg22[%add3A_172, %dma_wait3A_178] : memref<10000x128xf32, #tpu.memory_space<vmem_shared>> -> memref<40x128xf32, #tpu.memory_space<vmem_shared>>
        tpu.wait_dma2 semaphore(%run_scoped3A_173 : memref<!tpu.dma_semaphore, #tpu.memory_space<semaphore_mem>>) src(%arg20 : memref<40x128xf32, #tpu.memory_space<vmem>>) dst(%dma_wait3A_179 : memref<40x128xf32, #tpu.memory_space<vmem_shared>>)
        tpu.yield
      }) : () -> ()
    } else {
    }
    %barrier3A = arith.constant 0 : index
    tpu.barrier barrier_id(%barrier3A)
    %mul3A = arith.constant 20000 : i32
    %mul3A_8 = arith.muli %arg1, %mul3A : i32
    %mul3A_9 = arith.constant 10000 : i32
    %mul3A_10 = arith.muli %arg0, %mul3A_9 : i32
    %mul3A_11 = arith.constant 64 : i32
    %mul3A_12 = arith.muli %arg0, %mul3A_11 : i32
    %broadcast_in_dim3A = arith.constant 0.000000e+00 : f32
    %broadcast_in_dim3A_13 = vector.broadcast %broadcast_in_dim3A : f32 to vector<16xf32>
    %scan3A_14 = arith.constant 0 : i32
    %scan3A_15 = arith.constant 10 : i32
    %scan3A_16 = arith.addi %scan3A_14, %scan3A_15 : i32
    %scan3A_17 = arith.constant 1 : i32
    %scan3A_18:8 = scf.for %scan3A_74 = %scan3A_14 to %scan3A_16 step %scan3A_17 iter_args(%scan3A_75 = %broadcast_in_dim3A_13, %scan3A_76 = %broadcast_in_dim3A_13, %scan3A_77 = %broadcast_in_dim3A_13, %scan3A_78 = %broadcast_in_dim3A_13, %scan3A_79 = %broadcast_in_dim3A_13, %scan3A_80 = %broadcast_in_dim3A_13, %scan3A_81 = %broadcast_in_dim3A_13, %scan3A_82 = %broadcast_in_dim3A_13) -> (vector<16xf32>, vector<16xf32>, vector<16xf32>, vector<16xf32>, vector<16xf32>, vector<16xf32>, vector<16xf32>, vector<16xf32>)  : i32 {
      %mul3A_83 = arith.constant 2000 : i32
      %mul3A_84 = arith.muli %scan3A_74, %mul3A_83 : i32
      %add3A = arith.addi %mul3A_8, %mul3A_84 : i32
      "tpu.region"() ({
        %run_scoped3A_132 = tpu.sem_alloc : memref<!tpu.dma_semaphore, #tpu.memory_space<semaphore_mem>>
        %dma_start3A_133 = tpu.memref_slice %arg2[%add3A] : memref<320000xi32, #tpu.memory_space<hbm>> -> memref<2000xi32, #tpu.memory_space<hbm>>
        %dma_start3A_134 = tpu.memref_slice %arg2[%add3A] : memref<320000xi32, #tpu.memory_space<hbm>> -> memref<2000xi32, #tpu.memory_space<hbm>>
        tpu.enqueue_dma source(%dma_start3A_134 : memref<2000xi32, #tpu.memory_space<hbm>>) target(%arg11 : memref<2000xi32, #tpu.memory_space<vmem>>) target_semaphore(%run_scoped3A_132 : memref<!tpu.dma_semaphore, #tpu.memory_space<semaphore_mem>>)
        %dma_wait3A_135 = tpu.memref_slice %arg2[%add3A] : memref<320000xi32, #tpu.memory_space<hbm>> -> memref<2000xi32, #tpu.memory_space<hbm>>
        %dma_wait3A_136 = tpu.memref_slice %arg2[%add3A] : memref<320000xi32, #tpu.memory_space<hbm>> -> memref<2000xi32, #tpu.memory_space<hbm>>
        tpu.wait_dma2 semaphore(%run_scoped3A_132 : memref<!tpu.dma_semaphore, #tpu.memory_space<semaphore_mem>>) src(%dma_wait3A_136 : memref<2000xi32, #tpu.memory_space<hbm>>) dst(%arg11 : memref<2000xi32, #tpu.memory_space<vmem>>)
        tpu.yield
      }) : () -> ()
      "tpu.region"() ({
        %run_scoped3A_132 = tpu.sem_alloc : memref<!tpu.dma_semaphore, #tpu.memory_space<semaphore_mem>>
        %dma_start3A_133 = tpu.memref_slice %arg3[%add3A] : memref<320000xi32, #tpu.memory_space<hbm>> -> memref<2000xi32, #tpu.memory_space<hbm>>
        %dma_start3A_134 = tpu.memref_slice %arg3[%add3A] : memref<320000xi32, #tpu.memory_space<hbm>> -> memref<2000xi32, #tpu.memory_space<hbm>>
        tpu.enqueue_dma source(%dma_start3A_134 : memref<2000xi32, #tpu.memory_space<hbm>>) target(%arg12 : memref<2000xi32, #tpu.memory_space<vmem>>) target_semaphore(%run_scoped3A_132 : memref<!tpu.dma_semaphore, #tpu.memory_space<semaphore_mem>>)
        %dma_wait3A_135 = tpu.memref_slice %arg3[%add3A] : memref<320000xi32, #tpu.memory_space<hbm>> -> memref<2000xi32, #tpu.memory_space<hbm>>
        %dma_wait3A_136 = tpu.memref_slice %arg3[%add3A] : memref<320000xi32, #tpu.memory_space<hbm>> -> memref<2000xi32, #tpu.memory_space<hbm>>
        tpu.wait_dma2 semaphore(%run_scoped3A_132 : memref<!tpu.dma_semaphore, #tpu.memory_space<semaphore_mem>>) src(%dma_wait3A_136 : memref<2000xi32, #tpu.memory_space<hbm>>) dst(%arg12 : memref<2000xi32, #tpu.memory_space<vmem>>)
        tpu.yield
      }) : () -> ()
      %scan3A_85 = arith.constant 0 : i32
      %scan3A_86 = arith.constant 0 : i32
      %scan3A_87 = arith.constant 125 : i32
      %scan3A_88 = arith.addi %scan3A_86, %scan3A_87 : i32
      %scan3A_89 = arith.constant 1 : i32
      %scan3A_90 = scf.for %scan3A_132 = %scan3A_86 to %scan3A_88 step %scan3A_89 iter_args(%scan3A_133 = %scan3A_85) -> (i32)  : i32 {
        %mul3A_134 = arith.constant 16 : i32
        %mul3A_135 = arith.muli %scan3A_132, %mul3A_134 : i32
        %get3A = arith.index_cast %mul3A_135 : i32 to index
        %get3A_136 = tpu.vector_load %arg11[%get3A] {strides = array<i32>} : memref<2000xi32, #tpu.memory_space<vmem>>, vector<16xi32>,
        %get3A_137 = vector.shape_cast %get3A_136 : vector<16xi32> to vector<16xi32>
        %add3A_138 = vector.broadcast %mul3A_10 : i32 to vector<16xi32>
        %add3A_139 = arith.addi %get3A_137, %add3A_138 : vector<16xi32>
        %mul3A_140 = arith.constant 16 : i32
        %mul3A_141 = arith.muli %scan3A_132, %mul3A_140 : i32
        %swap3A_142 = arith.index_cast %mul3A_141 : i32 to index
        %swap3A_143 = tpu.vector_load %arg11[%swap3A_142] {strides = array<i32>} : memref<2000xi32, #tpu.memory_space<vmem>>, vector<16xi32>,
        %swap3A_144 = vector.shape_cast %swap3A_143 : vector<16xi32> to vector<16xi32>
        %swap3A_145 = vector.shape_cast %add3A_139 : vector<16xi32> to vector<16xi32>
        tpu.vector_store %arg11[%swap3A_142], %swap3A_145 {strides = array<i32>} : memref<2000xi32, #tpu.memory_space<vmem>>, vector<16xi32>,
        %scan3A_146 = arith.constant 0 : i32
        scf.yield %scan3A_146 : i32
      }
      %scan3A_91 = arith.constant 125 : i32
      %add3A_92 = arith.constant 0 : i32
      %add3A_93 = arith.addi %add3A, %add3A_92 : i32
      %dma_start3A = arith.constant 0 : i32
      %dma_start3A_94 = tpu.memref_slice %arg11[%dma_start3A] : memref<2000xi32, #tpu.memory_space<vmem>> -> memref<40xi32, #tpu.memory_space<vmem>>
      %dma_start3A_95 = arith.constant 0 : i32
      %dma_start3A_96 = arith.constant 0 : i32
      %dma_start3A_97 = tpu.memref_slice %arg4[%dma_start3A_95, %dma_start3A_96] : memref<20000x128xf32, #tpu.memory_space<hbm>> -> memref<20000x128xf32, #tpu.memory_space<hbm>>
      tpu.enqueue_indirect_dma source(%dma_start3A_97 : memref<20000x128xf32, #tpu.memory_space<hbm>>) target(%arg14 : memref<40x128xf32, #tpu.memory_space<vmem>>) offsets(%dma_start3A_94 : memref<40xi32, #tpu.memory_space<vmem>>) semaphore(%arg23 : memref<!tpu.dma_semaphore, #tpu.memory_space<semaphore_mem>>)
      %dma_start3A_98 = arith.constant 0 : i32
      %dma_start3A_99 = tpu.memref_slice %arg12[%dma_start3A_98] : memref<2000xi32, #tpu.memory_space<vmem>> -> memref<40xi32, #tpu.memory_space<vmem>>
      %dma_start3A_100 = arith.constant 0 : i32
      %dma_start3A_101 = arith.constant 0 : i32
      %dma_start3A_102 = tpu.memref_slice %arg5[%dma_start3A_100, %dma_start3A_101] : memref<10000x128xf32, #tpu.memory_space<hbm>> -> memref<10000x128xf32, #tpu.memory_space<hbm>>
      tpu.enqueue_indirect_dma source(%dma_start3A_102 : memref<10000x128xf32, #tpu.memory_space<hbm>>) target(%arg16 : memref<40x128xf32, #tpu.memory_space<vmem>>) offsets(%dma_start3A_99 : memref<40xi32, #tpu.memory_space<vmem>>) semaphore(%arg23 : memref<!tpu.dma_semaphore, #tpu.memory_space<semaphore_mem>>)
      %dma_start3A_103 = arith.constant 0 : i32
      %dma_start3A_104 = tpu.memref_slice %arg6[%arg0, %add3A_93, %dma_start3A_103] : memref<2x320000x64xf32, #tpu.memory_space<hbm>> -> memref<1x40x64xf32, #tpu.memory_space<hbm>>
      %dma_start3A_105 = tpu.memref_squeeze %dma_start3A_104 : memref<1x40x64xf32, #tpu.memory_space<hbm>> -> memref<40x64xf32, #tpu.memory_space<hbm>>
      %dma_start3A_106 = arith.constant 0 : i32
      %dma_start3A_107 = tpu.memref_slice %arg6[%arg0, %add3A_93, %dma_start3A_106] : memref<2x320000x64xf32, #tpu.memory_space<hbm>> -> memref<1x40x64xf32, #tpu.memory_space<hbm>>
      %dma_start3A_108 = tpu.memref_squeeze %dma_start3A_107 : memref<1x40x64xf32, #tpu.memory_space<hbm>> -> memref<40x64xf32, #tpu.memory_space<hbm>>
      tpu.enqueue_dma source(%dma_start3A_108 : memref<40x64xf32, #tpu.memory_space<hbm>>) target(%arg18 : memref<40x64xf32, #tpu.memory_space<vmem>>) target_semaphore(%arg23 : memref<!tpu.dma_semaphore, #tpu.memory_space<semaphore_mem>>)
      %scan3A_109 = arith.constant 0 : i32
      %scan3A_110 = arith.constant 25 : i32
      %scan3A_111 = arith.addi %scan3A_109, %scan3A_110 : i32
      %scan3A_112 = arith.constant 1 : i32
      %scan3A_113:8 = scf.for %scan3A_132 = %scan3A_109 to %scan3A_111 step %scan3A_112 iter_args(%scan3A_133 = %scan3A_75, %scan3A_134 = %scan3A_76, %scan3A_135 = %scan3A_77, %scan3A_136 = %scan3A_78, %scan3A_137 = %scan3A_79, %scan3A_138 = %scan3A_80, %scan3A_139 = %scan3A_81, %scan3A_140 = %scan3A_82) -> (vector<16xf32>, vector<16xf32>, vector<16xf32>, vector<16xf32>, vector<16xf32>, vector<16xf32>, vector<16xf32>, vector<16xf32>)  : i32 {
        %mul3A_141 = arith.constant 2 : i32
        %mul3A_142 = arith.muli %mul3A_141, %scan3A_132 : i32
        %add3A_143 = arith.constant 1 : i32
        %add3A_144 = arith.addi %mul3A_142, %add3A_143 : i32
        %min3A = arith.constant 49 : i32
        %min3A_145 = arith.minsi %add3A_144, %min3A : i32
        %mul3A_146 = arith.constant 40 : i32
        %mul3A_147 = arith.muli %min3A_145, %mul3A_146 : i32
        %add3A_148 = arith.addi %add3A, %mul3A_147 : i32
        %dma_start3A_149 = tpu.memref_slice %arg11[%mul3A_147] : memref<2000xi32, #tpu.memory_space<vmem>> -> memref<40xi32, #tpu.memory_space<vmem>>
        %dma_start3A_150 = arith.constant 0 : i32
        %dma_start3A_151 = arith.constant 0 : i32
        %dma_start3A_152 = tpu.memref_slice %arg4[%dma_start3A_150, %dma_start3A_151] : memref<20000x128xf32, #tpu.memory_space<hbm>> -> memref<20000x128xf32, #tpu.memory_space<hbm>>
        tpu.enqueue_indirect_dma source(%dma_start3A_152 : memref<20000x128xf32, #tpu.memory_space<hbm>>) target(%arg15 : memref<40x128xf32, #tpu.memory_space<vmem>>) offsets(%dma_start3A_149 : memref<40xi32, #tpu.memory_space<vmem>>) semaphore(%arg24 : memref<!tpu.dma_semaphore, #tpu.memory_space<semaphore_mem>>)
        %dma_start3A_153 = tpu.memref_slice %arg12[%mul3A_147] : memref<2000xi32, #tpu.memory_space<vmem>> -> memref<40xi32, #tpu.memory_space<vmem>>
        %dma_start3A_154 = arith.constant 0 : i32
        %dma_start3A_155 = arith.constant 0 : i32
        %dma_start3A_156 = tpu.memref_slice %arg5[%dma_start3A_154, %dma_start3A_155] : memref<10000x128xf32, #tpu.memory_space<hbm>> -> memref<10000x128xf32, #tpu.memory_space<hbm>>
        tpu.enqueue_indirect_dma source(%dma_start3A_156 : memref<10000x128xf32, #tpu.memory_space<hbm>>) target(%arg17 : memref<40x128xf32, #tpu.memory_space<vmem>>) offsets(%dma_start3A_153 : memref<40xi32, #tpu.memory_space<vmem>>) semaphore(%arg24 : memref<!tpu.dma_semaphore, #tpu.memory_space<semaphore_mem>>)
        %dma_start3A_157 = arith.constant 0 : i32
        %dma_start3A_158 = tpu.memref_slice %arg6[%arg0, %add3A_148, %dma_start3A_157] : memref<2x320000x64xf32, #tpu.memory_space<hbm>> -> memref<1x40x64xf32, #tpu.memory_space<hbm>>
        %dma_start3A_159 = tpu.memref_squeeze %dma_start3A_158 : memref<1x40x64xf32, #tpu.memory_space<hbm>> -> memref<40x64xf32, #tpu.memory_space<hbm>>
        %dma_start3A_160 = arith.constant 0 : i32
        %dma_start3A_161 = tpu.memref_slice %arg6[%arg0, %add3A_148, %dma_start3A_160] : memref<2x320000x64xf32, #tpu.memory_space<hbm>> -> memref<1x40x64xf32, #tpu.memory_space<hbm>>
        %dma_start3A_162 = tpu.memref_squeeze %dma_start3A_161 : memref<1x40x64xf32, #tpu.memory_space<hbm>> -> memref<40x64xf32, #tpu.memory_space<hbm>>
        tpu.enqueue_dma source(%dma_start3A_162 : memref<40x64xf32, #tpu.memory_space<hbm>>) target(%arg19 : memref<40x64xf32, #tpu.memory_space<vmem>>) target_semaphore(%arg24 : memref<!tpu.dma_semaphore, #tpu.memory_space<semaphore_mem>>)
        %mul3A_163 = arith.constant 40 : i32
        %mul3A_164 = arith.muli %mul3A_142, %mul3A_163 : i32
        %add3A_165 = arith.addi %add3A, %mul3A_164 : i32
        %dma_wait3A_166 = tpu.memref_slice %arg11[%mul3A_164] : memref<2000xi32, #tpu.memory_space<vmem>> -> memref<40xi32, #tpu.memory_space<vmem>>
        %dma_wait3A_167 = arith.constant 0 : i32
        %dma_wait3A_168 = arith.constant 0 : i32
        %dma_wait3A_169 = tpu.memref_slice %arg4[%dma_wait3A_167, %dma_wait3A_168] : memref<20000x128xf32, #tpu.memory_space<hbm>> -> memref<20000x128xf32, #tpu.memory_space<hbm>>
        tpu.wait_indirect_dma semaphore(%arg23 : memref<!tpu.dma_semaphore, #tpu.memory_space<semaphore_mem>>) src(%dma_wait3A_169 : memref<20000x128xf32, #tpu.memory_space<hbm>>) dst(%arg14 : memref<40x128xf32, #tpu.memory_space<vmem>>)
        %dma_wait3A_170 = tpu.memref_slice %arg12[%mul3A_164] : memref<2000xi32, #tpu.memory_space<vmem>> -> memref<40xi32, #tpu.memory_space<vmem>>
        %dma_wait3A_171 = arith.constant 0 : i32
        %dma_wait3A_172 = arith.constant 0 : i32
        %dma_wait3A_173 = tpu.memref_slice %arg5[%dma_wait3A_171, %dma_wait3A_172] : memref<10000x128xf32, #tpu.memory_space<hbm>> -> memref<10000x128xf32, #tpu.memory_space<hbm>>
        tpu.wait_indirect_dma semaphore(%arg23 : memref<!tpu.dma_semaphore, #tpu.memory_space<semaphore_mem>>) src(%dma_wait3A_173 : memref<10000x128xf32, #tpu.memory_space<hbm>>) dst(%arg16 : memref<40x128xf32, #tpu.memory_space<vmem>>)
        %dma_wait3A_174 = arith.constant 0 : i32
        %dma_wait3A_175 = tpu.memref_slice %arg6[%arg0, %add3A_165, %dma_wait3A_174] : memref<2x320000x64xf32, #tpu.memory_space<hbm>> -> memref<1x40x64xf32, #tpu.memory_space<hbm>>
        %dma_wait3A_176 = tpu.memref_squeeze %dma_wait3A_175 : memref<1x40x64xf32, #tpu.memory_space<hbm>> -> memref<40x64xf32, #tpu.memory_space<hbm>>
        %dma_wait3A_177 = arith.constant 0 : i32
        %dma_wait3A_178 = tpu.memref_slice %arg6[%arg0, %add3A_165, %dma_wait3A_177] : memref<2x320000x64xf32, #tpu.memory_space<hbm>> -> memref<1x40x64xf32, #tpu.memory_space<hbm>>
        %dma_wait3A_179 = tpu.memref_squeeze %dma_wait3A_178 : memref<1x40x64xf32, #tpu.memory_space<hbm>> -> memref<40x64xf32, #tpu.memory_space<hbm>>
        tpu.wait_dma2 semaphore(%arg23 : memref<!tpu.dma_semaphore, #tpu.memory_space<semaphore_mem>>) src(%dma_wait3A_179 : memref<40x64xf32, #tpu.memory_space<hbm>>) dst(%arg18 : memref<40x64xf32, #tpu.memory_space<vmem>>)
        %mul3A_180 = arith.constant 40 : i32
        %mul3A_181 = arith.muli %mul3A_142, %mul3A_180 : i32
        %add3A_182 = arith.addi %add3A, %mul3A_181 : i32
        %scan3A_183 = arith.constant 0 : i32
        %get3A = arith.index_cast %scan3A_183 : i32 to index
        %get3A_184 = arith.constant 0 : index
        %get3A_185 = tpu.vector_load %arg14[%get3A, %get3A_184] {strides = array<i32>} : memref<40x128xf32, #tpu.memory_space<vmem>>, vector<1x16xf32>,
        %get3A_186 = vector.shape_cast %get3A_185 : vector<1x16xf32> to vector<16xf32>
        %get3A_187 = arith.index_cast %scan3A_183 : i32 to index
        %get3A_188 = arith.constant 64 : index
        %get3A_189 = tpu.vector_load %arg14[%get3A_187, %get3A_188] {strides = array<i32>} : memref<40x128xf32, #tpu.memory_space<vmem>>, vector<1x16xf32>,
        %get3A_190 = vector.shape_cast %get3A_189 : vector<1x16xf32> to vector<16xf32>
        %add3A_191 = arith.constant 0 : i32
        %add3A_192 = arith.addi %mul3A_12, %add3A_191 : i32
        %get3A_193 = arith.index_cast %scan3A_183 : i32 to index
        %get3A_194 = arith.index_cast %add3A_192 : i32 to index
        %get3A_195 = tpu.vector_load %arg16[%get3A_193, %get3A_194] {strides = array<i32>} : memref<40x128xf32, #tpu.memory_space<vmem>>, vector<1x16xf32>,
        %get3A_196 = vector.shape_cast %get3A_195 : vector<1x16xf32> to vector<16xf32>
        %get3A_197 = arith.index_cast %scan3A_183 : i32 to index
        %get3A_198 = arith.constant 0 : index
        %get3A_199 = tpu.vector_load %arg18[%get3A_197, %get3A_198] {strides = array<i32>} : memref<40x64xf32, #tpu.memory_space<vmem>>, vector<1x16xf32>,
        %get3A_200 = vector.shape_cast %get3A_199 : vector<1x16xf32> to vector<16xf32>
        %add3A_201 = arith.addf %get3A_186, %get3A_196 : vector<16xf32>
        %add3A_202 = arith.addf %add3A_201, %get3A_200 : vector<16xf32>
        %swap3A_203 = arith.index_cast %scan3A_183 : i32 to index
        %swap3A_204 = arith.constant 0 : index
        %swap3A_205 = tpu.vector_load %arg18[%swap3A_203, %swap3A_204] {strides = array<i32>} : memref<40x64xf32, #tpu.memory_space<vmem>>, vector<1x16xf32>,
        %swap3A_206 = vector.shape_cast %swap3A_205 : vector<1x16xf32> to vector<16xf32>
        %swap3A_207 = vector.shape_cast %add3A_202 : vector<16xf32> to vector<1x16xf32>
        tpu.vector_store %arg18[%swap3A_203, %swap3A_204], %swap3A_207 {strides = array<i32>} : memref<40x64xf32, #tpu.memory_space<vmem>>, vector<1x16xf32>,
        %neg3A = arith.constant 0.000000e+00 : f32
        %neg3A_208 = vector.broadcast %neg3A : f32 to vector<16xf32>
        %neg3A_209 = arith.subf %neg3A_208, %add3A_202 : vector<16xf32>
        %exp3A = math.exp %neg3A_209 : vector<16xf32>
        %add3A_210 = arith.constant 1.000000e+00 : f32
        %add3A_211 = vector.broadcast %add3A_210 : f32 to vector<16xf32>
        %add3A_212 = arith.addf %add3A_211, %exp3A : vector<16xf32>
        %div3A = arith.constant 1.000000e+00 : f32
        %div3A_213 = vector.broadcast %div3A : f32 to vector<16xf32>
        %div3A_214 = arith.divf %div3A_213, %add3A_212 : vector<16xf32>
        %swap3A_215 = arith.index_cast %scan3A_183 : i32 to index
        %swap3A_216 = arith.constant 64 : index
        %swap3A_217 = tpu.vector_load %arg20[%swap3A_215, %swap3A_216] {strides = array<i32>} : memref<40x128xf32, #tpu.memory_space<vmem>>, vector<1x16xf32>,
        %swap3A_218 = vector.shape_cast %swap3A_217 : vector<1x16xf32> to vector<16xf32>
        %swap3A_219 = vector.shape_cast %div3A_214 : vector<16xf32> to vector<1x16xf32>
        tpu.vector_store %arg20[%swap3A_215, %swap3A_216], %swap3A_219 {strides = array<i32>} : memref<40x128xf32, #tpu.memory_space<vmem>>, vector<1x16xf32>,
        %mul3A_220 = arith.mulf %get3A_190, %div3A_214 : vector<16xf32>
        %swap3A_221 = arith.index_cast %scan3A_183 : i32 to index
        %swap3A_222 = arith.constant 0 : index
        %swap3A_223 = tpu.vector_load %arg20[%swap3A_221, %swap3A_222] {strides = array<i32>} : memref<40x128xf32, #tpu.memory_space<vmem>>, vector<1x16xf32>,
        %swap3A_224 = vector.shape_cast %swap3A_223 : vector<1x16xf32> to vector<16xf32>
        %swap3A_225 = vector.shape_cast %mul3A_220 : vector<16xf32> to vector<1x16xf32>
        tpu.vector_store %arg20[%swap3A_221, %swap3A_222], %swap3A_225 {strides = array<i32>} : memref<40x128xf32, #tpu.memory_space<vmem>>, vector<1x16xf32>,
        %add3A_226 = arith.addf %scan3A_133, %add3A_202 : vector<16xf32>
        %mul3A_227 = arith.mulf %add3A_202, %add3A_202 : vector<16xf32>
        %add3A_228 = arith.addf %scan3A_137, %mul3A_227 : vector<16xf32>
        %get3A_229 = arith.index_cast %scan3A_183 : i32 to index
        %get3A_230 = arith.constant 16 : index
        %get3A_231 = tpu.vector_load %arg14[%get3A_229, %get3A_230] {strides = array<i32>} : memref<40x128xf32, #tpu.memory_space<vmem>>, vector<1x16xf32>,
        %get3A_232 = vector.shape_cast %get3A_231 : vector<1x16xf32> to vector<16xf32>
        %get3A_233 = arith.index_cast %scan3A_183 : i32 to index
        %get3A_234 = arith.constant 80 : index
        %get3A_235 = tpu.vector_load %arg14[%get3A_233, %get3A_234] {strides = array<i32>} : memref<40x128xf32, #tpu.memory_space<vmem>>, vector<1x16xf32>,
        %get3A_236 = vector.shape_cast %get3A_235 : vector<1x16xf32> to vector<16xf32>
        %add3A_237 = arith.constant 16 : i32
        %add3A_238 = arith.addi %mul3A_12, %add3A_237 : i32
        %get3A_239 = arith.index_cast %scan3A_183 : i32 to index
        %get3A_240 = arith.index_cast %add3A_238 : i32 to index
        %get3A_241 = tpu.vector_load %arg16[%get3A_239, %get3A_240] {strides = array<i32>} : memref<40x128xf32, #tpu.memory_space<vmem>>, vector<1x16xf32>,
        %get3A_242 = vector.shape_cast %get3A_241 : vector<1x16xf32> to vector<16xf32>
        %get3A_243 = arith.index_cast %scan3A_183 : i32 to index
        %get3A_244 = arith.constant 16 : index
        %get3A_245 = tpu.vector_load %arg18[%get3A_243, %get3A_244] {strides = array<i32>} : memref<40x64xf32, #tpu.memory_space<vmem>>, vector<1x16xf32>,
        %get3A_246 = vector.shape_cast %get3A_245 : vector<1x16xf32> to vector<16xf32>
        %add3A_247 = arith.addf %get3A_232, %get3A_242 : vector<16xf32>
        %add3A_248 = arith.addf %add3A_247, %get3A_246 : vector<16xf32>
        %swap3A_249 = arith.index_cast %scan3A_183 : i32 to index
        %swap3A_250 = arith.constant 16 : index
        %swap3A_251 = tpu.vector_load %arg18[%swap3A_249, %swap3A_250] {strides = array<i32>} : memref<40x64xf32, #tpu.memory_space<vmem>>, vector<1x16xf32>,
        %swap3A_252 = vector.shape_cast %swap3A_251 : vector<1x16xf32> to vector<16xf32>
        %swap3A_253 = vector.shape_cast %add3A_248 : vector<16xf32> to vector<1x16xf32>
        tpu.vector_store %arg18[%swap3A_249, %swap3A_250], %swap3A_253 {strides = array<i32>} : memref<40x64xf32, #tpu.memory_space<vmem>>, vector<1x16xf32>,
        %neg3A_254 = arith.constant 0.000000e+00 : f32
        %neg3A_255 = vector.broadcast %neg3A_254 : f32 to vector<16xf32>
        %neg3A_256 = arith.subf %neg3A_255, %add3A_248 : vector<16xf32>
        %exp3A_257 = math.exp %neg3A_256 : vector<16xf32>
        %add3A_258 = arith.constant 1.000000e+00 : f32
        %add3A_259 = vector.broadcast %add3A_258 : f32 to vector<16xf32>
        %add3A_260 = arith.addf %add3A_259, %exp3A_257 : vector<16xf32>
        %div3A_261 = arith.constant 1.000000e+00 : f32
        %div3A_262 = vector.broadcast %div3A_261 : f32 to vector<16xf32>
        %div3A_263 = arith.divf %div3A_262, %add3A_260 : vector<16xf32>
        %swap3A_264 = arith.index_cast %scan3A_183 : i32 to index
        %swap3A_265 = arith.constant 80 : index
        %swap3A_266 = tpu.vector_load %arg20[%swap3A_264, %swap3A_265] {strides = array<i32>} : memref<40x128xf32, #tpu.memory_space<vmem>>, vector<1x16xf32>,
        %swap3A_267 = vector.shape_cast %swap3A_266 : vector<1x16xf32> to vector<16xf32>
        %swap3A_268 = vector.shape_cast %div3A_263 : vector<16xf32> to vector<1x16xf32>
        tpu.vector_store %arg20[%swap3A_264, %swap3A_265], %swap3A_268 {strides = array<i32>} : memref<40x128xf32, #tpu.memory_space<vmem>>, vector<1x16xf32>,
        %mul3A_269 = arith.mulf %get3A_236, %div3A_263 : vector<16xf32>
        %swap3A_270 = arith.index_cast %scan3A_183 : i32 to index
        %swap3A_271 = arith.constant 16 : index
        %swap3A_272 = tpu.vector_load %arg20[%swap3A_270, %swap3A_271] {strides = array<i32>} : memref<40x128xf32, #tpu.memory_space<vmem>>, vector<1x16xf32>,
        %swap3A_273 = vector.shape_cast %swap3A_272 : vector<1x16xf32> to vector<16xf32>
        %swap3A_274 = vector.shape_cast %mul3A_269 : vector<16xf32> to vector<1x16xf32>
        tpu.vector_store %arg20[%swap3A_270, %swap3A_271], %swap3A_274 {strides = array<i32>} : memref<40x128xf32, #tpu.memory_space<vmem>>, vector<1x16xf32>,
        %add3A_275 = arith.addf %scan3A_134, %add3A_248 : vector<16xf32>
        %mul3A_276 = arith.mulf %add3A_248, %add3A_248 : vector<16xf32>
        %add3A_277 = arith.addf %scan3A_138, %mul3A_276 : vector<16xf32>
        %get3A_278 = arith.index_cast %scan3A_183 : i32 to index
        %get3A_279 = arith.constant 32 : index
        %get3A_280 = tpu.vector_load %arg14[%get3A_278, %get3A_279] {strides = array<i32>} : memref<40x128xf32, #tpu.memory_space<vmem>>, vector<1x16xf32>,
        %get3A_281 = vector.shape_cast %get3A_280 : vector<1x16xf32> to vector<16xf32>
        %get3A_282 = arith.index_cast %scan3A_183 : i32 to index
        %get3A_283 = arith.constant 96 : index
        %get3A_284 = tpu.vector_load %arg14[%get3A_282, %get3A_283] {strides = array<i32>} : memref<40x128xf32, #tpu.memory_space<vmem>>, vector<1x16xf32>,
        %get3A_285 = vector.shape_cast %get3A_284 : vector<1x16xf32> to vector<16xf32>
        %add3A_286 = arith.constant 32 : i32
        %add3A_287 = arith.addi %mul3A_12, %add3A_286 : i32
        %get3A_288 = arith.index_cast %scan3A_183 : i32 to index
        %get3A_289 = arith.index_cast %add3A_287 : i32 to index
        %get3A_290 = tpu.vector_load %arg16[%get3A_288, %get3A_289] {strides = array<i32>} : memref<40x128xf32, #tpu.memory_space<vmem>>, vector<1x16xf32>,
        %get3A_291 = vector.shape_cast %get3A_290 : vector<1x16xf32> to vector<16xf32>
        %get3A_292 = arith.index_cast %scan3A_183 : i32 to index
        %get3A_293 = arith.constant 32 : index
        %get3A_294 = tpu.vector_load %arg18[%get3A_292, %get3A_293] {strides = array<i32>} : memref<40x64xf32, #tpu.memory_space<vmem>>, vector<1x16xf32>,
        %get3A_295 = vector.shape_cast %get3A_294 : vector<1x16xf32> to vector<16xf32>
        %add3A_296 = arith.addf %get3A_281, %get3A_291 : vector<16xf32>
        %add3A_297 = arith.addf %add3A_296, %get3A_295 : vector<16xf32>
        %swap3A_298 = arith.index_cast %scan3A_183 : i32 to index
        %swap3A_299 = arith.constant 32 : index
        %swap3A_300 = tpu.vector_load %arg18[%swap3A_298, %swap3A_299] {strides = array<i32>} : memref<40x64xf32, #tpu.memory_space<vmem>>, vector<1x16xf32>,
        %swap3A_301 = vector.shape_cast %swap3A_300 : vector<1x16xf32> to vector<16xf32>
        %swap3A_302 = vector.shape_cast %add3A_297 : vector<16xf32> to vector<1x16xf32>
        tpu.vector_store %arg18[%swap3A_298, %swap3A_299], %swap3A_302 {strides = array<i32>} : memref<40x64xf32, #tpu.memory_space<vmem>>, vector<1x16xf32>,
        %neg3A_303 = arith.constant 0.000000e+00 : f32
        %neg3A_304 = vector.broadcast %neg3A_303 : f32 to vector<16xf32>
        %neg3A_305 = arith.subf %neg3A_304, %add3A_297 : vector<16xf32>
        %exp3A_306 = math.exp %neg3A_305 : vector<16xf32>
        %add3A_307 = arith.constant 1.000000e+00 : f32
        %add3A_308 = vector.broadcast %add3A_307 : f32 to vector<16xf32>
        %add3A_309 = arith.addf %add3A_308, %exp3A_306 : vector<16xf32>
        %div3A_310 = arith.constant 1.000000e+00 : f32
        %div3A_311 = vector.broadcast %div3A_310 : f32 to vector<16xf32>
        %div3A_312 = arith.divf %div3A_311, %add3A_309 : vector<16xf32>
        %swap3A_313 = arith.index_cast %scan3A_183 : i32 to index
        %swap3A_314 = arith.constant 96 : index
        %swap3A_315 = tpu.vector_load %arg20[%swap3A_313, %swap3A_314] {strides = array<i32>} : memref<40x128xf32, #tpu.memory_space<vmem>>, vector<1x16xf32>,
        %swap3A_316 = vector.shape_cast %swap3A_315 : vector<1x16xf32> to vector<16xf32>
        %swap3A_317 = vector.shape_cast %div3A_312 : vector<16xf32> to vector<1x16xf32>
        tpu.vector_store %arg20[%swap3A_313, %swap3A_314], %swap3A_317 {strides = array<i32>} : memref<40x128xf32, #tpu.memory_space<vmem>>, vector<1x16xf32>,
        %mul3A_318 = arith.mulf %get3A_285, %div3A_312 : vector<16xf32>
        %swap3A_319 = arith.index_cast %scan3A_183 : i32 to index
        %swap3A_320 = arith.constant 32 : index
        %swap3A_321 = tpu.vector_load %arg20[%swap3A_319, %swap3A_320] {strides = array<i32>} : memref<40x128xf32, #tpu.memory_space<vmem>>, vector<1x16xf32>,
        %swap3A_322 = vector.shape_cast %swap3A_321 : vector<1x16xf32> to vector<16xf32>
        %swap3A_323 = vector.shape_cast %mul3A_318 : vector<16xf32> to vector<1x16xf32>
        tpu.vector_store %arg20[%swap3A_319, %swap3A_320], %swap3A_323 {strides = array<i32>} : memref<40x128xf32, #tpu.memory_space<vmem>>, vector<1x16xf32>,
        %add3A_324 = arith.addf %scan3A_135, %add3A_297 : vector<16xf32>
        %mul3A_325 = arith.mulf %add3A_297, %add3A_297 : vector<16xf32>
        %add3A_326 = arith.addf %scan3A_139, %mul3A_325 : vector<16xf32>
        %get3A_327 = arith.index_cast %scan3A_183 : i32 to index
        %get3A_328 = arith.constant 48 : index
        %get3A_329 = tpu.vector_load %arg14[%get3A_327, %get3A_328] {strides = array<i32>} : memref<40x128xf32, #tpu.memory_space<vmem>>, vector<1x16xf32>,
        %get3A_330 = vector.shape_cast %get3A_329 : vector<1x16xf32> to vector<16xf32>
        %get3A_331 = arith.index_cast %scan3A_183 : i32 to index
        %get3A_332 = arith.constant 112 : index
        %get3A_333 = tpu.vector_load %arg14[%get3A_331, %get3A_332] {strides = array<i32>} : memref<40x128xf32, #tpu.memory_space<vmem>>, vector<1x16xf32>,
        %get3A_334 = vector.shape_cast %get3A_333 : vector<1x16xf32> to vector<16xf32>
        %add3A_335 = arith.constant 48 : i32
        %add3A_336 = arith.addi %mul3A_12, %add3A_335 : i32
        %get3A_337 = arith.index_cast %scan3A_183 : i32 to index
        %get3A_338 = arith.index_cast %add3A_336 : i32 to index
        %get3A_339 = tpu.vector_load %arg16[%get3A_337, %get3A_338] {strides = array<i32>} : memref<40x128xf32, #tpu.memory_space<vmem>>, vector<1x16xf32>,
        %get3A_340 = vector.shape_cast %get3A_339 : vector<1x16xf32> to vector<16xf32>
        %get3A_341 = arith.index_cast %scan3A_183 : i32 to index
        %get3A_342 = arith.constant 48 : index
        %get3A_343 = tpu.vector_load %arg18[%get3A_341, %get3A_342] {strides = array<i32>} : memref<40x64xf32, #tpu.memory_space<vmem>>, vector<1x16xf32>,
        %get3A_344 = vector.shape_cast %get3A_343 : vector<1x16xf32> to vector<16xf32>
        %add3A_345 = arith.addf %get3A_330, %get3A_340 : vector<16xf32>
        %add3A_346 = arith.addf %add3A_345, %get3A_344 : vector<16xf32>
        %swap3A_347 = arith.index_cast %scan3A_183 : i32 to index
        %swap3A_348 = arith.constant 48 : index
        %swap3A_349 = tpu.vector_load %arg18[%swap3A_347, %swap3A_348] {strides = array<i32>} : memref<40x64xf32, #tpu.memory_space<vmem>>, vector<1x16xf32>,
        %swap3A_350 = vector.shape_cast %swap3A_349 : vector<1x16xf32> to vector<16xf32>
        %swap3A_351 = vector.shape_cast %add3A_346 : vector<16xf32> to vector<1x16xf32>
        tpu.vector_store %arg18[%swap3A_347, %swap3A_348], %swap3A_351 {strides = array<i32>} : memref<40x64xf32, #tpu.memory_space<vmem>>, vector<1x16xf32>,
        %neg3A_352 = arith.constant 0.000000e+00 : f32
        %neg3A_353 = vector.broadcast %neg3A_352 : f32 to vector<16xf32>
        %neg3A_354 = arith.subf %neg3A_353, %add3A_346 : vector<16xf32>
        %exp3A_355 = math.exp %neg3A_354 : vector<16xf32>
        %add3A_356 = arith.constant 1.000000e+00 : f32
        %add3A_357 = vector.broadcast %add3A_356 : f32 to vector<16xf32>
        %add3A_358 = arith.addf %add3A_357, %exp3A_355 : vector<16xf32>
        %div3A_359 = arith.constant 1.000000e+00 : f32
        %div3A_360 = vector.broadcast %div3A_359 : f32 to vector<16xf32>
        %div3A_361 = arith.divf %div3A_360, %add3A_358 : vector<16xf32>
        %swap3A_362 = arith.index_cast %scan3A_183 : i32 to index
        %swap3A_363 = arith.constant 112 : index
        %swap3A_364 = tpu.vector_load %arg20[%swap3A_362, %swap3A_363] {strides = array<i32>} : memref<40x128xf32, #tpu.memory_space<vmem>>, vector<1x16xf32>,
        %swap3A_365 = vector.shape_cast %swap3A_364 : vector<1x16xf32> to vector<16xf32>
        %swap3A_366 = vector.shape_cast %div3A_361 : vector<16xf32> to vector<1x16xf32>
        tpu.vector_store %arg20[%swap3A_362, %swap3A_363], %swap3A_366 {strides = array<i32>} : memref<40x128xf32, #tpu.memory_space<vmem>>, vector<1x16xf32>,
        %mul3A_367 = arith.mulf %get3A_334, %div3A_361 : vector<16xf32>
        %swap3A_368 = arith.index_cast %scan3A_183 : i32 to index
        %swap3A_369 = arith.constant 48 : index
        %swap3A_370 = tpu.vector_load %arg20[%swap3A_368, %swap3A_369] {strides = array<i32>} : memref<40x128xf32, #tpu.memory_space<vmem>>, vector<1x16xf32>,
        %swap3A_371 = vector.shape_cast %swap3A_370 : vector<1x16xf32> to vector<16xf32>
        %swap3A_372 = vector.shape_cast %mul3A_367 : vector<16xf32> to vector<1x16xf32>
        tpu.vector_store %arg20[%swap3A_368, %swap3A_369], %swap3A_372 {strides = array<i32>} : memref<40x128xf32, #tpu.memory_space<vmem>>, vector<1x16xf32>,
        %add3A_373 = arith.addf %scan3A_136, %add3A_346 : vector<16xf32>
        %mul3A_374 = arith.mulf %add3A_346, %add3A_346 : vector<16xf32>
        %add3A_375 = arith.addf %scan3A_140, %mul3A_374 : vector<16xf32>
        %scan3A_376 = arith.constant 1 : i32
        %mul3A_377 = arith.constant 40 : i32
        %mul3A_378 = arith.muli %mul3A_142, %mul3A_377 : i32
        %add3A_379 = arith.constant 0 : i32
        %add3A_380 = arith.addi %mul3A_378, %add3A_379 : i32
        %get3A_381 = arith.index_cast %add3A_380 : i32 to index
        %get3A_382 = tpu.vector_load %arg12[%get3A_381] {strides = array<i32>} : memref<2000xi32, #tpu.memory_space<vmem>>, vector<16xi32>,
        %get3A_383 = vector.shape_cast %get3A_382 : vector<16xi32> to vector<16xi32>
        %swap3A_384 = arith.constant 0 : index
        %swap3A_385 = tpu.vector_load %arg13[%swap3A_384] {strides = array<i32>} : memref<40xi32, #tpu.memory_space<vmem>>, vector<16xi32>,
        %swap3A_386 = vector.shape_cast %swap3A_385 : vector<16xi32> to vector<16xi32>
        %swap3A_387 = vector.shape_cast %get3A_383 : vector<16xi32> to vector<16xi32>
        tpu.vector_store %arg13[%swap3A_384], %swap3A_387 {strides = array<i32>} : memref<40xi32, #tpu.memory_space<vmem>>, vector<16xi32>,
        %mul3A_388 = arith.constant 40 : i32
        %mul3A_389 = arith.muli %mul3A_142, %mul3A_388 : i32
        %add3A_390 = arith.constant 16 : i32
        %add3A_391 = arith.addi %mul3A_389, %add3A_390 : i32
        %get3A_392 = arith.index_cast %add3A_391 : i32 to index
        %get3A_393 = tpu.vector_load %arg12[%get3A_392] {strides = array<i32>} : memref<2000xi32, #tpu.memory_space<vmem>>, vector<16xi32>,
        %get3A_394 = vector.shape_cast %get3A_393 : vector<16xi32> to vector<16xi32>
        %swap3A_395 = arith.constant 16 : index
        %swap3A_396 = tpu.vector_load %arg13[%swap3A_395] {strides = array<i32>} : memref<40xi32, #tpu.memory_space<vmem>>, vector<16xi32>,
        %swap3A_397 = vector.shape_cast %swap3A_396 : vector<16xi32> to vector<16xi32>
        %swap3A_398 = vector.shape_cast %get3A_394 : vector<16xi32> to vector<16xi32>
        tpu.vector_store %arg13[%swap3A_395], %swap3A_398 {strides = array<i32>} : memref<40xi32, #tpu.memory_space<vmem>>, vector<16xi32>,
        %mul3A_399 = arith.constant 40 : i32
        %mul3A_400 = arith.muli %mul3A_142, %mul3A_399 : i32
        %add3A_401 = arith.constant 24 : i32
        %add3A_402 = arith.addi %mul3A_400, %add3A_401 : i32
        %get3A_403 = arith.index_cast %add3A_402 : i32 to index
        %get3A_404 = tpu.vector_load %arg12[%get3A_403] {strides = array<i32>} : memref<2000xi32, #tpu.memory_space<vmem>>, vector<16xi32>,
        %get3A_405 = vector.shape_cast %get3A_404 : vector<16xi32> to vector<16xi32>
        %swap3A_406 = arith.constant 24 : index
        %swap3A_407 = tpu.vector_load %arg13[%swap3A_406] {strides = array<i32>} : memref<40xi32, #tpu.memory_space<vmem>>, vector<16xi32>,
        %swap3A_408 = vector.shape_cast %swap3A_407 : vector<16xi32> to vector<16xi32>
        %swap3A_409 = vector.shape_cast %get3A_405 : vector<16xi32> to vector<16xi32>
        tpu.vector_store %arg13[%swap3A_406], %swap3A_409 {strides = array<i32>} : memref<40xi32, #tpu.memory_space<vmem>>, vector<16xi32>,
        "tpu.region"() ({
          %run_scoped3A_686 = tpu.sem_alloc : memref<!tpu.dma_semaphore, #tpu.memory_space<semaphore_mem>>
          %dma_start3A_687 = arith.constant 0 : i32
          %dma_start3A_688 = tpu.memref_slice %arg7[%arg0, %add3A_182, %dma_start3A_687] : memref<2x320000x64xf32, #tpu.memory_space<hbm>> -> memref<1x40x64xf32, #tpu.memory_space<hbm>>
          %dma_start3A_689 = tpu.memref_squeeze %dma_start3A_688 : memref<1x40x64xf32, #tpu.memory_space<hbm>> -> memref<40x64xf32, #tpu.memory_space<hbm>>
          %dma_start3A_690 = arith.constant 0 : i32
          %dma_start3A_691 = tpu.memref_slice %arg7[%arg0, %add3A_182, %dma_start3A_690] : memref<2x320000x64xf32, #tpu.memory_space<hbm>> -> memref<1x40x64xf32, #tpu.memory_space<hbm>>
          %dma_start3A_692 = tpu.memref_squeeze %dma_start3A_691 : memref<1x40x64xf32, #tpu.memory_space<hbm>> -> memref<40x64xf32, #tpu.memory_space<hbm>>
          tpu.enqueue_dma source(%arg18 : memref<40x64xf32, #tpu.memory_space<vmem>>) target(%dma_start3A_692 : memref<40x64xf32, #tpu.memory_space<hbm>>) target_semaphore(%run_scoped3A_686 : memref<!tpu.dma_semaphore, #tpu.memory_space<semaphore_mem>>)
          %dma_wait3A_693 = arith.constant 0 : i32
          %dma_wait3A_694 = tpu.memref_slice %arg7[%arg0, %add3A_182, %dma_wait3A_693] : memref<2x320000x64xf32, #tpu.memory_space<hbm>> -> memref<1x40x64xf32, #tpu.memory_space<hbm>>
          %dma_wait3A_695 = tpu.memref_squeeze %dma_wait3A_694 : memref<1x40x64xf32, #tpu.memory_space<hbm>> -> memref<40x64xf32, #tpu.memory_space<hbm>>
          %dma_wait3A_696 = arith.constant 0 : i32
          %dma_wait3A_697 = tpu.memref_slice %arg7[%arg0, %add3A_182, %dma_wait3A_696] : memref<2x320000x64xf32, #tpu.memory_space<hbm>> -> memref<1x40x64xf32, #tpu.memory_space<hbm>>
          %dma_wait3A_698 = tpu.memref_squeeze %dma_wait3A_697 : memref<1x40x64xf32, #tpu.memory_space<hbm>> -> memref<40x64xf32, #tpu.memory_space<hbm>>
          tpu.wait_dma2 semaphore(%run_scoped3A_686 : memref<!tpu.dma_semaphore, #tpu.memory_space<semaphore_mem>>) src(%arg18 : memref<40x64xf32, #tpu.memory_space<vmem>>) dst(%dma_wait3A_698 : memref<40x64xf32, #tpu.memory_space<hbm>>)
          tpu.yield
        }) : () -> ()
        "tpu.region"() ({
          %run_scoped3A_686 = tpu.sem_alloc : memref<!tpu.dma_semaphore, #tpu.memory_space<semaphore_mem>>
          %dma_start3A_687 = arith.constant 0 : i32
          %dma_start3A_688 = arith.constant 0 : i32
          %dma_start3A_689 = tpu.memref_slice %arg22[%dma_start3A_687, %dma_start3A_688] : memref<10000x128xf32, #tpu.memory_space<vmem_shared>> -> memref<10000x128xf32, #tpu.memory_space<vmem_shared>>
          tpu.enqueue_indirect_dma source(%arg20 : memref<40x128xf32, #tpu.memory_space<vmem>>) target(%dma_start3A_689 : memref<10000x128xf32, #tpu.memory_space<vmem_shared>>) offsets(%arg13 : memref<40xi32, #tpu.memory_space<vmem>>) semaphore(%run_scoped3A_686 : memref<!tpu.dma_semaphore, #tpu.memory_space<semaphore_mem>>) {add = true}
          %dma_wait3A_690 = arith.constant 0 : i32
          %dma_wait3A_691 = arith.constant 0 : i32
          %dma_wait3A_692 = tpu.memref_slice %arg22[%dma_wait3A_690, %dma_wait3A_691] : memref<10000x128xf32, #tpu.memory_space<vmem_shared>> -> memref<10000x128xf32, #tpu.memory_space<vmem_shared>>
          tpu.wait_indirect_dma semaphore(%run_scoped3A_686 : memref<!tpu.dma_semaphore, #tpu.memory_space<semaphore_mem>>) src(%arg20 : memref<40x128xf32, #tpu.memory_space<vmem>>) dst(%dma_wait3A_692 : memref<10000x128xf32, #tpu.memory_space<vmem_shared>>)
          tpu.yield
        }) : () -> ()
        %add3A_410 = arith.constant 2 : i32
        %add3A_411 = arith.addi %mul3A_142, %add3A_410 : i32
        %min3A_412 = arith.constant 49 : i32
        %min3A_413 = arith.minsi %add3A_411, %min3A_412 : i32
        %mul3A_414 = arith.constant 40 : i32
        %mul3A_415 = arith.muli %min3A_413, %mul3A_414 : i32
        %add3A_416 = arith.addi %add3A, %mul3A_415 : i32
        %dma_start3A_417 = tpu.memref_slice %arg11[%mul3A_415] : memref<2000xi32, #tpu.memory_space<vmem>> -> memref<40xi32, #tpu.memory_space<vmem>>
        %dma_start3A_418 = arith.constant 0 : i32
        %dma_start3A_419 = arith.constant 0 : i32
        %dma_start3A_420 = tpu.memref_slice %arg4[%dma_start3A_418, %dma_start3A_419] : memref<20000x128xf32, #tpu.memory_space<hbm>> -> memref<20000x128xf32, #tpu.memory_space<hbm>>
        tpu.enqueue_indirect_dma source(%dma_start3A_420 : memref<20000x128xf32, #tpu.memory_space<hbm>>) target(%arg14 : memref<40x128xf32, #tpu.memory_space<vmem>>) offsets(%dma_start3A_417 : memref<40xi32, #tpu.memory_space<vmem>>) semaphore(%arg23 : memref<!tpu.dma_semaphore, #tpu.memory_space<semaphore_mem>>)
        %dma_start3A_421 = tpu.memref_slice %arg12[%mul3A_415] : memref<2000xi32, #tpu.memory_space<vmem>> -> memref<40xi32, #tpu.memory_space<vmem>>
        %dma_start3A_422 = arith.constant 0 : i32
        %dma_start3A_423 = arith.constant 0 : i32
        %dma_start3A_424 = tpu.memref_slice %arg5[%dma_start3A_422, %dma_start3A_423] : memref<10000x128xf32, #tpu.memory_space<hbm>> -> memref<10000x128xf32, #tpu.memory_space<hbm>>
        tpu.enqueue_indirect_dma source(%dma_start3A_424 : memref<10000x128xf32, #tpu.memory_space<hbm>>) target(%arg16 : memref<40x128xf32, #tpu.memory_space<vmem>>) offsets(%dma_start3A_421 : memref<40xi32, #tpu.memory_space<vmem>>) semaphore(%arg23 : memref<!tpu.dma_semaphore, #tpu.memory_space<semaphore_mem>>)
        %dma_start3A_425 = arith.constant 0 : i32
        %dma_start3A_426 = tpu.memref_slice %arg6[%arg0, %add3A_416, %dma_start3A_425] : memref<2x320000x64xf32, #tpu.memory_space<hbm>> -> memref<1x40x64xf32, #tpu.memory_space<hbm>>
        %dma_start3A_427 = tpu.memref_squeeze %dma_start3A_426 : memref<1x40x64xf32, #tpu.memory_space<hbm>> -> memref<40x64xf32, #tpu.memory_space<hbm>>
        %dma_start3A_428 = arith.constant 0 : i32
        %dma_start3A_429 = tpu.memref_slice %arg6[%arg0, %add3A_416, %dma_start3A_428] : memref<2x320000x64xf32, #tpu.memory_space<hbm>> -> memref<1x40x64xf32, #tpu.memory_space<hbm>>
        %dma_start3A_430 = tpu.memref_squeeze %dma_start3A_429 : memref<1x40x64xf32, #tpu.memory_space<hbm>> -> memref<40x64xf32, #tpu.memory_space<hbm>>
        tpu.enqueue_dma source(%dma_start3A_430 : memref<40x64xf32, #tpu.memory_space<hbm>>) target(%arg18 : memref<40x64xf32, #tpu.memory_space<vmem>>) target_semaphore(%arg23 : memref<!tpu.dma_semaphore, #tpu.memory_space<semaphore_mem>>)
        %add3A_431 = arith.constant 1 : i32
        %add3A_432 = arith.addi %mul3A_142, %add3A_431 : i32
        %mul3A_433 = arith.constant 40 : i32
        %mul3A_434 = arith.muli %add3A_432, %mul3A_433 : i32
        %add3A_435 = arith.addi %add3A, %mul3A_434 : i32
        %dma_wait3A_436 = tpu.memref_slice %arg11[%mul3A_434] : memref<2000xi32, #tpu.memory_space<vmem>> -> memref<40xi32, #tpu.memory_space<vmem>>
        %dma_wait3A_437 = arith.constant 0 : i32
        %dma_wait3A_438 = arith.constant 0 : i32
        %dma_wait3A_439 = tpu.memref_slice %arg4[%dma_wait3A_437, %dma_wait3A_438] : memref<20000x128xf32, #tpu.memory_space<hbm>> -> memref<20000x128xf32, #tpu.memory_space<hbm>>
        tpu.wait_indirect_dma semaphore(%arg24 : memref<!tpu.dma_semaphore, #tpu.memory_space<semaphore_mem>>) src(%dma_wait3A_439 : memref<20000x128xf32, #tpu.memory_space<hbm>>) dst(%arg15 : memref<40x128xf32, #tpu.memory_space<vmem>>)
        %dma_wait3A_440 = tpu.memref_slice %arg12[%mul3A_434] : memref<2000xi32, #tpu.memory_space<vmem>> -> memref<40xi32, #tpu.memory_space<vmem>>
        %dma_wait3A_441 = arith.constant 0 : i32
        %dma_wait3A_442 = arith.constant 0 : i32
        %dma_wait3A_443 = tpu.memref_slice %arg5[%dma_wait3A_441, %dma_wait3A_442] : memref<10000x128xf32, #tpu.memory_space<hbm>> -> memref<10000x128xf32, #tpu.memory_space<hbm>>
        tpu.wait_indirect_dma semaphore(%arg24 : memref<!tpu.dma_semaphore, #tpu.memory_space<semaphore_mem>>) src(%dma_wait3A_443 : memref<10000x128xf32, #tpu.memory_space<hbm>>) dst(%arg17 : memref<40x128xf32, #tpu.memory_space<vmem>>)
        %dma_wait3A_444 = arith.constant 0 : i32
        %dma_wait3A_445 = tpu.memref_slice %arg6[%arg0, %add3A_435, %dma_wait3A_444] : memref<2x320000x64xf32, #tpu.memory_space<hbm>> -> memref<1x40x64xf32, #tpu.memory_space<hbm>>
        %dma_wait3A_446 = tpu.memref_squeeze %dma_wait3A_445 : memref<1x40x64xf32, #tpu.memory_space<hbm>> -> memref<40x64xf32, #tpu.memory_space<hbm>>
        %dma_wait3A_447 = arith.constant 0 : i32
        %dma_wait3A_448 = tpu.memref_slice %arg6[%arg0, %add3A_435, %dma_wait3A_447] : memref<2x320000x64xf32, #tpu.memory_space<hbm>> -> memref<1x40x64xf32, #tpu.memory_space<hbm>>
        %dma_wait3A_449 = tpu.memref_squeeze %dma_wait3A_448 : memref<1x40x64xf32, #tpu.memory_space<hbm>> -> memref<40x64xf32, #tpu.memory_space<hbm>>
        tpu.wait_dma2 semaphore(%arg24 : memref<!tpu.dma_semaphore, #tpu.memory_space<semaphore_mem>>) src(%dma_wait3A_449 : memref<40x64xf32, #tpu.memory_space<hbm>>) dst(%arg19 : memref<40x64xf32, #tpu.memory_space<vmem>>)
        %add3A_450 = arith.constant 1 : i32
        %add3A_451 = arith.addi %mul3A_142, %add3A_450 : i32
        %mul3A_452 = arith.constant 40 : i32
        %mul3A_453 = arith.muli %add3A_451, %mul3A_452 : i32
        %add3A_454 = arith.addi %add3A, %mul3A_453 : i32
        %scan3A_455 = arith.constant 0 : i32
        %get3A_456 = arith.index_cast %scan3A_455 : i32 to index
        %get3A_457 = arith.constant 0 : index
        %get3A_458 = tpu.vector_load %arg15[%get3A_456, %get3A_457] {strides = array<i32>} : memref<40x128xf32, #tpu.memory_space<vmem>>, vector<1x16xf32>,
        %get3A_459 = vector.shape_cast %get3A_458 : vector<1x16xf32> to vector<16xf32>
        %get3A_460 = arith.index_cast %scan3A_455 : i32 to index
        %get3A_461 = arith.constant 64 : index
        %get3A_462 = tpu.vector_load %arg15[%get3A_460, %get3A_461] {strides = array<i32>} : memref<40x128xf32, #tpu.memory_space<vmem>>, vector<1x16xf32>,
        %get3A_463 = vector.shape_cast %get3A_462 : vector<1x16xf32> to vector<16xf32>
        %add3A_464 = arith.constant 0 : i32
        %add3A_465 = arith.addi %mul3A_12, %add3A_464 : i32
        %get3A_466 = arith.index_cast %scan3A_455 : i32 to index
        %get3A_467 = arith.index_cast %add3A_465 : i32 to index
        %get3A_468 = tpu.vector_load %arg17[%get3A_466, %get3A_467] {strides = array<i32>} : memref<40x128xf32, #tpu.memory_space<vmem>>, vector<1x16xf32>,
        %get3A_469 = vector.shape_cast %get3A_468 : vector<1x16xf32> to vector<16xf32>
        %get3A_470 = arith.index_cast %scan3A_455 : i32 to index
        %get3A_471 = arith.constant 0 : index
        %get3A_472 = tpu.vector_load %arg19[%get3A_470, %get3A_471] {strides = array<i32>} : memref<40x64xf32, #tpu.memory_space<vmem>>, vector<1x16xf32>,
        %get3A_473 = vector.shape_cast %get3A_472 : vector<1x16xf32> to vector<16xf32>
        %add3A_474 = arith.addf %get3A_459, %get3A_469 : vector<16xf32>
        %add3A_475 = arith.addf %add3A_474, %get3A_473 : vector<16xf32>
        %swap3A_476 = arith.index_cast %scan3A_455 : i32 to index
        %swap3A_477 = arith.constant 0 : index
        %swap3A_478 = tpu.vector_load %arg19[%swap3A_476, %swap3A_477] {strides = array<i32>} : memref<40x64xf32, #tpu.memory_space<vmem>>, vector<1x16xf32>,
        %swap3A_479 = vector.shape_cast %swap3A_478 : vector<1x16xf32> to vector<16xf32>
        %swap3A_480 = vector.shape_cast %add3A_475 : vector<16xf32> to vector<1x16xf32>
        tpu.vector_store %arg19[%swap3A_476, %swap3A_477], %swap3A_480 {strides = array<i32>} : memref<40x64xf32, #tpu.memory_space<vmem>>, vector<1x16xf32>,
        %neg3A_481 = arith.constant 0.000000e+00 : f32
        %neg3A_482 = vector.broadcast %neg3A_481 : f32 to vector<16xf32>
        %neg3A_483 = arith.subf %neg3A_482, %add3A_475 : vector<16xf32>
        %exp3A_484 = math.exp %neg3A_483 : vector<16xf32>
        %add3A_485 = arith.constant 1.000000e+00 : f32
        %add3A_486 = vector.broadcast %add3A_485 : f32 to vector<16xf32>
        %add3A_487 = arith.addf %add3A_486, %exp3A_484 : vector<16xf32>
        %div3A_488 = arith.constant 1.000000e+00 : f32
        %div3A_489 = vector.broadcast %div3A_488 : f32 to vector<16xf32>
        %div3A_490 = arith.divf %div3A_489, %add3A_487 : vector<16xf32>
        %swap3A_491 = arith.index_cast %scan3A_455 : i32 to index
        %swap3A_492 = arith.constant 64 : index
        %swap3A_493 = tpu.vector_load %arg20[%swap3A_491, %swap3A_492] {strides = array<i32>} : memref<40x128xf32, #tpu.memory_space<vmem>>, vector<1x16xf32>,
        %swap3A_494 = vector.shape_cast %swap3A_493 : vector<1x16xf32> to vector<16xf32>
        %swap3A_495 = vector.shape_cast %div3A_490 : vector<16xf32> to vector<1x16xf32>
        tpu.vector_store %arg20[%swap3A_491, %swap3A_492], %swap3A_495 {strides = array<i32>} : memref<40x128xf32, #tpu.memory_space<vmem>>, vector<1x16xf32>,
        %mul3A_496 = arith.mulf %get3A_463, %div3A_490 : vector<16xf32>
        %swap3A_497 = arith.index_cast %scan3A_455 : i32 to index
        %swap3A_498 = arith.constant 0 : index
        %swap3A_499 = tpu.vector_load %arg20[%swap3A_497, %swap3A_498] {strides = array<i32>} : memref<40x128xf32, #tpu.memory_space<vmem>>, vector<1x16xf32>,
        %swap3A_500 = vector.shape_cast %swap3A_499 : vector<1x16xf32> to vector<16xf32>
        %swap3A_501 = vector.shape_cast %mul3A_496 : vector<16xf32> to vector<1x16xf32>
        tpu.vector_store %arg20[%swap3A_497, %swap3A_498], %swap3A_501 {strides = array<i32>} : memref<40x128xf32, #tpu.memory_space<vmem>>, vector<1x16xf32>,
        %add3A_502 = arith.addf %add3A_226, %add3A_475 : vector<16xf32>
        %mul3A_503 = arith.mulf %add3A_475, %add3A_475 : vector<16xf32>
        %add3A_504 = arith.addf %add3A_228, %mul3A_503 : vector<16xf32>
        %get3A_505 = arith.index_cast %scan3A_455 : i32 to index
        %get3A_506 = arith.constant 16 : index
        %get3A_507 = tpu.vector_load %arg15[%get3A_505, %get3A_506] {strides = array<i32>} : memref<40x128xf32, #tpu.memory_space<vmem>>, vector<1x16xf32>,
        %get3A_508 = vector.shape_cast %get3A_507 : vector<1x16xf32> to vector<16xf32>
        %get3A_509 = arith.index_cast %scan3A_455 : i32 to index
        %get3A_510 = arith.constant 80 : index
        %get3A_511 = tpu.vector_load %arg15[%get3A_509, %get3A_510] {strides = array<i32>} : memref<40x128xf32, #tpu.memory_space<vmem>>, vector<1x16xf32>,
        %get3A_512 = vector.shape_cast %get3A_511 : vector<1x16xf32> to vector<16xf32>
        %add3A_513 = arith.constant 16 : i32
        %add3A_514 = arith.addi %mul3A_12, %add3A_513 : i32
        %get3A_515 = arith.index_cast %scan3A_455 : i32 to index
        %get3A_516 = arith.index_cast %add3A_514 : i32 to index
        %get3A_517 = tpu.vector_load %arg17[%get3A_515, %get3A_516] {strides = array<i32>} : memref<40x128xf32, #tpu.memory_space<vmem>>, vector<1x16xf32>,
        %get3A_518 = vector.shape_cast %get3A_517 : vector<1x16xf32> to vector<16xf32>
        %get3A_519 = arith.index_cast %scan3A_455 : i32 to index
        %get3A_520 = arith.constant 16 : index
        %get3A_521 = tpu.vector_load %arg19[%get3A_519, %get3A_520] {strides = array<i32>} : memref<40x64xf32, #tpu.memory_space<vmem>>, vector<1x16xf32>,
        %get3A_522 = vector.shape_cast %get3A_521 : vector<1x16xf32> to vector<16xf32>
        %add3A_523 = arith.addf %get3A_508, %get3A_518 : vector<16xf32>
        %add3A_524 = arith.addf %add3A_523, %get3A_522 : vector<16xf32>
        %swap3A_525 = arith.index_cast %scan3A_455 : i32 to index
        %swap3A_526 = arith.constant 16 : index
        %swap3A_527 = tpu.vector_load %arg19[%swap3A_525, %swap3A_526] {strides = array<i32>} : memref<40x64xf32, #tpu.memory_space<vmem>>, vector<1x16xf32>,
        %swap3A_528 = vector.shape_cast %swap3A_527 : vector<1x16xf32> to vector<16xf32>
        %swap3A_529 = vector.shape_cast %add3A_524 : vector<16xf32> to vector<1x16xf32>
        tpu.vector_store %arg19[%swap3A_525, %swap3A_526], %swap3A_529 {strides = array<i32>} : memref<40x64xf32, #tpu.memory_space<vmem>>, vector<1x16xf32>,
        %neg3A_530 = arith.constant 0.000000e+00 : f32
        %neg3A_531 = vector.broadcast %neg3A_530 : f32 to vector<16xf32>
        %neg3A_532 = arith.subf %neg3A_531, %add3A_524 : vector<16xf32>
        %exp3A_533 = math.exp %neg3A_532 : vector<16xf32>
        %add3A_534 = arith.constant 1.000000e+00 : f32
        %add3A_535 = vector.broadcast %add3A_534 : f32 to vector<16xf32>
        %add3A_536 = arith.addf %add3A_535, %exp3A_533 : vector<16xf32>
        %div3A_537 = arith.constant 1.000000e+00 : f32
        %div3A_538 = vector.broadcast %div3A_537 : f32 to vector<16xf32>
        %div3A_539 = arith.divf %div3A_538, %add3A_536 : vector<16xf32>
        %swap3A_540 = arith.index_cast %scan3A_455 : i32 to index
        %swap3A_541 = arith.constant 80 : index
        %swap3A_542 = tpu.vector_load %arg20[%swap3A_540, %swap3A_541] {strides = array<i32>} : memref<40x128xf32, #tpu.memory_space<vmem>>, vector<1x16xf32>,
        %swap3A_543 = vector.shape_cast %swap3A_542 : vector<1x16xf32> to vector<16xf32>
        %swap3A_544 = vector.shape_cast %div3A_539 : vector<16xf32> to vector<1x16xf32>
        tpu.vector_store %arg20[%swap3A_540, %swap3A_541], %swap3A_544 {strides = array<i32>} : memref<40x128xf32, #tpu.memory_space<vmem>>, vector<1x16xf32>,
        %mul3A_545 = arith.mulf %get3A_512, %div3A_539 : vector<16xf32>
        %swap3A_546 = arith.index_cast %scan3A_455 : i32 to index
        %swap3A_547 = arith.constant 16 : index
        %swap3A_548 = tpu.vector_load %arg20[%swap3A_546, %swap3A_547] {strides = array<i32>} : memref<40x128xf32, #tpu.memory_space<vmem>>, vector<1x16xf32>,
        %swap3A_549 = vector.shape_cast %swap3A_548 : vector<1x16xf32> to vector<16xf32>
        %swap3A_550 = vector.shape_cast %mul3A_545 : vector<16xf32> to vector<1x16xf32>
        tpu.vector_store %arg20[%swap3A_546, %swap3A_547], %swap3A_550 {strides = array<i32>} : memref<40x128xf32, #tpu.memory_space<vmem>>, vector<1x16xf32>,
        %add3A_551 = arith.addf %add3A_275, %add3A_524 : vector<16xf32>
        %mul3A_552 = arith.mulf %add3A_524, %add3A_524 : vector<16xf32>
        %add3A_553 = arith.addf %add3A_277, %mul3A_552 : vector<16xf32>
        %get3A_554 = arith.index_cast %scan3A_455 : i32 to index
        %get3A_555 = arith.constant 32 : index
        %get3A_556 = tpu.vector_load %arg15[%get3A_554, %get3A_555] {strides = array<i32>} : memref<40x128xf32, #tpu.memory_space<vmem>>, vector<1x16xf32>,
        %get3A_557 = vector.shape_cast %get3A_556 : vector<1x16xf32> to vector<16xf32>
        %get3A_558 = arith.index_cast %scan3A_455 : i32 to index
        %get3A_559 = arith.constant 96 : index
        %get3A_560 = tpu.vector_load %arg15[%get3A_558, %get3A_559] {strides = array<i32>} : memref<40x128xf32, #tpu.memory_space<vmem>>, vector<1x16xf32>,
        %get3A_561 = vector.shape_cast %get3A_560 : vector<1x16xf32> to vector<16xf32>
        %add3A_562 = arith.constant 32 : i32
        %add3A_563 = arith.addi %mul3A_12, %add3A_562 : i32
        %get3A_564 = arith.index_cast %scan3A_455 : i32 to index
        %get3A_565 = arith.index_cast %add3A_563 : i32 to index
        %get3A_566 = tpu.vector_load %arg17[%get3A_564, %get3A_565] {strides = array<i32>} : memref<40x128xf32, #tpu.memory_space<vmem>>, vector<1x16xf32>,
        %get3A_567 = vector.shape_cast %get3A_566 : vector<1x16xf32> to vector<16xf32>
        %get3A_568 = arith.index_cast %scan3A_455 : i32 to index
        %get3A_569 = arith.constant 32 : index
        %get3A_570 = tpu.vector_load %arg19[%get3A_568, %get3A_569] {strides = array<i32>} : memref<40x64xf32, #tpu.memory_space<vmem>>, vector<1x16xf32>,
        %get3A_571 = vector.shape_cast %get3A_570 : vector<1x16xf32> to vector<16xf32>
        %add3A_572 = arith.addf %get3A_557, %get3A_567 : vector<16xf32>
        %add3A_573 = arith.addf %add3A_572, %get3A_571 : vector<16xf32>
        %swap3A_574 = arith.index_cast %scan3A_455 : i32 to index
        %swap3A_575 = arith.constant 32 : index
        %swap3A_576 = tpu.vector_load %arg19[%swap3A_574, %swap3A_575] {strides = array<i32>} : memref<40x64xf32, #tpu.memory_space<vmem>>, vector<1x16xf32>,
        %swap3A_577 = vector.shape_cast %swap3A_576 : vector<1x16xf32> to vector<16xf32>
        %swap3A_578 = vector.shape_cast %add3A_573 : vector<16xf32> to vector<1x16xf32>
        tpu.vector_store %arg19[%swap3A_574, %swap3A_575], %swap3A_578 {strides = array<i32>} : memref<40x64xf32, #tpu.memory_space<vmem>>, vector<1x16xf32>,
        %neg3A_579 = arith.constant 0.000000e+00 : f32
        %neg3A_580 = vector.broadcast %neg3A_579 : f32 to vector<16xf32>
        %neg3A_581 = arith.subf %neg3A_580, %add3A_573 : vector<16xf32>
        %exp3A_582 = math.exp %neg3A_581 : vector<16xf32>
        %add3A_583 = arith.constant 1.000000e+00 : f32
        %add3A_584 = vector.broadcast %add3A_583 : f32 to vector<16xf32>
        %add3A_585 = arith.addf %add3A_584, %exp3A_582 : vector<16xf32>
        %div3A_586 = arith.constant 1.000000e+00 : f32
        %div3A_587 = vector.broadcast %div3A_586 : f32 to vector<16xf32>
        %div3A_588 = arith.divf %div3A_587, %add3A_585 : vector<16xf32>
        %swap3A_589 = arith.index_cast %scan3A_455 : i32 to index
        %swap3A_590 = arith.constant 96 : index
        %swap3A_591 = tpu.vector_load %arg20[%swap3A_589, %swap3A_590] {strides = array<i32>} : memref<40x128xf32, #tpu.memory_space<vmem>>, vector<1x16xf32>,
        %swap3A_592 = vector.shape_cast %swap3A_591 : vector<1x16xf32> to vector<16xf32>
        %swap3A_593 = vector.shape_cast %div3A_588 : vector<16xf32> to vector<1x16xf32>
        tpu.vector_store %arg20[%swap3A_589, %swap3A_590], %swap3A_593 {strides = array<i32>} : memref<40x128xf32, #tpu.memory_space<vmem>>, vector<1x16xf32>,
        %mul3A_594 = arith.mulf %get3A_561, %div3A_588 : vector<16xf32>
        %swap3A_595 = arith.index_cast %scan3A_455 : i32 to index
        %swap3A_596 = arith.constant 32 : index
        %swap3A_597 = tpu.vector_load %arg20[%swap3A_595, %swap3A_596] {strides = array<i32>} : memref<40x128xf32, #tpu.memory_space<vmem>>, vector<1x16xf32>,
        %swap3A_598 = vector.shape_cast %swap3A_597 : vector<1x16xf32> to vector<16xf32>
        %swap3A_599 = vector.shape_cast %mul3A_594 : vector<16xf32> to vector<1x16xf32>
        tpu.vector_store %arg20[%swap3A_595, %swap3A_596], %swap3A_599 {strides = array<i32>} : memref<40x128xf32, #tpu.memory_space<vmem>>, vector<1x16xf32>,
        %add3A_600 = arith.addf %add3A_324, %add3A_573 : vector<16xf32>
        %mul3A_601 = arith.mulf %add3A_573, %add3A_573 : vector<16xf32>
        %add3A_602 = arith.addf %add3A_326, %mul3A_601 : vector<16xf32>
        %get3A_603 = arith.index_cast %scan3A_455 : i32 to index
        %get3A_604 = arith.constant 48 : index
        %get3A_605 = tpu.vector_load %arg15[%get3A_603, %get3A_604] {strides = array<i32>} : memref<40x128xf32, #tpu.memory_space<vmem>>, vector<1x16xf32>,
        %get3A_606 = vector.shape_cast %get3A_605 : vector<1x16xf32> to vector<16xf32>
        %get3A_607 = arith.index_cast %scan3A_455 : i32 to index
        %get3A_608 = arith.constant 112 : index
        %get3A_609 = tpu.vector_load %arg15[%get3A_607, %get3A_608] {strides = array<i32>} : memref<40x128xf32, #tpu.memory_space<vmem>>, vector<1x16xf32>,
        %get3A_610 = vector.shape_cast %get3A_609 : vector<1x16xf32> to vector<16xf32>
        %add3A_611 = arith.constant 48 : i32
        %add3A_612 = arith.addi %mul3A_12, %add3A_611 : i32
        %get3A_613 = arith.index_cast %scan3A_455 : i32 to index
        %get3A_614 = arith.index_cast %add3A_612 : i32 to index
        %get3A_615 = tpu.vector_load %arg17[%get3A_613, %get3A_614] {strides = array<i32>} : memref<40x128xf32, #tpu.memory_space<vmem>>, vector<1x16xf32>,
        %get3A_616 = vector.shape_cast %get3A_615 : vector<1x16xf32> to vector<16xf32>
        %get3A_617 = arith.index_cast %scan3A_455 : i32 to index
        %get3A_618 = arith.constant 48 : index
        %get3A_619 = tpu.vector_load %arg19[%get3A_617, %get3A_618] {strides = array<i32>} : memref<40x64xf32, #tpu.memory_space<vmem>>, vector<1x16xf32>,
        %get3A_620 = vector.shape_cast %get3A_619 : vector<1x16xf32> to vector<16xf32>
        %add3A_621 = arith.addf %get3A_606, %get3A_616 : vector<16xf32>
        %add3A_622 = arith.addf %add3A_621, %get3A_620 : vector<16xf32>
        %swap3A_623 = arith.index_cast %scan3A_455 : i32 to index
        %swap3A_624 = arith.constant 48 : index
        %swap3A_625 = tpu.vector_load %arg19[%swap3A_623, %swap3A_624] {strides = array<i32>} : memref<40x64xf32, #tpu.memory_space<vmem>>, vector<1x16xf32>,
        %swap3A_626 = vector.shape_cast %swap3A_625 : vector<1x16xf32> to vector<16xf32>
        %swap3A_627 = vector.shape_cast %add3A_622 : vector<16xf32> to vector<1x16xf32>
        tpu.vector_store %arg19[%swap3A_623, %swap3A_624], %swap3A_627 {strides = array<i32>} : memref<40x64xf32, #tpu.memory_space<vmem>>, vector<1x16xf32>,
        %neg3A_628 = arith.constant 0.000000e+00 : f32
        %neg3A_629 = vector.broadcast %neg3A_628 : f32 to vector<16xf32>
        %neg3A_630 = arith.subf %neg3A_629, %add3A_622 : vector<16xf32>
        %exp3A_631 = math.exp %neg3A_630 : vector<16xf32>
        %add3A_632 = arith.constant 1.000000e+00 : f32
        %add3A_633 = vector.broadcast %add3A_632 : f32 to vector<16xf32>
        %add3A_634 = arith.addf %add3A_633, %exp3A_631 : vector<16xf32>
        %div3A_635 = arith.constant 1.000000e+00 : f32
        %div3A_636 = vector.broadcast %div3A_635 : f32 to vector<16xf32>
        %div3A_637 = arith.divf %div3A_636, %add3A_634 : vector<16xf32>
        %swap3A_638 = arith.index_cast %scan3A_455 : i32 to index
        %swap3A_639 = arith.constant 112 : index
        %swap3A_640 = tpu.vector_load %arg20[%swap3A_638, %swap3A_639] {strides = array<i32>} : memref<40x128xf32, #tpu.memory_space<vmem>>, vector<1x16xf32>,
        %swap3A_641 = vector.shape_cast %swap3A_640 : vector<1x16xf32> to vector<16xf32>
        %swap3A_642 = vector.shape_cast %div3A_637 : vector<16xf32> to vector<1x16xf32>
        tpu.vector_store %arg20[%swap3A_638, %swap3A_639], %swap3A_642 {strides = array<i32>} : memref<40x128xf32, #tpu.memory_space<vmem>>, vector<1x16xf32>,
        %mul3A_643 = arith.mulf %get3A_610, %div3A_637 : vector<16xf32>
        %swap3A_644 = arith.index_cast %scan3A_455 : i32 to index
        %swap3A_645 = arith.constant 48 : index
        %swap3A_646 = tpu.vector_load %arg20[%swap3A_644, %swap3A_645] {strides = array<i32>} : memref<40x128xf32, #tpu.memory_space<vmem>>, vector<1x16xf32>,
        %swap3A_647 = vector.shape_cast %swap3A_646 : vector<1x16xf32> to vector<16xf32>
        %swap3A_648 = vector.shape_cast %mul3A_643 : vector<16xf32> to vector<1x16xf32>
        tpu.vector_store %arg20[%swap3A_644, %swap3A_645], %swap3A_648 {strides = array<i32>} : memref<40x128xf32, #tpu.memory_space<vmem>>, vector<1x16xf32>,
        %add3A_649 = arith.addf %add3A_373, %add3A_622 : vector<16xf32>
        %mul3A_650 = arith.mulf %add3A_622, %add3A_622 : vector<16xf32>
        %add3A_651 = arith.addf %add3A_375, %mul3A_650 : vector<16xf32>
        %scan3A_652 = arith.constant 1 : i32
        %mul3A_653 = arith.constant 40 : i32
        %mul3A_654 = arith.muli %add3A_451, %mul3A_653 : i32
        %add3A_655 = arith.constant 0 : i32
        %add3A_656 = arith.addi %mul3A_654, %add3A_655 : i32
        %get3A_657 = arith.index_cast %add3A_656 : i32 to index
        %get3A_658 = tpu.vector_load %arg12[%get3A_657] {strides = array<i32>} : memref<2000xi32, #tpu.memory_space<vmem>>, vector<16xi32>,
        %get3A_659 = vector.shape_cast %get3A_658 : vector<16xi32> to vector<16xi32>
        %swap3A_660 = arith.constant 0 : index
        %swap3A_661 = tpu.vector_load %arg13[%swap3A_660] {strides = array<i32>} : memref<40xi32, #tpu.memory_space<vmem>>, vector<16xi32>,
        %swap3A_662 = vector.shape_cast %swap3A_661 : vector<16xi32> to vector<16xi32>
        %swap3A_663 = vector.shape_cast %get3A_659 : vector<16xi32> to vector<16xi32>
        tpu.vector_store %arg13[%swap3A_660], %swap3A_663 {strides = array<i32>} : memref<40xi32, #tpu.memory_space<vmem>>, vector<16xi32>,
        %mul3A_664 = arith.constant 40 : i32
        %mul3A_665 = arith.muli %add3A_451, %mul3A_664 : i32
        %add3A_666 = arith.constant 16 : i32
        %add3A_667 = arith.addi %mul3A_665, %add3A_666 : i32
        %get3A_668 = arith.index_cast %add3A_667 : i32 to index
        %get3A_669 = tpu.vector_load %arg12[%get3A_668] {strides = array<i32>} : memref<2000xi32, #tpu.memory_space<vmem>>, vector<16xi32>,
        %get3A_670 = vector.shape_cast %get3A_669 : vector<16xi32> to vector<16xi32>
        %swap3A_671 = arith.constant 16 : index
        %swap3A_672 = tpu.vector_load %arg13[%swap3A_671] {strides = array<i32>} : memref<40xi32, #tpu.memory_space<vmem>>, vector<16xi32>,
        %swap3A_673 = vector.shape_cast %swap3A_672 : vector<16xi32> to vector<16xi32>
        %swap3A_674 = vector.shape_cast %get3A_670 : vector<16xi32> to vector<16xi32>
        tpu.vector_store %arg13[%swap3A_671], %swap3A_674 {strides = array<i32>} : memref<40xi32, #tpu.memory_space<vmem>>, vector<16xi32>,
        %mul3A_675 = arith.constant 40 : i32
        %mul3A_676 = arith.muli %add3A_451, %mul3A_675 : i32
        %add3A_677 = arith.constant 24 : i32
        %add3A_678 = arith.addi %mul3A_676, %add3A_677 : i32
        %get3A_679 = arith.index_cast %add3A_678 : i32 to index
        %get3A_680 = tpu.vector_load %arg12[%get3A_679] {strides = array<i32>} : memref<2000xi32, #tpu.memory_space<vmem>>, vector<16xi32>,
        %get3A_681 = vector.shape_cast %get3A_680 : vector<16xi32> to vector<16xi32>
        %swap3A_682 = arith.constant 24 : index
        %swap3A_683 = tpu.vector_load %arg13[%swap3A_682] {strides = array<i32>} : memref<40xi32, #tpu.memory_space<vmem>>, vector<16xi32>,
        %swap3A_684 = vector.shape_cast %swap3A_683 : vector<16xi32> to vector<16xi32>
        %swap3A_685 = vector.shape_cast %get3A_681 : vector<16xi32> to vector<16xi32>
        tpu.vector_store %arg13[%swap3A_682], %swap3A_685 {strides = array<i32>} : memref<40xi32, #tpu.memory_space<vmem>>, vector<16xi32>,
        "tpu.region"() ({
          %run_scoped3A_686 = tpu.sem_alloc : memref<!tpu.dma_semaphore, #tpu.memory_space<semaphore_mem>>
          %dma_start3A_687 = arith.constant 0 : i32
          %dma_start3A_688 = tpu.memref_slice %arg7[%arg0, %add3A_454, %dma_start3A_687] : memref<2x320000x64xf32, #tpu.memory_space<hbm>> -> memref<1x40x64xf32, #tpu.memory_space<hbm>>
          %dma_start3A_689 = tpu.memref_squeeze %dma_start3A_688 : memref<1x40x64xf32, #tpu.memory_space<hbm>> -> memref<40x64xf32, #tpu.memory_space<hbm>>
          %dma_start3A_690 = arith.constant 0 : i32
          %dma_start3A_691 = tpu.memref_slice %arg7[%arg0, %add3A_454, %dma_start3A_690] : memref<2x320000x64xf32, #tpu.memory_space<hbm>> -> memref<1x40x64xf32, #tpu.memory_space<hbm>>
          %dma_start3A_692 = tpu.memref_squeeze %dma_start3A_691 : memref<1x40x64xf32, #tpu.memory_space<hbm>> -> memref<40x64xf32, #tpu.memory_space<hbm>>
          tpu.enqueue_dma source(%arg19 : memref<40x64xf32, #tpu.memory_space<vmem>>) target(%dma_start3A_692 : memref<40x64xf32, #tpu.memory_space<hbm>>) target_semaphore(%run_scoped3A_686 : memref<!tpu.dma_semaphore, #tpu.memory_space<semaphore_mem>>)
          %dma_wait3A_693 = arith.constant 0 : i32
          %dma_wait3A_694 = tpu.memref_slice %arg7[%arg0, %add3A_454, %dma_wait3A_693] : memref<2x320000x64xf32, #tpu.memory_space<hbm>> -> memref<1x40x64xf32, #tpu.memory_space<hbm>>
          %dma_wait3A_695 = tpu.memref_squeeze %dma_wait3A_694 : memref<1x40x64xf32, #tpu.memory_space<hbm>> -> memref<40x64xf32, #tpu.memory_space<hbm>>
          %dma_wait3A_696 = arith.constant 0 : i32
          %dma_wait3A_697 = tpu.memref_slice %arg7[%arg0, %add3A_454, %dma_wait3A_696] : memref<2x320000x64xf32, #tpu.memory_space<hbm>> -> memref<1x40x64xf32, #tpu.memory_space<hbm>>
          %dma_wait3A_698 = tpu.memref_squeeze %dma_wait3A_697 : memref<1x40x64xf32, #tpu.memory_space<hbm>> -> memref<40x64xf32, #tpu.memory_space<hbm>>
          tpu.wait_dma2 semaphore(%run_scoped3A_686 : memref<!tpu.dma_semaphore, #tpu.memory_space<semaphore_mem>>) src(%arg19 : memref<40x64xf32, #tpu.memory_space<vmem>>) dst(%dma_wait3A_698 : memref<40x64xf32, #tpu.memory_space<hbm>>)
          tpu.yield
        }) : () -> ()
        "tpu.region"() ({
          %run_scoped3A_686 = tpu.sem_alloc : memref<!tpu.dma_semaphore, #tpu.memory_space<semaphore_mem>>
          %dma_start3A_687 = arith.constant 0 : i32
          %dma_start3A_688 = arith.constant 0 : i32
          %dma_start3A_689 = tpu.memref_slice %arg22[%dma_start3A_687, %dma_start3A_688] : memref<10000x128xf32, #tpu.memory_space<vmem_shared>> -> memref<10000x128xf32, #tpu.memory_space<vmem_shared>>
          tpu.enqueue_indirect_dma source(%arg20 : memref<40x128xf32, #tpu.memory_space<vmem>>) target(%dma_start3A_689 : memref<10000x128xf32, #tpu.memory_space<vmem_shared>>) offsets(%arg13 : memref<40xi32, #tpu.memory_space<vmem>>) semaphore(%run_scoped3A_686 : memref<!tpu.dma_semaphore, #tpu.memory_space<semaphore_mem>>) {add = true}
          %dma_wait3A_690 = arith.constant 0 : i32
          %dma_wait3A_691 = arith.constant 0 : i32
          %dma_wait3A_692 = tpu.memref_slice %arg22[%dma_wait3A_690, %dma_wait3A_691] : memref<10000x128xf32, #tpu.memory_space<vmem_shared>> -> memref<10000x128xf32, #tpu.memory_space<vmem_shared>>
          tpu.wait_indirect_dma semaphore(%run_scoped3A_686 : memref<!tpu.dma_semaphore, #tpu.memory_space<semaphore_mem>>) src(%arg20 : memref<40x128xf32, #tpu.memory_space<vmem>>) dst(%dma_wait3A_692 : memref<10000x128xf32, #tpu.memory_space<vmem_shared>>)
          tpu.yield
        }) : () -> ()
        scf.yield %add3A_502, %add3A_551, %add3A_600, %add3A_649, %add3A_504, %add3A_553, %add3A_602, %add3A_651 : vector<16xf32>, vector<16xf32>, vector<16xf32>, vector<16xf32>, vector<16xf32>, vector<16xf32>, vector<16xf32>, vector<16xf32>
      }
      %scan3A_114 = arith.constant 25 : i32
      %add3A_115 = arith.constant 1960 : i32
      %add3A_116 = arith.addi %add3A, %add3A_115 : i32
      %dma_wait3A = arith.constant 1960 : i32
      %dma_wait3A_117 = tpu.memref_slice %arg11[%dma_wait3A] : memref<2000xi32, #tpu.memory_space<vmem>> -> memref<40xi32, #tpu.memory_space<vmem>>
      %dma_wait3A_118 = arith.constant 0 : i32
      %dma_wait3A_119 = arith.constant 0 : i32
      %dma_wait3A_120 = tpu.memref_slice %arg4[%dma_wait3A_118, %dma_wait3A_119] : memref<20000x128xf32, #tpu.memory_space<hbm>> -> memref<20000x128xf32, #tpu.memory_space<hbm>>
      tpu.wait_indirect_dma semaphore(%arg23 : memref<!tpu.dma_semaphore, #tpu.memory_space<semaphore_mem>>) src(%dma_wait3A_120 : memref<20000x128xf32, #tpu.memory_space<hbm>>) dst(%arg14 : memref<40x128xf32, #tpu.memory_space<vmem>>)
      %dma_wait3A_121 = arith.constant 1960 : i32
      %dma_wait3A_122 = tpu.memref_slice %arg12[%dma_wait3A_121] : memref<2000xi32, #tpu.memory_space<vmem>> -> memref<40xi32, #tpu.memory_space<vmem>>
      %dma_wait3A_123 = arith.constant 0 : i32
      %dma_wait3A_124 = arith.constant 0 : i32
      %dma_wait3A_125 = tpu.memref_slice %arg5[%dma_wait3A_123, %dma_wait3A_124] : memref<10000x128xf32, #tpu.memory_space<hbm>> -> memref<10000x128xf32, #tpu.memory_space<hbm>>
      tpu.wait_indirect_dma semaphore(%arg23 : memref<!tpu.dma_semaphore, #tpu.memory_space<semaphore_mem>>) src(%dma_wait3A_125 : memref<10000x128xf32, #tpu.memory_space<hbm>>) dst(%arg16 : memref<40x128xf32, #tpu.memory_space<vmem>>)
      %dma_wait3A_126 = arith.constant 0 : i32
      %dma_wait3A_127 = tpu.memref_slice %arg6[%arg0, %add3A_116, %dma_wait3A_126] : memref<2x320000x64xf32, #tpu.memory_space<hbm>> -> memref<1x40x64xf32, #tpu.memory_space<hbm>>
      %dma_wait3A_128 = tpu.memref_squeeze %dma_wait3A_127 : memref<1x40x64xf32, #tpu.memory_space<hbm>> -> memref<40x64xf32, #tpu.memory_space<hbm>>
      %dma_wait3A_129 = arith.constant 0 : i32
      %dma_wait3A_130 = tpu.memref_slice %arg6[%arg0, %add3A_116, %dma_wait3A_129] : memref<2x320000x64xf32, #tpu.memory_space<hbm>> -> memref<1x40x64xf32, #tpu.memory_space<hbm>>
      %dma_wait3A_131 = tpu.memref_squeeze %dma_wait3A_130 : memref<1x40x64xf32, #tpu.memory_space<hbm>> -> memref<40x64xf32, #tpu.memory_space<hbm>>
      tpu.wait_dma2 semaphore(%arg23 : memref<!tpu.dma_semaphore, #tpu.memory_space<semaphore_mem>>) src(%dma_wait3A_131 : memref<40x64xf32, #tpu.memory_space<hbm>>) dst(%arg18 : memref<40x64xf32, #tpu.memory_space<vmem>>)
      scf.yield %scan3A_113#0, %scan3A_113#1, %scan3A_113#2, %scan3A_113#3, %scan3A_113#4, %scan3A_113#5, %scan3A_113#6, %scan3A_113#7 : vector<16xf32>, vector<16xf32>, vector<16xf32>, vector<16xf32>, vector<16xf32>, vector<16xf32>, vector<16xf32>, vector<16xf32>
    }
    %scan3A_19 = arith.constant 10 : i32
    %swap3A = arith.constant 0 : i32
    %swap3A_20 = arith.index_cast %swap3A : i32 to index
    %swap3A_21 = arith.constant 0 : index
    %swap3A_22 = tpu.vector_load %arg21[%swap3A_20, %swap3A_21] {strides = array<i32>} : memref<2x64xf32, #tpu.memory_space<vmem>>, vector<1x16xf32>,
    %swap3A_23 = vector.shape_cast %swap3A_22 : vector<1x16xf32> to vector<16xf32>
    %swap3A_24 = vector.shape_cast %scan3A_18#0 : vector<16xf32> to vector<1x16xf32>
    tpu.vector_store %arg21[%swap3A_20, %swap3A_21], %swap3A_24 {strides = array<i32>} : memref<2x64xf32, #tpu.memory_space<vmem>>, vector<1x16xf32>,
    %swap3A_25 = arith.constant 1 : i32
    %swap3A_26 = arith.index_cast %swap3A_25 : i32 to index
    %swap3A_27 = arith.constant 0 : index
    %swap3A_28 = tpu.vector_load %arg21[%swap3A_26, %swap3A_27] {strides = array<i32>} : memref<2x64xf32, #tpu.memory_space<vmem>>, vector<1x16xf32>,
    %swap3A_29 = vector.shape_cast %swap3A_28 : vector<1x16xf32> to vector<16xf32>
    %swap3A_30 = vector.shape_cast %scan3A_18#4 : vector<16xf32> to vector<1x16xf32>
    tpu.vector_store %arg21[%swap3A_26, %swap3A_27], %swap3A_30 {strides = array<i32>} : memref<2x64xf32, #tpu.memory_space<vmem>>, vector<1x16xf32>,
    %swap3A_31 = arith.constant 0 : i32
    %swap3A_32 = arith.index_cast %swap3A_31 : i32 to index
    %swap3A_33 = arith.constant 16 : index
    %swap3A_34 = tpu.vector_load %arg21[%swap3A_32, %swap3A_33] {strides = array<i32>} : memref<2x64xf32, #tpu.memory_space<vmem>>, vector<1x16xf32>,
    %swap3A_35 = vector.shape_cast %swap3A_34 : vector<1x16xf32> to vector<16xf32>
    %swap3A_36 = vector.shape_cast %scan3A_18#1 : vector<16xf32> to vector<1x16xf32>
    tpu.vector_store %arg21[%swap3A_32, %swap3A_33], %swap3A_36 {strides = array<i32>} : memref<2x64xf32, #tpu.memory_space<vmem>>, vector<1x16xf32>,
    %swap3A_37 = arith.constant 1 : i32
    %swap3A_38 = arith.index_cast %swap3A_37 : i32 to index
    %swap3A_39 = arith.constant 16 : index
    %swap3A_40 = tpu.vector_load %arg21[%swap3A_38, %swap3A_39] {strides = array<i32>} : memref<2x64xf32, #tpu.memory_space<vmem>>, vector<1x16xf32>,
    %swap3A_41 = vector.shape_cast %swap3A_40 : vector<1x16xf32> to vector<16xf32>
    %swap3A_42 = vector.shape_cast %scan3A_18#5 : vector<16xf32> to vector<1x16xf32>
    tpu.vector_store %arg21[%swap3A_38, %swap3A_39], %swap3A_42 {strides = array<i32>} : memref<2x64xf32, #tpu.memory_space<vmem>>, vector<1x16xf32>,
    %swap3A_43 = arith.constant 0 : i32
    %swap3A_44 = arith.index_cast %swap3A_43 : i32 to index
    %swap3A_45 = arith.constant 32 : index
    %swap3A_46 = tpu.vector_load %arg21[%swap3A_44, %swap3A_45] {strides = array<i32>} : memref<2x64xf32, #tpu.memory_space<vmem>>, vector<1x16xf32>,
    %swap3A_47 = vector.shape_cast %swap3A_46 : vector<1x16xf32> to vector<16xf32>
    %swap3A_48 = vector.shape_cast %scan3A_18#2 : vector<16xf32> to vector<1x16xf32>
    tpu.vector_store %arg21[%swap3A_44, %swap3A_45], %swap3A_48 {strides = array<i32>} : memref<2x64xf32, #tpu.memory_space<vmem>>, vector<1x16xf32>,
    %swap3A_49 = arith.constant 1 : i32
    %swap3A_50 = arith.index_cast %swap3A_49 : i32 to index
    %swap3A_51 = arith.constant 32 : index
    %swap3A_52 = tpu.vector_load %arg21[%swap3A_50, %swap3A_51] {strides = array<i32>} : memref<2x64xf32, #tpu.memory_space<vmem>>, vector<1x16xf32>,
    %swap3A_53 = vector.shape_cast %swap3A_52 : vector<1x16xf32> to vector<16xf32>
    %swap3A_54 = vector.shape_cast %scan3A_18#6 : vector<16xf32> to vector<1x16xf32>
    tpu.vector_store %arg21[%swap3A_50, %swap3A_51], %swap3A_54 {strides = array<i32>} : memref<2x64xf32, #tpu.memory_space<vmem>>, vector<1x16xf32>,
    %swap3A_55 = arith.constant 0 : i32
    %swap3A_56 = arith.index_cast %swap3A_55 : i32 to index
    %swap3A_57 = arith.constant 48 : index
    %swap3A_58 = tpu.vector_load %arg21[%swap3A_56, %swap3A_57] {strides = array<i32>} : memref<2x64xf32, #tpu.memory_space<vmem>>, vector<1x16xf32>,
    %swap3A_59 = vector.shape_cast %swap3A_58 : vector<1x16xf32> to vector<16xf32>
    %swap3A_60 = vector.shape_cast %scan3A_18#3 : vector<16xf32> to vector<1x16xf32>
    tpu.vector_store %arg21[%swap3A_56, %swap3A_57], %swap3A_60 {strides = array<i32>} : memref<2x64xf32, #tpu.memory_space<vmem>>, vector<1x16xf32>,
    %swap3A_61 = arith.constant 1 : i32
    %swap3A_62 = arith.index_cast %swap3A_61 : i32 to index
    %swap3A_63 = arith.constant 48 : index
    %swap3A_64 = tpu.vector_load %arg21[%swap3A_62, %swap3A_63] {strides = array<i32>} : memref<2x64xf32, #tpu.memory_space<vmem>>, vector<1x16xf32>,
    %swap3A_65 = vector.shape_cast %swap3A_64 : vector<1x16xf32> to vector<16xf32>
    %swap3A_66 = vector.shape_cast %scan3A_18#7 : vector<16xf32> to vector<1x16xf32>
    tpu.vector_store %arg21[%swap3A_62, %swap3A_63], %swap3A_66 {strides = array<i32>} : memref<2x64xf32, #tpu.memory_space<vmem>>, vector<1x16xf32>,
    %run_scoped3A = arith.constant 0 : i32
    "tpu.region"() ({
      %run_scoped3A_74 = tpu.sem_alloc : memref<!tpu.dma_semaphore, #tpu.memory_space<semaphore_mem>>
      %dma_start3A = arith.constant 0 : i32
      %dma_start3A_75 = tpu.memref_slice %arg21[%run_scoped3A, %dma_start3A] : memref<2x64xf32, #tpu.memory_space<vmem>> -> memref<1x64xf32, #tpu.memory_space<vmem>>
      %dma_start3A_76 = tpu.memref_squeeze %dma_start3A_75 : memref<1x64xf32, #tpu.memory_space<vmem>> -> memref<64xf32, #tpu.memory_space<vmem>>
      %dma_start3A_77 = arith.constant 0 : i32
      %dma_start3A_78 = tpu.memref_slice %arg9[%arg0, %arg1, %dma_start3A_77] : memref<2x16x64xf32, #tpu.memory_space<hbm>> -> memref<1x1x64xf32, #tpu.memory_space<hbm>>
      %dma_start3A_79 = tpu.memref_squeeze %dma_start3A_78 : memref<1x1x64xf32, #tpu.memory_space<hbm>> -> memref<64xf32, #tpu.memory_space<hbm>>
      %dma_start3A_80 = arith.constant 0 : i32
      %dma_start3A_81 = tpu.memref_slice %arg9[%arg0, %arg1, %dma_start3A_80] : memref<2x16x64xf32, #tpu.memory_space<hbm>> -> memref<1x1x64xf32, #tpu.memory_space<hbm>>
      %dma_start3A_82 = tpu.memref_squeeze %dma_start3A_81 : memref<1x1x64xf32, #tpu.memory_space<hbm>> -> memref<64xf32, #tpu.memory_space<hbm>>
      %dma_start3A_83 = arith.constant 0 : i32
      %dma_start3A_84 = tpu.memref_slice %arg21[%run_scoped3A, %dma_start3A_83] : memref<2x64xf32, #tpu.memory_space<vmem>> -> memref<1x64xf32, #tpu.memory_space<vmem>>
      %dma_start3A_85 = tpu.memref_squeeze %dma_start3A_84 : memref<1x64xf32, #tpu.memory_space<vmem>> -> memref<64xf32, #tpu.memory_space<vmem>>
      tpu.enqueue_dma source(%dma_start3A_85 : memref<64xf32, #tpu.memory_space<vmem>>) target(%dma_start3A_82 : memref<64xf32, #tpu.memory_space<hbm>>) target_semaphore(%run_scoped3A_74 : memref<!tpu.dma_semaphore, #tpu.memory_space<semaphore_mem>>)
      %dma_wait3A = arith.constant 0 : i32
      %dma_wait3A_86 = tpu.memref_slice %arg21[%run_scoped3A, %dma_wait3A] : memref<2x64xf32, #tpu.memory_space<vmem>> -> memref<1x64xf32, #tpu.memory_space<vmem>>
      %dma_wait3A_87 = tpu.memref_squeeze %dma_wait3A_86 : memref<1x64xf32, #tpu.memory_space<vmem>> -> memref<64xf32, #tpu.memory_space<vmem>>
      %dma_wait3A_88 = arith.constant 0 : i32
      %dma_wait3A_89 = tpu.memref_slice %arg9[%arg0, %arg1, %dma_wait3A_88] : memref<2x16x64xf32, #tpu.memory_space<hbm>> -> memref<1x1x64xf32, #tpu.memory_space<hbm>>
      %dma_wait3A_90 = tpu.memref_squeeze %dma_wait3A_89 : memref<1x1x64xf32, #tpu.memory_space<hbm>> -> memref<64xf32, #tpu.memory_space<hbm>>
      %dma_wait3A_91 = arith.constant 0 : i32
      %dma_wait3A_92 = tpu.memref_slice %arg9[%arg0, %arg1, %dma_wait3A_91] : memref<2x16x64xf32, #tpu.memory_space<hbm>> -> memref<1x1x64xf32, #tpu.memory_space<hbm>>
      %dma_wait3A_93 = tpu.memref_squeeze %dma_wait3A_92 : memref<1x1x64xf32, #tpu.memory_space<hbm>> -> memref<64xf32, #tpu.memory_space<hbm>>
      %dma_wait3A_94 = arith.constant 0 : i32
      %dma_wait3A_95 = tpu.memref_slice %arg21[%run_scoped3A, %dma_wait3A_94] : memref<2x64xf32, #tpu.memory_space<vmem>> -> memref<1x64xf32, #tpu.memory_space<vmem>>
      %dma_wait3A_96 = tpu.memref_squeeze %dma_wait3A_95 : memref<1x64xf32, #tpu.memory_space<vmem>> -> memref<64xf32, #tpu.memory_space<vmem>>
      tpu.wait_dma2 semaphore(%run_scoped3A_74 : memref<!tpu.dma_semaphore, #tpu.memory_space<semaphore_mem>>) src(%dma_wait3A_96 : memref<64xf32, #tpu.memory_space<vmem>>) dst(%dma_wait3A_93 : memref<64xf32, #tpu.memory_space<hbm>>)
      tpu.yield
    }) : () -> ()
    %run_scoped3A_67 = arith.constant 1 : i32
    "tpu.region"() ({
      %run_scoped3A_74 = tpu.sem_alloc : memref<!tpu.dma_semaphore, #tpu.memory_space<semaphore_mem>>
      %dma_start3A = arith.constant 0 : i32
      %dma_start3A_75 = tpu.memref_slice %arg21[%run_scoped3A_67, %dma_start3A] : memref<2x64xf32, #tpu.memory_space<vmem>> -> memref<1x64xf32, #tpu.memory_space<vmem>>
      %dma_start3A_76 = tpu.memref_squeeze %dma_start3A_75 : memref<1x64xf32, #tpu.memory_space<vmem>> -> memref<64xf32, #tpu.memory_space<vmem>>
      %dma_start3A_77 = arith.constant 0 : i32
      %dma_start3A_78 = tpu.memref_slice %arg10[%arg0, %arg1, %dma_start3A_77] : memref<2x16x64xf32, #tpu.memory_space<hbm>> -> memref<1x1x64xf32, #tpu.memory_space<hbm>>
      %dma_start3A_79 = tpu.memref_squeeze %dma_start3A_78 : memref<1x1x64xf32, #tpu.memory_space<hbm>> -> memref<64xf32, #tpu.memory_space<hbm>>
      %dma_start3A_80 = arith.constant 0 : i32
      %dma_start3A_81 = tpu.memref_slice %arg10[%arg0, %arg1, %dma_start3A_80] : memref<2x16x64xf32, #tpu.memory_space<hbm>> -> memref<1x1x64xf32, #tpu.memory_space<hbm>>
      %dma_start3A_82 = tpu.memref_squeeze %dma_start3A_81 : memref<1x1x64xf32, #tpu.memory_space<hbm>> -> memref<64xf32, #tpu.memory_space<hbm>>
      %dma_start3A_83 = arith.constant 0 : i32
      %dma_start3A_84 = tpu.memref_slice %arg21[%run_scoped3A_67, %dma_start3A_83] : memref<2x64xf32, #tpu.memory_space<vmem>> -> memref<1x64xf32, #tpu.memory_space<vmem>>
      %dma_start3A_85 = tpu.memref_squeeze %dma_start3A_84 : memref<1x64xf32, #tpu.memory_space<vmem>> -> memref<64xf32, #tpu.memory_space<vmem>>
      tpu.enqueue_dma source(%dma_start3A_85 : memref<64xf32, #tpu.memory_space<vmem>>) target(%dma_start3A_82 : memref<64xf32, #tpu.memory_space<hbm>>) target_semaphore(%run_scoped3A_74 : memref<!tpu.dma_semaphore, #tpu.memory_space<semaphore_mem>>)
      %dma_wait3A = arith.constant 0 : i32
      %dma_wait3A_86 = tpu.memref_slice %arg21[%run_scoped3A_67, %dma_wait3A] : memref<2x64xf32, #tpu.memory_space<vmem>> -> memref<1x64xf32, #tpu.memory_space<vmem>>
      %dma_wait3A_87 = tpu.memref_squeeze %dma_wait3A_86 : memref<1x64xf32, #tpu.memory_space<vmem>> -> memref<64xf32, #tpu.memory_space<vmem>>
      %dma_wait3A_88 = arith.constant 0 : i32
      %dma_wait3A_89 = tpu.memref_slice %arg10[%arg0, %arg1, %dma_wait3A_88] : memref<2x16x64xf32, #tpu.memory_space<hbm>> -> memref<1x1x64xf32, #tpu.memory_space<hbm>>
      %dma_wait3A_90 = tpu.memref_squeeze %dma_wait3A_89 : memref<1x1x64xf32, #tpu.memory_space<hbm>> -> memref<64xf32, #tpu.memory_space<hbm>>
      %dma_wait3A_91 = arith.constant 0 : i32
      %dma_wait3A_92 = tpu.memref_slice %arg10[%arg0, %arg1, %dma_wait3A_91] : memref<2x16x64xf32, #tpu.memory_space<hbm>> -> memref<1x1x64xf32, #tpu.memory_space<hbm>>
      %dma_wait3A_93 = tpu.memref_squeeze %dma_wait3A_92 : memref<1x1x64xf32, #tpu.memory_space<hbm>> -> memref<64xf32, #tpu.memory_space<hbm>>
      %dma_wait3A_94 = arith.constant 0 : i32
      %dma_wait3A_95 = tpu.memref_slice %arg21[%run_scoped3A_67, %dma_wait3A_94] : memref<2x64xf32, #tpu.memory_space<vmem>> -> memref<1x64xf32, #tpu.memory_space<vmem>>
      %dma_wait3A_96 = tpu.memref_squeeze %dma_wait3A_95 : memref<1x64xf32, #tpu.memory_space<vmem>> -> memref<64xf32, #tpu.memory_space<vmem>>
      tpu.wait_dma2 semaphore(%run_scoped3A_74 : memref<!tpu.dma_semaphore, #tpu.memory_space<semaphore_mem>>) src(%dma_wait3A_96 : memref<64xf32, #tpu.memory_space<vmem>>) dst(%dma_wait3A_93 : memref<64xf32, #tpu.memory_space<hbm>>)
      tpu.yield
    }) : () -> ()
    %barrier3A_68 = arith.constant 0 : index
    tpu.barrier barrier_id(%barrier3A_68)
    %lt3A_69 = arith.constant 10 : i32
    %lt3A_70 = arith.cmpi slt, %arg1, %lt3A_69 : i32
    %convert_element_type3A_71 = arith.extui %lt3A_70 : i1 to i32
    %cond3A_72 = arith.constant 0 : i32
    %cond3A_73 = arith.cmpi ne, %convert_element_type3A_71, %cond3A_72 : i32
    scf.if %cond3A_73 {
      %mul3A_74 = arith.constant 1000 : i32
      %mul3A_75 = arith.muli %arg1, %mul3A_74 : i32
      %mul3A_76 = arith.constant 1000 : i32
      %mul3A_77 = arith.muli %arg1, %mul3A_76 : i32
      "tpu.region"() ({
        %run_scoped3A_78 = tpu.sem_alloc : memref<!tpu.dma_semaphore, #tpu.memory_space<semaphore_mem>>
        %dma_start3A = arith.constant 0 : i32
        %dma_start3A_79 = tpu.memref_slice %arg8[%arg0, %mul3A_77, %dma_start3A] : memref<2x10000x128xf32, #tpu.memory_space<hbm>> -> memref<1x1000x128xf32, #tpu.memory_space<hbm>>
        %dma_start3A_80 = tpu.memref_squeeze %dma_start3A_79 : memref<1x1000x128xf32, #tpu.memory_space<hbm>> -> memref<1000x128xf32, #tpu.memory_space<hbm>>
        %dma_start3A_81 = arith.constant 0 : i32
        %dma_start3A_82 = tpu.memref_slice %arg22[%mul3A_75, %dma_start3A_81] : memref<10000x128xf32, #tpu.memory_space<vmem_shared>> -> memref<1000x128xf32, #tpu.memory_space<vmem_shared>>
        tpu.enqueue_dma source(%dma_start3A_82 : memref<1000x128xf32, #tpu.memory_space<vmem_shared>>) target(%dma_start3A_80 : memref<1000x128xf32, #tpu.memory_space<hbm>>) target_semaphore(%run_scoped3A_78 : memref<!tpu.dma_semaphore, #tpu.memory_space<semaphore_mem>>)
        %dma_wait3A = arith.constant 0 : i32
        %dma_wait3A_83 = tpu.memref_slice %arg8[%arg0, %mul3A_77, %dma_wait3A] : memref<2x10000x128xf32, #tpu.memory_space<hbm>> -> memref<1x1000x128xf32, #tpu.memory_space<hbm>>
        %dma_wait3A_84 = tpu.memref_squeeze %dma_wait3A_83 : memref<1x1000x128xf32, #tpu.memory_space<hbm>> -> memref<1000x128xf32, #tpu.memory_space<hbm>>
        %dma_wait3A_85 = arith.constant 0 : i32
        %dma_wait3A_86 = tpu.memref_slice %arg22[%mul3A_75, %dma_wait3A_85] : memref<10000x128xf32, #tpu.memory_space<vmem_shared>> -> memref<1000x128xf32, #tpu.memory_space<vmem_shared>>
        tpu.wait_dma2 semaphore(%run_scoped3A_78 : memref<!tpu.dma_semaphore, #tpu.memory_space<semaphore_mem>>) src(%dma_wait3A_86 : memref<1000x128xf32, #tpu.memory_space<vmem_shared>>) dst(%dma_wait3A_84 : memref<1000x128xf32, #tpu.memory_space<hbm>>)
        tpu.yield
      }) : () -> ()
    } else {
    }
    return
  }
}

module attributes {stable_mosaic.version = 14 : i64} {
  func.func @_node_final_body(%arg0: memref<10000x128xf32, #tpu.memory_space<vmem>>, %arg1: memref<10000x128xf32, #tpu.memory_space<vmem>>, %arg2: memref<2x10000x128xf32, #tpu.memory_space<vmem>>, %arg3: memref<2x16x64xf32, #tpu.memory_space<vmem>>, %arg4: memref<2x16x64xf32, #tpu.memory_space<vmem>>, %arg5: memref<1x128xf32, #tpu.memory_space<vmem>>, %arg6: memref<1x128xf32, #tpu.memory_space<vmem>>, %arg7: memref<1x128xf32, #tpu.memory_space<vmem>>, %arg8: memref<1x128xf32, #tpu.memory_space<vmem>>, %arg9: memref<10000x128xf32, #tpu.memory_space<vmem>>, %arg10: memref<2x64xf32, #tpu.memory_space<vmem>>, %arg11: memref<2x64xf32, #tpu.memory_space<vmem>>) attributes {dimension_semantics = [], scalar_prefetch = 0 : i64, scratch_operands = 0 : i64, tpu.core_type = #tpu.core_type<tc>} {
    %get3A = arith.constant 0 : index
    %get3A_0 = arith.constant 0 : index
    %get3A_1 = arith.constant 0 : index
    %get3A_2 = vector.load %arg2[%get3A, %get3A_0, %get3A_1] : memref<2x10000x128xf32, #tpu.memory_space<vmem>>, vector<1x10000x64xf32>
    %get3A_3 = vector.shape_cast %get3A_2 : vector<1x10000x64xf32> to vector<10000x64xf32>
    %get3A_4 = arith.constant 0 : index
    %get3A_5 = arith.constant 0 : index
    %get3A_6 = arith.constant 64 : index
    %get3A_7 = vector.load %arg2[%get3A_4, %get3A_5, %get3A_6] : memref<2x10000x128xf32, #tpu.memory_space<vmem>>, vector<1x10000x64xf32>
    %get3A_8 = vector.shape_cast %get3A_7 : vector<1x10000x64xf32> to vector<10000x64xf32>
    %add3A = arith.constant 9.99999997E-7 : f32
    %add3A_9 = vector.broadcast %add3A : f32 to vector<10000x64xf32>
    %add3A_10 = arith.addf %get3A_8, %add3A_9 : vector<10000x64xf32>
    %div3A = arith.divf %get3A_3, %add3A_10 : vector<10000x64xf32>
    %get3A_11 = arith.constant 1 : index
    %get3A_12 = arith.constant 0 : index
    %get3A_13 = arith.constant 0 : index
    %get3A_14 = vector.load %arg2[%get3A_11, %get3A_12, %get3A_13] : memref<2x10000x128xf32, #tpu.memory_space<vmem>>, vector<1x10000x64xf32>
    %get3A_15 = vector.shape_cast %get3A_14 : vector<1x10000x64xf32> to vector<10000x64xf32>
    %get3A_16 = arith.constant 1 : index
    %get3A_17 = arith.constant 0 : index
    %get3A_18 = arith.constant 64 : index
    %get3A_19 = vector.load %arg2[%get3A_16, %get3A_17, %get3A_18] : memref<2x10000x128xf32, #tpu.memory_space<vmem>>, vector<1x10000x64xf32>
    %get3A_20 = vector.shape_cast %get3A_19 : vector<1x10000x64xf32> to vector<10000x64xf32>
    %add3A_21 = arith.constant 9.99999997E-7 : f32
    %add3A_22 = vector.broadcast %add3A_21 : f32 to vector<10000x64xf32>
    %add3A_23 = arith.addf %get3A_20, %add3A_22 : vector<10000x64xf32>
    %div3A_24 = arith.divf %get3A_15, %add3A_23 : vector<10000x64xf32>
    %get3A_25 = arith.constant 0 : index
    %get3A_26 = arith.constant 0 : index
    %get3A_27 = vector.load %arg1[%get3A_25, %get3A_26] : memref<10000x128xf32, #tpu.memory_space<vmem>>, vector<10000x128xf32>
    %concatenate3A = tpu.concatenate %div3A, %div3A_24 in 1 : vector<10000x64xf32>, vector<10000x64xf32> -> vector<10000x128xf32>
    %add3A_28 = arith.addf %get3A_27, %concatenate3A : vector<10000x128xf32>
    %reduce_sum3A = arith.constant dense<0.000000e+00> : vector<128xf32>
    %reduce_sum3A_29 = vector.multi_reduction <add>, %add3A_28, %reduce_sum3A [0] : vector<10000x128xf32> to vector<128xf32>
    %broadcast_in_dim3A = vector.shape_cast %reduce_sum3A_29 : vector<128xf32> to vector<1x128xf32>
    %div3A_30 = arith.constant 1.000000e+04 : f32
    %div3A_31 = vector.broadcast %div3A_30 : f32 to vector<1x128xf32>
    %div3A_32 = arith.divf %broadcast_in_dim3A, %div3A_31 : vector<1x128xf32>
    %sub3A = vector.broadcast %div3A_32 : vector<1x128xf32> to vector<10000x128xf32>
    %sub3A_33 = arith.subf %add3A_28, %sub3A : vector<10000x128xf32>
    %integer_pow3A = arith.mulf %sub3A_33, %sub3A_33 : vector<10000x128xf32>
    %reduce_sum3A_34 = arith.constant dense<0.000000e+00> : vector<128xf32>
    %reduce_sum3A_35 = vector.multi_reduction <add>, %integer_pow3A, %reduce_sum3A_34 [0] : vector<10000x128xf32> to vector<128xf32>
    %broadcast_in_dim3A_36 = vector.shape_cast %reduce_sum3A_35 : vector<128xf32> to vector<1x128xf32>
    %div3A_37 = arith.constant 1.000000e+04 : f32
    %div3A_38 = vector.broadcast %div3A_37 : f32 to vector<1x128xf32>
    %div3A_39 = arith.divf %broadcast_in_dim3A_36, %div3A_38 : vector<1x128xf32>
    %sub3A_40 = vector.broadcast %div3A_32 : vector<1x128xf32> to vector<10000x128xf32>
    %sub3A_41 = arith.subf %add3A_28, %sub3A_40 : vector<10000x128xf32>
    %add3A_42 = arith.constant 9.99999974E-6 : f32
    %add3A_43 = vector.broadcast %add3A_42 : f32 to vector<1x128xf32>
    %add3A_44 = arith.addf %div3A_39, %add3A_43 : vector<1x128xf32>
    %sqrt3A = math.sqrt %add3A_44 : vector<1x128xf32>
    %div3A_45 = vector.broadcast %sqrt3A : vector<1x128xf32> to vector<10000x128xf32>
    %div3A_46 = arith.divf %sub3A_41, %div3A_45 : vector<10000x128xf32>
    %get3A_47 = arith.constant 0 : index
    %get3A_48 = arith.constant 0 : index
    %get3A_49 = vector.load %arg5[%get3A_47, %get3A_48] : memref<1x128xf32, #tpu.memory_space<vmem>>, vector<1x128xf32>
    %mul3A = vector.broadcast %get3A_49 : vector<1x128xf32> to vector<10000x128xf32>
    %mul3A_50 = arith.mulf %div3A_46, %mul3A : vector<10000x128xf32>
    %get3A_51 = arith.constant 0 : index
    %get3A_52 = arith.constant 0 : index
    %get3A_53 = vector.load %arg6[%get3A_51, %get3A_52] : memref<1x128xf32, #tpu.memory_space<vmem>>, vector<1x128xf32>
    %add3A_54 = vector.broadcast %get3A_53 : vector<1x128xf32> to vector<10000x128xf32>
    %add3A_55 = arith.addf %mul3A_50, %add3A_54 : vector<10000x128xf32>
    %get3A_56 = arith.constant 0 : index
    %get3A_57 = arith.constant 0 : index
    %get3A_58 = vector.load %arg0[%get3A_56, %get3A_57] : memref<10000x128xf32, #tpu.memory_space<vmem>>, vector<10000x128xf32>
    %neg3A = arith.constant 0.000000e+00 : f32
    %neg3A_59 = vector.broadcast %neg3A : f32 to vector<10000x128xf32>
    %neg3A_60 = arith.subf %neg3A_59, %add3A_55 : vector<10000x128xf32>
    %exp3A = math.exp %neg3A_60 : vector<10000x128xf32>
    %add3A_61 = arith.constant 1.000000e+00 : f32
    %add3A_62 = vector.broadcast %add3A_61 : f32 to vector<10000x128xf32>
    %add3A_63 = arith.addf %add3A_62, %exp3A : vector<10000x128xf32>
    %div3A_64 = arith.divf %add3A_55, %add3A_63 : vector<10000x128xf32>
    %add3A_65 = arith.addf %get3A_58, %div3A_64 : vector<10000x128xf32>
    %swap3A = arith.constant 0 : index
    %swap3A_66 = arith.constant 0 : index
    %swap3A_67 = vector.load %arg9[%swap3A, %swap3A_66] : memref<10000x128xf32, #tpu.memory_space<vmem>>, vector<10000x128xf32>
    tpu.vector_store %arg9[%swap3A, %swap3A_66], %add3A_65 {strides = array<i32>} : memref<10000x128xf32, #tpu.memory_space<vmem>>, vector<10000x128xf32>,
    %get3A_68 = arith.constant 0 : index
    %get3A_69 = arith.constant 0 : index
    %get3A_70 = arith.constant 0 : index
    %get3A_71 = vector.load %arg3[%get3A_68, %get3A_69, %get3A_70] : memref<2x16x64xf32, #tpu.memory_space<vmem>>, vector<2x16x64xf32>
    %reduce_sum3A_72 = arith.constant dense<0.000000e+00> : vector<2x64xf32>
    %reduce_sum3A_73 = vector.multi_reduction <add>, %get3A_71, %reduce_sum3A_72 [1] : vector<2x16x64xf32> to vector<2x64xf32>
    %get3A_74 = arith.constant 0 : index
    %get3A_75 = arith.constant 0 : index
    %get3A_76 = arith.constant 0 : index
    %get3A_77 = vector.load %arg4[%get3A_74, %get3A_75, %get3A_76] : memref<2x16x64xf32, #tpu.memory_space<vmem>>, vector<2x16x64xf32>
    %reduce_sum3A_78 = arith.constant dense<0.000000e+00> : vector<2x64xf32>
    %reduce_sum3A_79 = vector.multi_reduction <add>, %get3A_77, %reduce_sum3A_78 [1] : vector<2x16x64xf32> to vector<2x64xf32>
    %div3A_80 = arith.constant 3.200000e+05 : f32
    %div3A_81 = vector.broadcast %div3A_80 : f32 to vector<2x64xf32>
    %div3A_82 = arith.divf %reduce_sum3A_73, %div3A_81 : vector<2x64xf32>
    %div3A_83 = arith.constant 3.200000e+05 : f32
    %div3A_84 = vector.broadcast %div3A_83 : f32 to vector<2x64xf32>
    %div3A_85 = arith.divf %reduce_sum3A_79, %div3A_84 : vector<2x64xf32>
    %mul3A_86 = arith.mulf %div3A_82, %div3A_82 : vector<2x64xf32>
    %sub3A_87 = arith.subf %div3A_85, %mul3A_86 : vector<2x64xf32>
    %get3A_88 = arith.constant 0 : index
    %get3A_89 = arith.constant 0 : index
    %get3A_90 = vector.load %arg7[%get3A_88, %get3A_89] : memref<1x128xf32, #tpu.memory_space<vmem>>, vector<1x64xf32>
    %get3A_91 = arith.constant 0 : index
    %get3A_92 = arith.constant 64 : index
    %get3A_93 = vector.load %arg7[%get3A_91, %get3A_92] : memref<1x128xf32, #tpu.memory_space<vmem>>, vector<1x64xf32>
    %concatenate3A_94 = tpu.concatenate %get3A_90, %get3A_93 in 0 : vector<1x64xf32>, vector<1x64xf32> -> vector<2x64xf32>
    %get3A_95 = arith.constant 0 : index
    %get3A_96 = arith.constant 0 : index
    %get3A_97 = vector.load %arg8[%get3A_95, %get3A_96] : memref<1x128xf32, #tpu.memory_space<vmem>>, vector<1x64xf32>
    %get3A_98 = arith.constant 0 : index
    %get3A_99 = arith.constant 64 : index
    %get3A_100 = vector.load %arg8[%get3A_98, %get3A_99] : memref<1x128xf32, #tpu.memory_space<vmem>>, vector<1x64xf32>
    %concatenate3A_101 = tpu.concatenate %get3A_97, %get3A_100 in 0 : vector<1x64xf32>, vector<1x64xf32> -> vector<2x64xf32>
    %add3A_102 = arith.constant 9.99999974E-6 : f32
    %add3A_103 = vector.broadcast %add3A_102 : f32 to vector<2x64xf32>
    %add3A_104 = arith.addf %sub3A_87, %add3A_103 : vector<2x64xf32>
    %sqrt3A_105 = math.sqrt %add3A_104 : vector<2x64xf32>
    %div3A_106 = arith.divf %concatenate3A_94, %sqrt3A_105 : vector<2x64xf32>
    %swap3A_107 = arith.constant 0 : index
    %swap3A_108 = arith.constant 0 : index
    %swap3A_109 = vector.load %arg10[%swap3A_107, %swap3A_108] : memref<2x64xf32, #tpu.memory_space<vmem>>, vector<2x64xf32>
    tpu.vector_store %arg10[%swap3A_107, %swap3A_108], %div3A_106 {strides = array<i32>} : memref<2x64xf32, #tpu.memory_space<vmem>>, vector<2x64xf32>,
    %mul3A_110 = arith.mulf %div3A_82, %div3A_106 : vector<2x64xf32>
    %sub3A_111 = arith.subf %concatenate3A_101, %mul3A_110 : vector<2x64xf32>
    %swap3A_112 = arith.constant 0 : index
    %swap3A_113 = arith.constant 0 : index
    %swap3A_114 = vector.load %arg11[%swap3A_112, %swap3A_113] : memref<2x64xf32, #tpu.memory_space<vmem>>, vector<2x64xf32>
    tpu.vector_store %arg11[%swap3A_112, %swap3A_113], %sub3A_111 {strides = array<i32>} : memref<2x64xf32, #tpu.memory_space<vmem>>, vector<2x64xf32>,
    return
  }
}

module attributes {stable_mosaic.version = 14 : i64} {
  func.func @_node_linear_body(%arg0: memref<10000x128xf32, #tpu.memory_space<vmem>>, %arg1: memref<128x128xf32, #tpu.memory_space<vmem>>, %arg2: memref<1x128xf32, #tpu.memory_space<vmem>>, %arg3: memref<128x128xf32, #tpu.memory_space<vmem>>, %arg4: memref<1x128xf32, #tpu.memory_space<vmem>>, %arg5: memref<128x128xf32, #tpu.memory_space<vmem>>, %arg6: memref<1x128xf32, #tpu.memory_space<vmem>>, %arg7: memref<128x128xf32, #tpu.memory_space<vmem>>, %arg8: memref<1x128xf32, #tpu.memory_space<vmem>>, %arg9: memref<2x10000x128xf32, #tpu.memory_space<vmem>>, %arg10: memref<10000x128xf32, #tpu.memory_space<vmem>>, %arg11: memref<10000x128xf32, #tpu.memory_space<vmem>>) attributes {dimension_semantics = [], scalar_prefetch = 0 : i64, scratch_operands = 0 : i64, tpu.core_type = #tpu.core_type<tc>} {
    %get3A = arith.constant 0 : index
    %get3A_0 = arith.constant 0 : index
    %get3A_1 = vector.load %arg0[%get3A, %get3A_0] : memref<10000x128xf32, #tpu.memory_space<vmem>>, vector<10000x128xf32>
    %get3A_2 = arith.constant 0 : index
    %get3A_3 = arith.constant 0 : index
    %get3A_4 = vector.load %arg1[%get3A_2, %get3A_3] : memref<128x128xf32, #tpu.memory_space<vmem>>, vector<128x128xf32>
    %dot_general3A = arith.constant dense<0.000000e+00> : vector<10000x128xf32>
    %dot_general3A_5 = tpu.matmul %get3A_1, %get3A_4, %dot_general3A {dimension_numbers = #tpu.dot_dimension_numbers<[1], [1], [0], [0], [0, 0, 1, 0], [], []>, transpose_lhs_hint = false} : vector<10000x128xf32>, vector<128x128xf32>, vector<10000x128xf32> -> vector<10000x128xf32>
    %get3A_6 = arith.constant 0 : index
    %get3A_7 = arith.constant 0 : index
    %get3A_8 = vector.load %arg2[%get3A_6, %get3A_7] : memref<1x128xf32, #tpu.memory_space<vmem>>, vector<1x128xf32>
    %add3A = vector.broadcast %get3A_8 : vector<1x128xf32> to vector<10000x128xf32>
    %add3A_9 = arith.addf %dot_general3A_5, %add3A : vector<10000x128xf32>
    %get3A_10 = arith.constant 0 : index
    %get3A_11 = arith.constant 0 : index
    %get3A_12 = vector.load %arg3[%get3A_10, %get3A_11] : memref<128x128xf32, #tpu.memory_space<vmem>>, vector<128x128xf32>
    %dot_general3A_13 = arith.constant dense<0.000000e+00> : vector<10000x128xf32>
    %dot_general3A_14 = tpu.matmul %get3A_1, %get3A_12, %dot_general3A_13 {dimension_numbers = #tpu.dot_dimension_numbers<[1], [1], [0], [0], [0, 0, 1, 0], [], []>, transpose_lhs_hint = false} : vector<10000x128xf32>, vector<128x128xf32>, vector<10000x128xf32> -> vector<10000x128xf32>
    %get3A_15 = arith.constant 0 : index
    %get3A_16 = arith.constant 0 : index
    %get3A_17 = vector.load %arg4[%get3A_15, %get3A_16] : memref<1x128xf32, #tpu.memory_space<vmem>>, vector<1x128xf32>
    %add3A_18 = vector.broadcast %get3A_17 : vector<1x128xf32> to vector<10000x128xf32>
    %add3A_19 = arith.addf %dot_general3A_14, %add3A_18 : vector<10000x128xf32>
    %get3A_20 = arith.constant 0 : index
    %get3A_21 = arith.constant 0 : index
    %get3A_22 = vector.load %arg5[%get3A_20, %get3A_21] : memref<128x128xf32, #tpu.memory_space<vmem>>, vector<128x128xf32>
    %dot_general3A_23 = arith.constant dense<0.000000e+00> : vector<10000x128xf32>
    %dot_general3A_24 = tpu.matmul %get3A_1, %get3A_22, %dot_general3A_23 {dimension_numbers = #tpu.dot_dimension_numbers<[1], [1], [0], [0], [0, 0, 1, 0], [], []>, transpose_lhs_hint = false} : vector<10000x128xf32>, vector<128x128xf32>, vector<10000x128xf32> -> vector<10000x128xf32>
    %get3A_25 = arith.constant 0 : index
    %get3A_26 = arith.constant 0 : index
    %get3A_27 = vector.load %arg6[%get3A_25, %get3A_26] : memref<1x128xf32, #tpu.memory_space<vmem>>, vector<1x128xf32>
    %add3A_28 = vector.broadcast %get3A_27 : vector<1x128xf32> to vector<10000x128xf32>
    %add3A_29 = arith.addf %dot_general3A_24, %add3A_28 : vector<10000x128xf32>
    %get3A_30 = arith.constant 0 : index
    %get3A_31 = arith.constant 0 : index
    %get3A_32 = vector.load %arg7[%get3A_30, %get3A_31] : memref<128x128xf32, #tpu.memory_space<vmem>>, vector<128x128xf32>
    %dot_general3A_33 = arith.constant dense<0.000000e+00> : vector<10000x128xf32>
    %dot_general3A_34 = tpu.matmul %get3A_1, %get3A_32, %dot_general3A_33 {dimension_numbers = #tpu.dot_dimension_numbers<[1], [1], [0], [0], [0, 0, 1, 0], [], []>, transpose_lhs_hint = false} : vector<10000x128xf32>, vector<128x128xf32>, vector<10000x128xf32> -> vector<10000x128xf32>
    %get3A_35 = arith.constant 0 : index
    %get3A_36 = arith.constant 0 : index
    %get3A_37 = vector.load %arg8[%get3A_35, %get3A_36] : memref<1x128xf32, #tpu.memory_space<vmem>>, vector<1x128xf32>
    %add3A_38 = vector.broadcast %get3A_37 : vector<1x128xf32> to vector<10000x128xf32>
    %add3A_39 = arith.addf %dot_general3A_34, %add3A_38 : vector<10000x128xf32>
    %swap3A = arith.constant 0 : index
    %swap3A_40 = arith.constant 0 : index
    %swap3A_41 = vector.load %arg11[%swap3A, %swap3A_40] : memref<10000x128xf32, #tpu.memory_space<vmem>>, vector<10000x128xf32>
    tpu.vector_store %arg11[%swap3A, %swap3A_40], %add3A_39 {strides = array<i32>} : memref<10000x128xf32, #tpu.memory_space<vmem>>, vector<10000x128xf32>,
    %slice3A = vector.extract_strided_slice %add3A_9 {offsets = [0, 0], sizes = [10000, 64], strides = [1, 1]} : vector<10000x128xf32> to vector<10000x64xf32>
    %slice3A_42 = vector.extract_strided_slice %add3A_29 {offsets = [0, 0], sizes = [10000, 64], strides = [1, 1]} : vector<10000x128xf32> to vector<10000x64xf32>
    %concatenate3A = tpu.concatenate %slice3A, %slice3A_42 in 1 : vector<10000x64xf32>, vector<10000x64xf32> -> vector<10000x128xf32>
    %swap3A_43 = arith.constant 0 : index
    %swap3A_44 = arith.constant 0 : index
    %swap3A_45 = arith.constant 0 : index
    %swap3A_46 = vector.load %arg9[%swap3A_43, %swap3A_44, %swap3A_45] : memref<2x10000x128xf32, #tpu.memory_space<vmem>>, vector<1x10000x128xf32>
    %swap3A_47 = vector.shape_cast %swap3A_46 : vector<1x10000x128xf32> to vector<10000x128xf32>
    %swap3A_48 = vector.shape_cast %concatenate3A : vector<10000x128xf32> to vector<1x10000x128xf32>
    tpu.vector_store %arg9[%swap3A_43, %swap3A_44, %swap3A_45], %swap3A_48 {strides = array<i32>} : memref<2x10000x128xf32, #tpu.memory_space<vmem>>, vector<1x10000x128xf32>,
    %slice3A_49 = vector.extract_strided_slice %add3A_9 {offsets = [0, 64], sizes = [10000, 64], strides = [1, 1]} : vector<10000x128xf32> to vector<10000x64xf32>
    %slice3A_50 = vector.extract_strided_slice %add3A_29 {offsets = [0, 64], sizes = [10000, 64], strides = [1, 1]} : vector<10000x128xf32> to vector<10000x64xf32>
    %concatenate3A_51 = tpu.concatenate %slice3A_49, %slice3A_50 in 1 : vector<10000x64xf32>, vector<10000x64xf32> -> vector<10000x128xf32>
    %swap3A_52 = arith.constant 1 : index
    %swap3A_53 = arith.constant 0 : index
    %swap3A_54 = arith.constant 0 : index
    %swap3A_55 = vector.load %arg9[%swap3A_52, %swap3A_53, %swap3A_54] : memref<2x10000x128xf32, #tpu.memory_space<vmem>>, vector<1x10000x128xf32>
    %swap3A_56 = vector.shape_cast %swap3A_55 : vector<1x10000x128xf32> to vector<10000x128xf32>
    %swap3A_57 = vector.shape_cast %concatenate3A_51 : vector<10000x128xf32> to vector<1x10000x128xf32>
    tpu.vector_store %arg9[%swap3A_52, %swap3A_53, %swap3A_54], %swap3A_57 {strides = array<i32>} : memref<2x10000x128xf32, #tpu.memory_space<vmem>>, vector<1x10000x128xf32>,
    %swap3A_58 = arith.constant 0 : index
    %swap3A_59 = arith.constant 0 : index
    %swap3A_60 = vector.load %arg10[%swap3A_58, %swap3A_59] : memref<10000x128xf32, #tpu.memory_space<vmem>>, vector<10000x128xf32>
    tpu.vector_store %arg10[%swap3A_58, %swap3A_59], %add3A_19 {strides = array<i32>} : memref<10000x128xf32, #tpu.memory_space<vmem>>, vector<10000x128xf32>,
    return
  }
}

module attributes {stable_mosaic.version = 14 : i64} {
  func.func @_edge_linear_body(%arg0: i32, %arg1: memref<4000x128xf32, #tpu.memory_space<vmem>>, %arg2: memref<128x128xf32, #tpu.memory_space<vmem>>, %arg3: memref<1x128xf32, #tpu.memory_space<vmem>>, %arg4: memref<2x4000x64xf32, #tpu.memory_space<vmem>>) attributes {dimension_semantics = [#tpu.dimension_semantics<arbitrary>], iteration_bounds = array<i64: 80>, scalar_prefetch = 0 : i64, scratch_operands = 0 : i64, tpu.core_type = #tpu.core_type<tc>, window_params = [{transform_indices = @transform_0, window_bounds = array<i64: 4000, 128>}, {pipeline_mode = #tpu.pipeline_mode<synchronous>, transform_indices = @transform_1, window_bounds = array<i64: 128, 128>}, {pipeline_mode = #tpu.pipeline_mode<synchronous>, transform_indices = @transform_2, window_bounds = array<i64: 1, 128>}, {transform_indices = @transform_3, window_bounds = array<i64: 2, 4000, 64>}]} {
    %get3A = arith.constant 0 : index
    %get3A_0 = arith.constant 0 : index
    %get3A_1 = vector.load %arg1[%get3A, %get3A_0] : memref<4000x128xf32, #tpu.memory_space<vmem>>, vector<4000x128xf32>
    %get3A_2 = arith.constant 0 : index
    %get3A_3 = arith.constant 0 : index
    %get3A_4 = vector.load %arg2[%get3A_2, %get3A_3] : memref<128x128xf32, #tpu.memory_space<vmem>>, vector<128x128xf32>
    %dot_general3A = arith.constant dense<0.000000e+00> : vector<4000x128xf32>
    %dot_general3A_5 = tpu.matmul %get3A_1, %get3A_4, %dot_general3A {dimension_numbers = #tpu.dot_dimension_numbers<[1], [1], [0], [0], [0, 0, 1, 0], [], []>, transpose_lhs_hint = false} : vector<4000x128xf32>, vector<128x128xf32>, vector<4000x128xf32> -> vector<4000x128xf32>
    %get3A_6 = arith.constant 0 : index
    %get3A_7 = arith.constant 0 : index
    %get3A_8 = vector.load %arg3[%get3A_6, %get3A_7] : memref<1x128xf32, #tpu.memory_space<vmem>>, vector<1x128xf32>
    %add3A = vector.broadcast %get3A_8 : vector<1x128xf32> to vector<4000x128xf32>
    %add3A_9 = arith.addf %dot_general3A_5, %add3A : vector<4000x128xf32>
    %slice3A = vector.extract_strided_slice %add3A_9 {offsets = [0, 0], sizes = [4000, 64], strides = [1, 1]} : vector<4000x128xf32> to vector<4000x64xf32>
    %swap3A = arith.constant 0 : index
    %swap3A_10 = arith.constant 0 : index
    %swap3A_11 = arith.constant 0 : index
    %swap3A_12 = vector.load %arg4[%swap3A, %swap3A_10, %swap3A_11] : memref<2x4000x64xf32, #tpu.memory_space<vmem>>, vector<1x4000x64xf32>
    %swap3A_13 = vector.shape_cast %swap3A_12 : vector<1x4000x64xf32> to vector<4000x64xf32>
    %swap3A_14 = vector.shape_cast %slice3A : vector<4000x64xf32> to vector<1x4000x64xf32>
    tpu.vector_store %arg4[%swap3A, %swap3A_10, %swap3A_11], %swap3A_14 {strides = array<i32>} : memref<2x4000x64xf32, #tpu.memory_space<vmem>>, vector<1x4000x64xf32>,
    %slice3A_15 = vector.extract_strided_slice %add3A_9 {offsets = [0, 64], sizes = [4000, 64], strides = [1, 1]} : vector<4000x128xf32> to vector<4000x64xf32>
    %swap3A_16 = arith.constant 1 : index
    %swap3A_17 = arith.constant 0 : index
    %swap3A_18 = arith.constant 0 : index
    %swap3A_19 = vector.load %arg4[%swap3A_16, %swap3A_17, %swap3A_18] : memref<2x4000x64xf32, #tpu.memory_space<vmem>>, vector<1x4000x64xf32>
    %swap3A_20 = vector.shape_cast %swap3A_19 : vector<1x4000x64xf32> to vector<4000x64xf32>
    %swap3A_21 = vector.shape_cast %slice3A_15 : vector<4000x64xf32> to vector<1x4000x64xf32>
    tpu.vector_store %arg4[%swap3A_16, %swap3A_17, %swap3A_18], %swap3A_21 {strides = array<i32>} : memref<2x4000x64xf32, #tpu.memory_space<vmem>>, vector<1x4000x64xf32>,
    return
  }
  func.func @transform_0(%arg0: i32) -> (i32, i32) {
    %c0_i32 = arith.constant 0 : i32
    %c0_i32_0 = arith.constant 0 : i32
    return %arg0, %c0_i32 : i32, i32
  }
  func.func @transform_1(%arg0: i32) -> (i32, i32) {
    %c0_i32 = arith.constant 0 : i32
    %c0_i32_0 = arith.constant 0 : i32
    %c0_i32_1 = arith.constant 0 : i32
    return %c0_i32, %c0_i32_0 : i32, i32
  }
  func.func @transform_2(%arg0: i32) -> (i32, i32) {
    %c0_i32 = arith.constant 0 : i32
    %c0_i32_0 = arith.constant 0 : i32
    %c0_i32_1 = arith.constant 0 : i32
    return %c0_i32, %c0_i32_0 : i32, i32
  }
  func.func @transform_3(%arg0: i32) -> (i32, i32, i32) {
    %c0_i32 = arith.constant 0 : i32
    %c0_i32_0 = arith.constant 0 : i32
    %c0_i32_1 = arith.constant 0 : i32
    return %c0_i32, %arg0, %c0_i32_0 : i32, i32, i32
  }
}

module attributes {stable_mosaic.version = 14 : i64} {
  func.func @_edge_out_body(%arg0: i32, %arg1: memref<2x4000x64xf32, #tpu.memory_space<vmem>>, %arg2: memref<4000x128xf32, #tpu.memory_space<vmem>>, %arg3: memref<2x64xf32, #tpu.memory_space<vmem>>, %arg4: memref<2x64xf32, #tpu.memory_space<vmem>>, %arg5: memref<4000x128xf32, #tpu.memory_space<vmem>>) attributes {dimension_semantics = [#tpu.dimension_semantics<arbitrary>], iteration_bounds = array<i64: 80>, scalar_prefetch = 0 : i64, scratch_operands = 0 : i64, tpu.core_type = #tpu.core_type<tc>, window_params = [{transform_indices = @transform_0, window_bounds = array<i64: 2, 4000, 64>}, {transform_indices = @transform_1, window_bounds = array<i64: 4000, 128>}, {pipeline_mode = #tpu.pipeline_mode<synchronous>, transform_indices = @transform_2, window_bounds = array<i64: 2, 64>}, {pipeline_mode = #tpu.pipeline_mode<synchronous>, transform_indices = @transform_3, window_bounds = array<i64: 2, 64>}, {transform_indices = @transform_4, window_bounds = array<i64: 4000, 128>}]} {
    %get3A = arith.constant 0 : index
    %get3A_0 = arith.constant 0 : index
    %get3A_1 = arith.constant 0 : index
    %get3A_2 = vector.load %arg1[%get3A, %get3A_0, %get3A_1] : memref<2x4000x64xf32, #tpu.memory_space<vmem>>, vector<1x4000x64xf32>
    %get3A_3 = vector.shape_cast %get3A_2 : vector<1x4000x64xf32> to vector<4000x64xf32>
    %get3A_4 = arith.constant 0 : index
    %get3A_5 = arith.constant 0 : index
    %get3A_6 = vector.load %arg3[%get3A_4, %get3A_5] : memref<2x64xf32, #tpu.memory_space<vmem>>, vector<1x64xf32>
    %mul3A = vector.broadcast %get3A_6 : vector<1x64xf32> to vector<4000x64xf32>
    %mul3A_7 = arith.mulf %get3A_3, %mul3A : vector<4000x64xf32>
    %get3A_8 = arith.constant 0 : index
    %get3A_9 = arith.constant 0 : index
    %get3A_10 = vector.load %arg4[%get3A_8, %get3A_9] : memref<2x64xf32, #tpu.memory_space<vmem>>, vector<1x64xf32>
    %add3A = vector.broadcast %get3A_10 : vector<1x64xf32> to vector<4000x64xf32>
    %add3A_11 = arith.addf %mul3A_7, %add3A : vector<4000x64xf32>
    %neg3A = arith.constant 0.000000e+00 : f32
    %neg3A_12 = vector.broadcast %neg3A : f32 to vector<4000x64xf32>
    %neg3A_13 = arith.subf %neg3A_12, %add3A_11 : vector<4000x64xf32>
    %exp3A = math.exp %neg3A_13 : vector<4000x64xf32>
    %add3A_14 = arith.constant 1.000000e+00 : f32
    %add3A_15 = vector.broadcast %add3A_14 : f32 to vector<4000x64xf32>
    %add3A_16 = arith.addf %add3A_15, %exp3A : vector<4000x64xf32>
    %div3A = arith.divf %add3A_11, %add3A_16 : vector<4000x64xf32>
    %get3A_17 = arith.constant 0 : index
    %get3A_18 = arith.constant 0 : index
    %get3A_19 = vector.load %arg2[%get3A_17, %get3A_18] : memref<4000x128xf32, #tpu.memory_space<vmem>>, vector<4000x64xf32>
    %add3A_20 = arith.addf %get3A_19, %div3A : vector<4000x64xf32>
    %swap3A = arith.constant 0 : index
    %swap3A_21 = arith.constant 0 : index
    %swap3A_22 = vector.load %arg5[%swap3A, %swap3A_21] : memref<4000x128xf32, #tpu.memory_space<vmem>>, vector<4000x64xf32>
    tpu.vector_store %arg5[%swap3A, %swap3A_21], %add3A_20 {strides = array<i32>} : memref<4000x128xf32, #tpu.memory_space<vmem>>, vector<4000x64xf32>,
    %get3A_23 = arith.constant 1 : index
    %get3A_24 = arith.constant 0 : index
    %get3A_25 = arith.constant 0 : index
    %get3A_26 = vector.load %arg1[%get3A_23, %get3A_24, %get3A_25] : memref<2x4000x64xf32, #tpu.memory_space<vmem>>, vector<1x4000x64xf32>
    %get3A_27 = vector.shape_cast %get3A_26 : vector<1x4000x64xf32> to vector<4000x64xf32>
    %get3A_28 = arith.constant 1 : index
    %get3A_29 = arith.constant 0 : index
    %get3A_30 = vector.load %arg3[%get3A_28, %get3A_29] : memref<2x64xf32, #tpu.memory_space<vmem>>, vector<1x64xf32>
    %mul3A_31 = vector.broadcast %get3A_30 : vector<1x64xf32> to vector<4000x64xf32>
    %mul3A_32 = arith.mulf %get3A_27, %mul3A_31 : vector<4000x64xf32>
    %get3A_33 = arith.constant 1 : index
    %get3A_34 = arith.constant 0 : index
    %get3A_35 = vector.load %arg4[%get3A_33, %get3A_34] : memref<2x64xf32, #tpu.memory_space<vmem>>, vector<1x64xf32>
    %add3A_36 = vector.broadcast %get3A_35 : vector<1x64xf32> to vector<4000x64xf32>
    %add3A_37 = arith.addf %mul3A_32, %add3A_36 : vector<4000x64xf32>
    %neg3A_38 = arith.constant 0.000000e+00 : f32
    %neg3A_39 = vector.broadcast %neg3A_38 : f32 to vector<4000x64xf32>
    %neg3A_40 = arith.subf %neg3A_39, %add3A_37 : vector<4000x64xf32>
    %exp3A_41 = math.exp %neg3A_40 : vector<4000x64xf32>
    %add3A_42 = arith.constant 1.000000e+00 : f32
    %add3A_43 = vector.broadcast %add3A_42 : f32 to vector<4000x64xf32>
    %add3A_44 = arith.addf %add3A_43, %exp3A_41 : vector<4000x64xf32>
    %div3A_45 = arith.divf %add3A_37, %add3A_44 : vector<4000x64xf32>
    %get3A_46 = arith.constant 0 : index
    %get3A_47 = arith.constant 64 : index
    %get3A_48 = vector.load %arg2[%get3A_46, %get3A_47] : memref<4000x128xf32, #tpu.memory_space<vmem>>, vector<4000x64xf32>
    %add3A_49 = arith.addf %get3A_48, %div3A_45 : vector<4000x64xf32>
    %swap3A_50 = arith.constant 0 : index
    %swap3A_51 = arith.constant 64 : index
    %swap3A_52 = vector.load %arg5[%swap3A_50, %swap3A_51] : memref<4000x128xf32, #tpu.memory_space<vmem>>, vector<4000x64xf32>
    tpu.vector_store %arg5[%swap3A_50, %swap3A_51], %add3A_49 {strides = array<i32>} : memref<4000x128xf32, #tpu.memory_space<vmem>>, vector<4000x64xf32>,
    return
  }
  func.func @transform_0(%arg0: i32) -> (i32, i32, i32) {
    %c0_i32 = arith.constant 0 : i32
    %c0_i32_0 = arith.constant 0 : i32
    %c0_i32_1 = arith.constant 0 : i32
    return %c0_i32, %arg0, %c0_i32_0 : i32, i32, i32
  }
  func.func @transform_1(%arg0: i32) -> (i32, i32) {
    %c0_i32 = arith.constant 0 : i32
    %c0_i32_0 = arith.constant 0 : i32
    return %arg0, %c0_i32 : i32, i32
  }
  func.func @transform_2(%arg0: i32) -> (i32, i32) {
    %c0_i32 = arith.constant 0 : i32
    %c0_i32_0 = arith.constant 0 : i32
    %c0_i32_1 = arith.constant 0 : i32
    return %c0_i32, %c0_i32_0 : i32, i32
  }
  func.func @transform_3(%arg0: i32) -> (i32, i32) {
    %c0_i32 = arith.constant 0 : i32
    %c0_i32_0 = arith.constant 0 : i32
    %c0_i32_1 = arith.constant 0 : i32
    return %c0_i32, %c0_i32_0 : i32, i32
  }
  func.func @transform_4(%arg0: i32) -> (i32, i32) {
    %c0_i32 = arith.constant 0 : i32
    %c0_i32_0 = arith.constant 0 : i32
    return %arg0, %c0_i32 : i32, i32
  }
}

</mosaic_0001>

<sc_bundles>
// kernel: kernel.7.cloned.1.call-start
scs
__scs_entry_jumppad:
0x0: {  	(pc) =	sbr.rel $0x88, $3  }
0x1: {  	(tag) =	ssettag $0x0;
	lr =	simm.s32 $0x1  }
0x2: {  	[smem:$0x3F90] =	sst lr;
	_ =	strace $0xD0000000  }
0x3: {  	_ = 	snop  }
0x4: {  	_ = 	snop  }
0x5: {  	_ = 	snop  }
0x6: {  	_ = 	snop  }
0x7: {  	_ = 	snop  }
__scs_overlays_trampoline_lowered:
0x8: {  	[smem:$0x3F9F] =	sst s0  }
0x9: {  	[smem:$0x3FA0] =	sst s1  }
0xa: {  	[smem:$0x3FA1] =	sst s2  }
0xb: {  	[smem:$0x3FA2] =	sst s3  }
0xc: {  	[smem:$0x3FA3] =	sst s4  }
0xd: {  	[smem:$0x3FA4] =	sst s5  }
0xe: {  	[smem:$0x3FA5] =	sst s6  }
0xf: {  	[smem:$0x3FA6] =	sst s7  }
0x10: {  	[smem:$0x3FA7] =	sst s8  }
0x11: {  	[smem:$0x3FA8] =	sst s9;
	s0 =	simm.s32 @!p0 $0x0  }
0x12: {  	s1 =	sld [smem:$0x3F8E];
	s0 =	simm.s32 @p0 $0x1  }
0x13: {  	[smem:$0x3FA9] =	sst s0;
	s0 =	simm.s32 @!p1 $0x0  }
0x14: {  	s2 =	sld [smem:$0x3F8D];
	s0 =	simm.s32 @p1 $0x1  }
0x15: {  	[smem:$0x3FAA] =	sst s0;
	s0 =	simm.s32 @!p2 $0x0  }
0x16: {  	s3 =	sld [smem:$0x3FDB];
	s0 =	simm.s32 @p2 $0x1  }
0x17: {  	s4 =	simm.s32 $0x1BF5;
	[smem:$0x3FAC] =	sst s0  }
0x18: {  	s0 =	sld [smem:$0x3F8F];
	_ =	swait.ge [sflag:s4], $0x0  }
0x19: {  	s7 =	sld [smem:$0x3F90]  }
0x1a: {  	s8 =	sadd.s32 $0xFFFFE003, lr  }
0x1b: {  	s9 =	sadd.s32 $0xFFFFFEF7, lr;
	s5 =	simm.s32 $0xFFFFFFFF;
	p2 =	slt.u32 s8, $0xFFFFF086  }
0x1c: {  	p1 =	slt.u32 s9, $0xF7A;
	s5 =	simm.s32 @!p2 $0x0  }
0x1d: {  	s5 =	simm.s32 @p1 $0x1;
	p0 =	seq.s32 s7, s2  }
0x1e: {  	s7 =	smul.u32 @!p0 $0xF7A, s2;
	p2 =	seq.s32 @!p0 s5, $0x0  }
0x1f: {  	s9 =	smul.u32 $0xF7A, s1;
	s8 =	simm.s32 @!p0 $0x1BF5;
	p2 =	por !p2, p0  }
0x20: {  	[sflag:s8] =	ssyncset.s32 @!p0 $0xFFFFF086;
	s6 =	sadd.s32 @!p0 s3, s7;
	s7 =	simm.s32 @!p0 $0x108  }
0x21: {  	s3 =	sadd.s32 s3, s9;
	s6 =	sadd.s32 @!p0 $0x88, s6;
	s7 =	simm.s32 @p2 $0x1082  }
0x22: {  	[simem:s7], [sflag:s8] =	dma.local @!p0 [hbm:s6], $0xF7A  }
0x23: {  	s9 =	sor.u32 $0xD0000000, s2;
	s6 =	simm.s32 $0x108;
	_ =	swait.ge @!p0 [sflag:s8], $0x0  }
0x24: {  	s3 =	sadd.s32 $0x88, s3;
	s6 =	simm.s32 @!p1 $0x1082;
	[sflag:s4] =	ssyncset.s32 $0xFFFFF086  }
0x25: {  	[simem:s6], [sflag:s4] =	dma.local [hbm:s3], $0xF7A  }
0x26: {  	[smem:$0x3F90] =	sst s1;
	(tag) =	ssettag s2;
	_ =	strace s9  }
0x27: {  	s1 =	sld [smem:$0x3FA0]  }
0x28: {  	s2 =	sld [smem:$0x3FA1]  }
0x29: {  	s4 =	sld [smem:$0x3FA3]  }
0x2a: {  	p0 =	seq.s32 s5, $0x0;
	s5 =	sld [smem:$0x3FA4]  }
0x2b: {  	s6 =	sld [smem:$0x3FA5]  }
0x2c: {  	s7 =	sld [smem:$0x3FA6]  }
0x2d: {  	s3 =	simm.s32 $0x108;
	s8 =	sld [smem:$0x3FA7]  }
0x2e: {  	s3 =	simm.s32 @!p0 $0x1082;
	s9 =	sld [smem:$0x3FA8]  }
0x2f: {  	lr =	sadd.s32 s0, s3;
	s0 =	sld [smem:$0x3F9F]  }
0x30: {  	s3 =	sld [smem:$0x3FA2]  }
0x31: {  	[smem:$0x3FAB] =	sst s10  }
0x32: {  	s10 =	sld [smem:$0x3FA9];
	_ =	sdelay $0x3  }
0x33: {  	p0 =	seq.s32 s10, $0x1;
	s10 =	sld [smem:$0x3FAB];
	_ =	sdelay $0x3  }
0x34: {  	[smem:$0x3FAB] =	sst s10  }
0x35: {  	s10 =	sld [smem:$0x3FAA];
	_ =	sdelay $0x3  }
0x36: {  	p1 =	seq.s32 s10, $0x1;
	s10 =	sld [smem:$0x3FAB];
	_ =	sdelay $0x3  }
0x37: {  	[smem:$0x3FAB] =	sst s10  }
0x38: {  	s10 =	sld [smem:$0x3FAC]  }
0x39: {  	_ = 	snop;
	(pc) =	sbr.ind lr, $3  }
0x3a: {  	_ = 	snop  }
0x3b: {  	_ = 	snop  }
0x3c: {  	p2 =	seq.s32 s10, $0x1;
	s10 =	sld [smem:$0x3FAB]  }
0x3d: {  	_ =	shalt  }
0x3e: {  	_ =	shalt  }
0x3f: {  	_ =	shalt  }
0x40: {  	_ =	shalt  }
0x41: {  	_ =	shalt  }
0x42: {  	_ =	shalt  }
0x43: {  	_ =	shalt  }
0x44: {  	_ =	shalt  }
0x45: {  	_ =	shalt  }
0x46: {  	_ =	shalt  }
0x47: {  	_ =	shalt  }
0x48: {  	_ =	shalt  }
0x49: {  	_ =	shalt  }
0x4a: {  	_ =	shalt  }
0x4b: {  	_ =	shalt  }
0x4c: {  	_ =	shalt  }
0x4d: {  	_ =	shalt  }
0x4e: {  	_ =	shalt  }
0x4f: {  	_ =	shalt  }
0x50: {  	_ =	shalt  }
0x51: {  	_ =	shalt  }
0x52: {  	_ =	shalt  }
0x53: {  	_ =	shalt  }
0x54: {  	_ =	shalt  }
0x55: {  	_ =	shalt  }
0x56: {  	_ =	shalt  }
0x57: {  	_ =	shalt  }
0x58: {  	_ =	shalt  }
0x59: {  	_ =	shalt  }
0x5a: {  	_ =	shalt  }
0x5b: {  	_ =	shalt  }
0x5c: {  	_ =	shalt  }
0x5d: {  	_ =	shalt  }
0x5e: {  	_ =	shalt  }
0x5f: {  	_ =	shalt  }
0x60: {  	_ =	shalt  }
0x61: {  	_ =	shalt  }
0x62: {  	_ =	shalt  }
0x63: {  	_ =	shalt  }
0x64: {  	_ =	shalt  }
0x65: {  	_ =	shalt  }
0x66: {  	_ =	shalt  }
0x67: {  	_ =	shalt  }
0x68: {  	_ =	shalt  }
0x69: {  	_ =	shalt  }
0x6a: {  	_ =	shalt  }
0x6b: {  	_ =	shalt  }
0x6c: {  	_ =	shalt  }
0x6d: {  	_ =	shalt  }
0x6e: {  	_ =	shalt  }
0x6f: {  	_ =	shalt  }
0x70: {  	_ =	shalt  }
0x71: {  	_ =	shalt  }
0x72: {  	_ =	shalt  }
0x73: {  	_ =	shalt  }
0x74: {  	_ =	shalt  }
0x75: {  	_ =	shalt  }
0x76: {  	_ =	shalt  }
0x77: {  	_ =	shalt  }
0x78: {  	_ =	shalt  }
0x79: {  	_ =	shalt  }
0x7a: {  	_ =	shalt  }
0x7b: {  	_ =	shalt  }
0x7c: {  	_ =	shalt  }
0x7d: {  	_ =	shalt  }
0x7e: {  	_ =	shalt  }
0x7f: {  	_ =	shalt  }
0x80: {  	_ =	shalt  }
0x81: {  	_ =	shalt  }
0x82: {  	_ =	shalt  }
0x83: {  	_ =	shalt  }
0x84: {  	_ =	shalt  }
0x85: {  	_ =	shalt  }
0x86: {  	_ =	shalt  }
0x87: {  	_ =	shalt  }
.Lfunc_end0:
.L_simem_size_0:
called_computation_lowered:
.L_overlay_start_0:
0x88: {  	s2 =	sld [smem:$0x3FD9]  }
0x89: {  	s3 =	sld [smem:$0x3FFE];
	_ =	sdelay $0x1  }
0x8a: {  	s1 =	srdreg.scid  }
0x8b: {  	s0 =	sand.u32 $0x1, s1  }
0x8c: {  	s14 =	sshll.u32 s0, $0xA;
	s2 =	sadd.s32 s3, s2  }
0x8d: {  	s2 =	sadd.s32 s2, s14  }
0x8e: {  	[smem:$0x3FB7] =	sst s2  }
0x8f: {  	_ = 	snop  }
0x90: {  	s2 =	sld [smem:$0x3FD0];
	_ =	sdelay $0x2  }
0x91: {  	s15 =	simm.s32 $0xA;
	s4 =	simm.s32 $0x10  }
0x92: {  	[smem:s4], [sflag:s15] =	dma.local [hbm:s2], $0x1  }
0x93: {  	_ =	swait.eq [sflag:s15], $0x1  }
0x94: {  	[sflag:s15] =	ssyncset.done $0x0  }
0x95: {  	[sflag:s15] =	ssyncadd.s32 $0xFFFFFFFF  }
0x96: {  	s16 =	sld [smem:$0x11];
	(tm) =	ssettm $0x1  }
0x97: {  	s17 =	sld [smem:$0x3FFB];
	_ =	sdelay $0x3  }
0x98: {  	_ =	strace s17  }
0x99: {  	s3 =	sld [smem:$0x3FFC];
	_ =	sdelay $0x3  }
0x9a: {  	_ =	strace s3  }
0x9b: {  	s3 =	sld [smem:$0x3FFD];
	_ =	sdelay $0x3  }
0x9c: {  	_ =	strace s3  }
0x9d: {  	_ =	strace $0x8FFFFFFF  }
0x9e: {  	s18 =	sld [smem:$0x3FDB];
	_ =	sdelay $0x1  }
0x9f: {  	s19 =	simm.s32 $_scs_section_size  }
0xa0: {  	s5 =	simm.s32 $_size__tile_overlayer_lowered;
	s6 =	simm.s32 $_tile_overlayer_lowered  }
0xa1: {  	s22 =	simm.s32 $0x1BFF;
	s21 =	sshll.u32 s6, $0x1;
	s3 =	sadd.s32 s19, s18  }
0xa2: {  	s7 =	simm.s32 $0x0;
	s20 =	sshll.u32 s5, $0x1;
	s5 =	sadd.s32 s21, s3  }
0xa3: {  	[timem:s7], [sflag:s22] =	dma.local [hbm:s5], s20  }
0xa4: {  	_ =	swait.ge [sflag:s22], s20  }
0xa5: {  	s4 =	ssub.s32 $0x0, s20;
	[sflag:s22] =	ssyncset.done $0x0  }
0xa6: {  	[sflag:s22] =	ssyncadd.s32 s4;
	_ =	sdelay $0x1  }
0xa7: {  	s23 =	simm.s32 $0x1B8B  }
0xa8: {  	_ =	swait.ge [sflag:s23], $0x1  }
0xa9: {  	[sflag:s23] =	ssyncset.done $0x0  }
0xaa: {  	s25 =	simm.s32 $0x1B8E;
	s24 =	sld [smem:$0x3FFE];
	[sflag:s23] =	ssyncadd.s32 $0xFFFFFFFF  }
0xab: {  	s26 =	simm.s32 $execute0_lowered;
	[smem:$0x3FD2] =	sst s25  }
0xac: {  	s5 =	sshll.u32 s26, $0x1;
	_ =	strace $0x80000046;
	[dreg:$0x1] =	wrdreg $0xFFFFFFFF  }
0xad: {  	s28 =	simm.s32 $_size_execute0_lowered;
	s3 =	sadd.s32 s3, s5;
	[dreg:$0x0] =	wrdreg $0x0  }
0xae: {  	s5 =	sshll.u32 s28, $0x1;
	[dreg:$0x2] =	wrdreg s3  }
0xaf: {  	[dreg:$0x3] =	wrdreg s5  }
0xb0: {  	[dreg:$0x4] =	wrdreg $0xC0  }
0xb1: {  	_ =	task [dreg:s7], $0x5FFFF  }
0xb2: {  	[dreg:$0x1] =	wrdreg $0xFFFFFFFF  }
0xb3: {  	[dreg:$0x0] =	wrdreg $0x60  }
0xb4: {  	[dreg:$0x2] =	wrdreg s24  }
0xb5: {  	[dreg:$0x3] =	wrdreg s16  }
0xb6: {  	[dreg:$0x4] =	wrdreg $0x9D800  }
0xb7: {  	[dreg:$0x5] =	wrdreg $0x9  }
0xb8: {  	_ =	task.clear_ibuf [dreg:s7], $0x6FFFF;
	_ =	strace $0x90000046  }
0xb9: {  	s29 =	simm.s32 $0x9;
	_ =	strace $0x80000048  }
0xba: {  	_ =	swait.ge [sflag:s29], $0x1  }
0xbb: {  	[sflag:s29] =	ssyncadd.s32 $0xFFFFFFFF  }
0xbc: {  	_ =	strace $0x90000048  }
0xbd: {  	_ =	sfence  }
0xbe: {  	s30 =	sld [smem:$0x0];
	_ =	sdelay $0x2  }
0xbf: {  	s31 =	sshll.u32 s1, $0xD;
	s1 =	sshrl.u32 s1, $0x2  }
0xc0: {  	s3 =	sand.u32 $0x4000, s31;
	s1 =	sadd.s32 s1, s30  }
0xc1: {  	s0 =	sor.u32 s3, s0;
	s1 =	sshll.u32 s1, $0x11  }
0xc2: {  	s0 =	sor.u32 s1, s0  }
0xc3: {  	s0 =	sadd.s32 $0x8F2B, s0  }
0xc4: {  	[sflag:s0] =	ssyncadd.remote.s32 $0x1  }
0xc5: {  	_ =	sfence.sel $0xFFFF  }
0xc6: {  	[dreg:$0x0] =	wrdreg $0xFFFFFFFF;
	(pc) =	sbr.abs _section_cstart, $3  }
0xc7: {  	[dreg:$0x1] =	wrdreg $0xFFFFFFFF  }
0xc8: {  	_ =	task.clear_ibuf [dreg:s7], $0x2FFFF;
	_ =	strace $0x9FFFFFFF  }
0xc9: {  	(tm) =	ssettm $0x7FFFFFFF  }
tec
execute0_lowered:
.L_overlay_start_1:
0x0: {  	(tag) =	ssettag $0x1  }
0x1: {  	s0 =	rddreg [dreg:$0x0]  }
0x2: {  	s1 =	rddreg [dreg:$0x1]  }
0x3: {  	s2 =	rddreg [dreg:$0x2];
	s3 =	srdreg.scid  }
0x4: {  	s4 =	simm.s32 $0x0;
	s12 =	stileid.u32;
	s3 =	sand.u32 $0x1, s3  }
0x5: {  	[smem:$0x7FF] =	sst s4;
	s7 =	sadd.s32 $0xD400, s0;
	s21 =	sadd.s32 $0x3600, s0  }
0x6: {  	s9 =	smul.u32 $0x7D000, s12;
	_ =	strace $0x80000047;
	[dreg:$0x6] =	wrdreg s7  }
0x7: {  	[dreg:$0x7] =	wrdreg s21;
	s22 =	ssub.s32 $0x2, s3;
	s21 =	simm.s32 $0x2480  }
0x8: {  	s9 =	sshrl.u32 s9, $0x2;
	s23 =	sshrl.u32 s22, $0x1;
	[dreg:$0x4] =	wrdreg s21  }
0x9: {  	s13 =	sadd.s32 s9, s2;
	s9 =	ssub.s32 s22, s23;
	s22 =	simm.s32 $0x4C80  }
0xa: {  	[dreg:$0x5] =	wrdreg s22  }
0xb: {  	s24 =	sadd.s32 $0x1400, s13;
	[dreg:$0x8] =	wrdreg s13  }
0xc: {  	s6 =	smul.u32 $0x1F400, s12;
	s25 =	sadd.s32 $0x2800, s13;
	[dreg:$0x9] =	wrdreg s24  }
0xd: {  	s11 =	sshll.u32 s12, $0x4;
	s26 =	sadd.s32 $0x3C00, s13;
	[dreg:$0xa] =	wrdreg s25  }
0xe: {  	s10 =	sshll.u32 s3, $0x8;
	s31 =	sadd.s32 $0x5000, s13;
	[dreg:$0xb] =	wrdreg s26  }
0xf: {  	s10 =	sor.u32 s11, s10;
	s11 =	sadd.s32 $0x6400, s13;
	[dreg:$0xc] =	wrdreg s31  }
0x10: {  	s8 =	sadd.s32 $0x17200, s0;
	s16 =	sadd.s32 $0x7800, s13;
	[dreg:$0xd] =	wrdreg s11  }
0x11: {  	s5 =	smul.u32 $0x138800, s3;
	s21 =	sadd.s32 $0x17C00, s13;
	[dreg:$0xf] =	wrdreg s16  }
0x12: {  	s7 =	sadd.s32 $0x9DB200, s0;
	s22 =	sadd.s32 $0x19000, s13;
	[smem:$0x7F7] =	sst s21  }
0x13: {  	s5 =	sadd.s32 s6, s5;
	s24 =	smax.u32 s9, $0x1;
	[smem:$0x7F8] =	sst s22  }
0x14: {  	s6 =	sadd.s32 $0xA50A00, s0;
	s26 =	sadd.s32 $0x8C00, s13;
	[dreg:$0x12] =	wrdreg s24  }
0x15: {  	s5 =	sshrl.u32 s5, $0x3;
	s31 =	sadd.s32 $0xA000, s13;
	[dreg:$0x16] =	wrdreg s26  }
0x16: {  	s5 =	sadd.s32 s5, s0;
	s9 =	sadd.s32 $0xF000, s13;
	[dreg:$0x17] =	wrdreg s31  }
0x17: {  	s0 =	sadd.s32 s10, s0;
	s10 =	sadd.s32 $0x10400, s13;
	[dreg:$0x1b] =	wrdreg s9  }
0x18: {  	s28 =	simm.s32 $0x28;
	s11 =	sadd.s32 $0x11800, s13;
	[dreg:$0x1c] =	wrdreg s10  }
0x19: {  	s29 =	simm.s32 $0x7480;
	s16 =	sadd.s32 $0x14000, s13;
	[dreg:$0x1d] =	wrdreg s11  }
0x1a: {  	s30 =	simm.s32 $0x1;
	s14 =	sadd.s32 $0xA50600, s0;
	[dreg:$0x1f] =	wrdreg s16  }
0x1b: {  	s17 =	smul.u32 $0x271000, s12;
	s0 =	sadd.s32 $0xA50800, s0;
	[dreg:$0xe] =	wrdreg s14  }
0x1c: {  	p0 =	sgt.u32 s12, $0x9;
	s20 =	sadd.s32 $0xA02400, s5;
	[dreg:$0x10] =	wrdreg s0  }
0x1d: {  	s18 =	smul.u32 $0x2710, s3;
	s5 =	sadd.s32 $0xC800, s13;
	[dreg:$0x11] =	wrdreg s20  }
0x1e: {  	s15 =	smul.u32 $0x2710000, s3;
	s24 =	sadd.s32 $0x1B800, s13;
	[dreg:$0x19] =	wrdreg s5  }
0x1f: {  	s19 =	sshll.u32 s3, $0x6;
	s26 =	sadd.s32 $0x1E000, s13;
	[smem:$0x7FA] =	sst s24  }
0x20: {  	s31 =	smul.u32 $0x4E20, s12;
	s14 =	sadd.s32 $0x12C00, s13;
	[smem:$0x7FC] =	sst s26  }
0x21: {  	s0 =	sadd.s32 s17, s15;
	s17 =	sadd.s32 $0x15400, s13;
	[dreg:$0x1e] =	wrdreg s14  }
0x22: {  	s10 =	sor.u32 $0x20, s19;
	s20 =	sadd.s32 $0x16800, s13;
	[smem:$0x7F5] =	sst s17  }
0x23: {  	s11 =	sor.u32 $0x30, s19;
	s23 =	sshrl.u32 s0, $0x3;
	[smem:$0x7F6] =	sst s20  }
0x24: {  	s0 =	sadd.s32 $0x1400, s0;
	[smem:$0x7FD] =	sst s31;
	s3 =	sadd.s32 s23, s6  }
0x25: {  	s0 =	sshrl.u32 s0, $0x3;
	s23 =	sadd.s32 $0x1A400, s13;
	[dreg:$0x13] =	wrdreg s3  }
0x26: {  	s12 =	simm.s32 $0x8880;
	s25 =	sadd.s32 s0, s6;
	[smem:$0x7F9] =	sst s23  }
0x27: {  	s16 =	simm.s32 $0x2;
	s0 =	sadd.s32 s0, s8;
	[dreg:$0x14] =	wrdreg s25  }
0x28: {  	s9 =	simm.s32 $0x0;
	s3 =	sadd.s32 $0xB400, s13;
	[dreg:$0x15] =	wrdreg s0  }
0x29: {  	s26 =	simm.s32 $0x6080;
	s6 =	sadd.s32 $0xDC00, s13;
	[dreg:$0x18] =	wrdreg s3  }
0x2a: {  	s14 =	simm.s32 $0x800;
	s17 =	simm.s32 $0x1080;
	[dreg:$0x1a] =	wrdreg s6  }
0x2b: {  	s25 =	sadd.s32 $0x1CC00, s13;
	s0 =	sor.u32 $0x10, s19;
	s13 =	simm.s32 $0x3  }
0x2c: {  	v1 =	vimm.f32 $0.0e+00;
	v0 =	vmov s18;
	s3 =	simm.s32 $0x1000;
	[smem:$0x7FB] =	sst s25;
	s25 =	simm.s32 $0x3880  }
.LBB2_1:
0x2d: {  	s5 =	sand.u32 $0x7E00, s4  }
0x2e: {  	[smem:$0x7F4] =	sst s9;
	s6 =	sand.u32 $0x70, s4;
	s31 =	sshrl.u32 s5, $0x2  }
0x2f: {  	s5 =	simm.s32 $0x40;
	s9 =	sor.u32 s6, s31;
	s6 =	simm.s32 $0x0  }
.LBB2_2:
0x30: {  	p1 =	sne.s32 s5, $0x4FC0  }
0x31: {  	[tilespmem:s9+$0x8880] =	vst v1;
	s6 =	sadd.s32 $0x10, s6;
	s9 =	smov.u32 s5;
	s5 =	sadd.s32 $0x40, s5  }
.Ltmp0:
0x32: {  	(pc) =	sbr.rel @p1 .LBB2_2-.Ltmp0, $4  }
0x33: {  	_ = 	snop  }
0x34: {  	s9 =	sand.u32 $0x7E00, s9  }
0x35: {  	s18 =	sand.u32 $0x70, s6;
	s9 =	sshrl.u32 s9, $0x2  }
0x36: {  	s9 =	sor.u32 s18, s9  }
.Ltmp1:
0x37: {  	(pc) =	sbr.rel @p0 .LBB2_5-.Ltmp1, $2  }
0x38: {  	_ =	sdelay $0x2  }
0x39: {  	[tilespmem:s9+$0x8880] =	vst v1  }
0x3a: {  	s5 =	rddreg [dreg:$0x8]  }
0x3b: {  	[spmem:s5] =	stream.linear.scatter [tilespmem:s12], [sflag:$0x3], $0x1400, $0x38;
	[tilespmem:$0x1D600] =	vst v63  }
0x3c: {  	_ =	swait.ge [sflag:s13], $0x1400  }
0x3d: {  	[sflag:s13] =	ssyncset.done $0x0  }
0x3e: {  	s20 =	rddreg [dreg:$0x9];
	[sflag:s13] =	ssyncadd.s32 $0xFFFFEC00  }
0x3f: {  	[spmem:s20] =	stream.linear.scatter [tilespmem:s12], [sflag:$0x3], $0x1400, $0x38;
	[tilespmem:$0x1D600] =	vst v63  }
0x40: {  	_ =	swait.ge [sflag:s13], $0x1400  }
0x41: {  	[sflag:s13] =	ssyncset.done $0x0  }
0x42: {  	s21 =	rddreg [dreg:$0xa];
	[sflag:s13] =	ssyncadd.s32 $0xFFFFEC00  }
0x43: {  	[spmem:s21] =	stream.linear.scatter [tilespmem:s12], [sflag:$0x3], $0x1400, $0x38;
	[tilespmem:$0x1D600] =	vst v63  }
0x44: {  	_ =	swait.ge [sflag:s13], $0x1400  }
0x45: {  	[sflag:s13] =	ssyncset.done $0x0  }
0x46: {  	s22 =	rddreg [dreg:$0xb];
	[sflag:s13] =	ssyncadd.s32 $0xFFFFEC00  }
0x47: {  	[spmem:s22] =	stream.linear.scatter [tilespmem:s12], [sflag:$0x3], $0x1400, $0x38;
	[tilespmem:$0x1D600] =	vst v63  }
0x48: {  	_ =	swait.ge [sflag:s13], $0x1400  }
0x49: {  	[sflag:s13] =	ssyncset.done $0x0  }
0x4a: {  	s23 =	rddreg [dreg:$0xc];
	[sflag:s13] =	ssyncadd.s32 $0xFFFFEC00  }
0x4b: {  	[spmem:s23] =	stream.linear.scatter [tilespmem:s12], [sflag:$0x3], $0x1400, $0x38;
	[tilespmem:$0x1D600] =	vst v63  }
0x4c: {  	_ =	swait.ge [sflag:s13], $0x1400  }
0x4d: {  	[sflag:s13] =	ssyncset.done $0x0  }
0x4e: {  	s24 =	rddreg [dreg:$0xd];
	[sflag:s13] =	ssyncadd.s32 $0xFFFFEC00  }
0x4f: {  	[spmem:s24] =	stream.linear.scatter [tilespmem:s12], [sflag:$0x3], $0x1400, $0x38;
	[tilespmem:$0x1D600] =	vst v63  }
0x50: {  	_ =	swait.ge [sflag:s13], $0x1400  }
0x51: {  	[sflag:s13] =	ssyncset.done $0x0  }
0x52: {  	s31 =	rddreg [dreg:$0xf];
	[sflag:s13] =	ssyncadd.s32 $0xFFFFEC00  }
0x53: {  	[spmem:s31] =	stream.linear.scatter [tilespmem:s12], [sflag:$0x3], $0x1400, $0x38;
	[tilespmem:$0x1D600] =	vst v63  }
0x54: {  	_ =	swait.ge [sflag:s13], $0x1400  }
0x55: {  	[sflag:s13] =	ssyncset.done $0x0  }
0x56: {  	s6 =	rddreg [dreg:$0x16];
	[sflag:s13] =	ssyncadd.s32 $0xFFFFEC00  }
0x57: {  	[spmem:s6] =	stream.linear.scatter [tilespmem:s12], [sflag:$0x3], $0x1400, $0x38;
	[tilespmem:$0x1D600] =	vst v63  }
0x58: {  	_ =	swait.ge [sflag:s13], $0x1400  }
0x59: {  	[sflag:s13] =	ssyncset.done $0x0  }
0x5a: {  	s9 =	rddreg [dreg:$0x17];
	[sflag:s13] =	ssyncadd.s32 $0xFFFFEC00  }
0x5b: {  	[spmem:s9] =	stream.linear.scatter [tilespmem:s12], [sflag:$0x3], $0x1400, $0x38;
	[tilespmem:$0x1D600] =	vst v63  }
0x5c: {  	_ =	swait.ge [sflag:s13], $0x1400  }
0x5d: {  	[sflag:s13] =	ssyncset.done $0x0  }
0x5e: {  	s18 =	rddreg [dreg:$0x18];
	[sflag:s13] =	ssyncadd.s32 $0xFFFFEC00  }
0x5f: {  	[spmem:s18] =	stream.linear.scatter [tilespmem:s12], [sflag:$0x3], $0x1400, $0x38;
	[tilespmem:$0x1D600] =	vst v63  }
0x60: {  	_ =	swait.ge [sflag:s13], $0x1400  }
0x61: {  	[sflag:s13] =	ssyncset.done $0x0  }
0x62: {  	s20 =	rddreg [dreg:$0x19];
	[sflag:s13] =	ssyncadd.s32 $0xFFFFEC00  }
0x63: {  	[spmem:s20] =	stream.linear.scatter [tilespmem:s12], [sflag:$0x3], $0x1400, $0x38;
	[tilespmem:$0x1D600] =	vst v63  }
0x64: {  	_ =	swait.ge [sflag:s13], $0x1400  }
0x65: {  	[sflag:s13] =	ssyncset.done $0x0  }
0x66: {  	s21 =	rddreg [dreg:$0x1a];
	[sflag:s13] =	ssyncadd.s32 $0xFFFFEC00  }
0x67: {  	[spmem:s21] =	stream.linear.scatter [tilespmem:s12], [sflag:$0x3], $0x1400, $0x38;
	[tilespmem:$0x1D600] =	vst v63  }
0x68: {  	_ =	swait.ge [sflag:s13], $0x1400  }
0x69: {  	[sflag:s13] =	ssyncset.done $0x0  }
0x6a: {  	s22 =	rddreg [dreg:$0x1b];
	[sflag:s13] =	ssyncadd.s32 $0xFFFFEC00  }
0x6b: {  	[spmem:s22] =	stream.linear.scatter [tilespmem:s12], [sflag:$0x3], $0x1400, $0x38;
	[tilespmem:$0x1D600] =	vst v63  }
0x6c: {  	_ =	swait.ge [sflag:s13], $0x1400  }
0x6d: {  	[sflag:s13] =	ssyncset.done $0x0  }
0x6e: {  	s23 =	rddreg [dreg:$0x1c];
	[sflag:s13] =	ssyncadd.s32 $0xFFFFEC00  }
0x6f: {  	[spmem:s23] =	stream.linear.scatter [tilespmem:s12], [sflag:$0x3], $0x1400, $0x38;
	[tilespmem:$0x1D600] =	vst v63  }
0x70: {  	_ =	swait.ge [sflag:s13], $0x1400  }
0x71: {  	[sflag:s13] =	ssyncset.done $0x0  }
0x72: {  	s24 =	rddreg [dreg:$0x1d];
	[sflag:s13] =	ssyncadd.s32 $0xFFFFEC00  }
0x73: {  	[spmem:s24] =	stream.linear.scatter [tilespmem:s12], [sflag:$0x3], $0x1400, $0x38;
	[tilespmem:$0x1D600] =	vst v63  }
0x74: {  	_ =	swait.ge [sflag:s13], $0x1400  }
0x75: {  	[sflag:s13] =	ssyncset.done $0x0  }
0x76: {  	s31 =	rddreg [dreg:$0x1e];
	[sflag:s13] =	ssyncadd.s32 $0xFFFFEC00  }
0x77: {  	[spmem:s31] =	stream.linear.scatter [tilespmem:s12], [sflag:$0x3], $0x1400, $0x38;
	[tilespmem:$0x1D600] =	vst v63  }
0x78: {  	_ =	swait.ge [sflag:s13], $0x1400  }
0x79: {  	[sflag:s13] =	ssyncset.done $0x0  }
0x7a: {  	s6 =	rddreg [dreg:$0x1f];
	[sflag:s13] =	ssyncadd.s32 $0xFFFFEC00  }
0x7b: {  	[spmem:s6] =	stream.linear.scatter [tilespmem:s12], [sflag:$0x3], $0x1400, $0x38;
	[tilespmem:$0x1D600] =	vst v63  }
0x7c: {  	_ =	swait.ge [sflag:s13], $0x1400  }
0x7d: {  	s9 =	sld [smem:$0x7F5]  }
0x7e: {  	[sflag:s13] =	ssyncset.done $0x0  }
0x7f: {  	[sflag:s13] =	ssyncadd.s32 $0xFFFFEC00  }
0x80: {  	[spmem:s9] =	stream.linear.scatter [tilespmem:s12], [sflag:$0x3], $0x1400, $0x38;
	[tilespmem:$0x1D600] =	vst v63  }
0x81: {  	_ =	swait.ge [sflag:s13], $0x1400  }
0x82: {  	s18 =	sld [smem:$0x7F6]  }
0x83: {  	[sflag:s13] =	ssyncset.done $0x0  }
0x84: {  	[sflag:s13] =	ssyncadd.s32 $0xFFFFEC00  }
0x85: {  	[spmem:s18] =	stream.linear.scatter [tilespmem:s12], [sflag:$0x3], $0x1400, $0x38;
	[tilespmem:$0x1D600] =	vst v63  }
0x86: {  	_ =	swait.ge [sflag:s13], $0x1400  }
0x87: {  	s20 =	sld [smem:$0x7F7]  }
0x88: {  	[sflag:s13] =	ssyncset.done $0x0  }
0x89: {  	[sflag:s13] =	ssyncadd.s32 $0xFFFFEC00  }
0x8a: {  	[spmem:s20] =	stream.linear.scatter [tilespmem:s12], [sflag:$0x3], $0x1400, $0x38;
	[tilespmem:$0x1D600] =	vst v63  }
0x8b: {  	_ =	swait.ge [sflag:s13], $0x1400  }
0x8c: {  	s21 =	sld [smem:$0x7F8]  }
0x8d: {  	[sflag:s13] =	ssyncset.done $0x0  }
0x8e: {  	[sflag:s13] =	ssyncadd.s32 $0xFFFFEC00  }
0x8f: {  	[spmem:s21] =	stream.linear.scatter [tilespmem:s12], [sflag:$0x3], $0x1400, $0x38;
	[tilespmem:$0x1D600] =	vst v63  }
0x90: {  	_ =	swait.ge [sflag:s13], $0x1400  }
0x91: {  	s22 =	sld [smem:$0x7F9]  }
0x92: {  	[sflag:s13] =	ssyncset.done $0x0  }
0x93: {  	[sflag:s13] =	ssyncadd.s32 $0xFFFFEC00  }
0x94: {  	[spmem:s22] =	stream.linear.scatter [tilespmem:s12], [sflag:$0x3], $0x1400, $0x38;
	[tilespmem:$0x1D600] =	vst v63  }
0x95: {  	_ =	swait.ge [sflag:s13], $0x1400  }
0x96: {  	s23 =	sld [smem:$0x7FA]  }
0x97: {  	[sflag:s13] =	ssyncset.done $0x0  }
0x98: {  	[sflag:s13] =	ssyncadd.s32 $0xFFFFEC00  }
0x99: {  	[spmem:s23] =	stream.linear.scatter [tilespmem:s12], [sflag:$0x3], $0x1400, $0x38;
	[tilespmem:$0x1D600] =	vst v63  }
0x9a: {  	_ =	swait.ge [sflag:s13], $0x1400  }
0x9b: {  	s24 =	sld [smem:$0x7FB]  }
0x9c: {  	[sflag:s13] =	ssyncset.done $0x0  }
0x9d: {  	[sflag:s13] =	ssyncadd.s32 $0xFFFFEC00  }
0x9e: {  	[spmem:s24] =	stream.linear.scatter [tilespmem:s12], [sflag:$0x3], $0x1400, $0x38;
	[tilespmem:$0x1D600] =	vst v63  }
0x9f: {  	_ =	swait.ge [sflag:s13], $0x1400  }
0xa0: {  	s31 =	sld [smem:$0x7FC]  }
0xa1: {  	[sflag:s13] =	ssyncset.done $0x0  }
0xa2: {  	[sflag:s13] =	ssyncadd.s32 $0xFFFFEC00  }
0xa3: {  	[spmem:s31] =	stream.linear.scatter [tilespmem:s12], [sflag:$0x3], $0x1400, $0x38;
	[tilespmem:$0x1D600] =	vst v63  }
0xa4: {  	_ =	swait.ge [sflag:s13], $0x1400  }
0xa5: {  	[sflag:s13] =	ssyncset.done $0x0  }
0xa6: {  	[sflag:s13] =	ssyncadd.s32 $0xFFFFEC00  }
.LBB2_5:
0xa7: {  	[bflag:$0x0] =	sbarrier.arrive $0xFFFF  }
0xa8: {  	v2 =	vimm.f32 $0.0e+00;
	v3 =	vimm.f32 $0.0e+00;
	s24 =	rddreg [dreg:$0x15]  }
0xa9: {  	v6 =	vimm.f32 $0.0e+00;
	v7 =	vimm.f32 $0.0e+00;
	v4 =	vimm.f32 $0.0e+00;
	s23 =	rddreg [dreg:$0x14]  }
0xaa: {  	v5 =	vimm.f32 $0.0e+00;
	v8 =	vimm.f32 $0.0e+00;
	v9 =	vimm.f32 $0.0e+00;
	s21 =	simm.s32 $0x0;
	s22 =	rddreg [dreg:$0x13]  }
.LBB2_6:
0xab: {  	s6 =	sld [smem:$0x7FD]  }
0xac: {  	s5 =	smul.u32 $0x7D0, s21;
	_ =	sdelay $0x1  }
0xad: {  	s9 =	sadd.s32 s6, s5  }
0xae: {  	s20 =	rddreg [dreg:$0x6];
	s5 =	sshrl.u32 s9, $0x3  }
0xaf: {  	s18 =	simm.s32 $0x0;
	s6 =	sadd.s32 s20, s5  }
0xb0: {  	[tilespmem:s18], [sflag:$0x3] =	stream.linear.gather [hbm4b:s6+s18], $0x7D0, $0x38;
	[tilespmem:$0x1D600] =	vst v63  }
0xb1: {  	_ =	swait.ge [sflag:s13], $0x7D0  }
0xb2: {  	[sflag:s13] =	ssyncset.done $0x0;
	s31 =	rddreg [dreg:$0x7]  }
0xb3: {  	[sflag:s13] =	ssyncadd.s32 $0xFFFFF830;
	s5 =	sadd.s32 s31, s5  }
0xb4: {  	[tilespmem:s14], [sflag:$0x3] =	stream.linear.gather [hbm4b:s5+s18], $0x7D0, $0x38;
	[tilespmem:$0x1D600] =	vst v63  }
0xb5: {  	_ =	swait.ge [sflag:s13], $0x7D0  }
0xb6: {  	[sflag:s13] =	ssyncset.done $0x0  }
0xb7: {  	s6 =	simm.s32 $0x40;
	s5 =	simm.s32 $0x0;
	[sflag:s13] =	ssyncadd.s32 $0xFFFFF830  }
.LBB2_7:
0xb8: {  	p1 =	sne.s32 s6, $0x1F00;
	v10 =	vld [tilespmem:s5+$0x0];
	_ =	sdelay $0x1  }
.Ltmp2:
0xb9: {  	(pc) =	sbr.rel @p1 .LBB2_7-.Ltmp2, $3  }
0xba: {  	_ =	sdelay $0x1  }
0xbb: {  	v10 =	vadd.s32 v0, v10  }
0xbc: {  	[tilespmem:s5+$0x0] =	vst v10;
	s5 =	sshra.s32 s6, $0x2;
	s6 =	sadd.s32 $0x40, s6  }
0xbd: {  	v10 =	vld [tilespmem:s5+$0x0];
	_ =	sdelay $0x4  }
0xbe: {  	s6 =	sshll.u32 s9, $0x7;
	v10 =	vadd.s32 v0, v10  }
0xbf: {  	s18 =	simm.s32 $0x28;
	s6 =	sadd.s32 s15, s6;
	[tilespmem:s5+$0x0] =	vst v10;
	s5 =	simm.s32 $0x0  }
0xc0: {  	[tilespmem:s17], [sflag:$0x1] =	stream.indirect.gather [hbm4b:s1+s18], $0x80, s5, s18, $0xb8;
	[tilespmem:$0x1D600] =	vst v63  }
0xc1: {  	s6 =	sshrl.u32 s6, $0x3  }
0xc2: {  	[tilespmem:s25], [sflag:$0x1] =	stream.indirect.gather [hbm4b:s7+s18], $0x80, s14, s18, $0xb8;
	[tilespmem:$0x1D600] =	vst v63  }
0xc3: {  	s6 =	sadd.s32 s8, s6  }
0xc4: {  	[tilespmem:s26], [sflag:$0x1] =	stream.linear.gather [hbm4b:s6+s5], $0x1400, $0x38;
	[tilespmem:$0x1D600] =	vst v63  }
0xc5: {  	s31 =	simm.s32 $0x0;
	s6 =	simm.s32 $0x828  }
.LBB2_9:
0xc6: {  	s14 =	rddreg [dreg:$0x4]  }
0xc7: {  	[tilespmem:s14], [sflag:$0x2] =	stream.indirect.gather [hbm4b:s1+s28], $0x80, s18, s28, $0xb8;
	[tilespmem:$0x1D600] =	vst v63  }
0xc8: {  	s20 =	rddreg [dreg:$0x5]  }
0xc9: {  	[tilespmem:s20], [sflag:$0x2] =	stream.indirect.gather [hbm4b:s7+s28], $0x80, s6, s28, $0xb8;
	[tilespmem:$0x1D600] =	vst v63  }
0xca: {  	s20 =	sadd.s32 s31, s24  }
0xcb: {  	[tilespmem:s29], [sflag:$0x2] =	stream.linear.gather [hbm4b:s20+s4], $0x1400, $0x38;
	[tilespmem:$0x1D600] =	vst v63  }
0xcc: {  	_ =	swait.ge [sflag:s30], $0x1400  }
0xcd: {  	[sflag:s30] =	ssyncset.done $0x0  }
0xce: {  	[sflag:s30] =	ssyncadd.s32 $0xFFFFEC00  }
0xcf: {  	_ =	swait.ge [sflag:s30], $0x1400  }
0xd0: {  	[sflag:s30] =	ssyncset.done $0x0  }
0xd1: {  	[sflag:s30] =	ssyncadd.s32 $0xFFFFEC00  }
0xd2: {  	_ =	swait.ge [sflag:s30], $0x1400  }
0xd3: {  	[sflag:s30] =	ssyncset.done $0x0  }
0xd4: {  	[sflag:s30] =	ssyncadd.s32 $0xFFFFEC00  }
0xd5: {  	v10 =	vld [tilespmem:$0x1080]  }
0xd6: {  	v11 =	vld [tilespmem:s19+$0x3880];
	_ =	sdelay $0x1  }
0xd7: {  	v12 =	vld [tilespmem:$0x6080];
	_ =	sdelay $0x2  }
0xd8: {  	v10 =	vadd.f32 v11, v10;
	_ =	sdelay $0x1  }
0xd9: {  	v10 =	vadd.f32 v12, v10;
	_ =	sdelay $0x1  }
0xda: {  	v11 =	vsub.f32 $0.0e+00, v10;
	_ =	sdelay $0x1  }
0xdb: {  	v11 =	vmul.f32 $1.442695020e+00, v11;
	_ =	sdelay $0x1  }
0xdc: {  	(erf) = vpow2.f32 v11;
	_ =	sdelay $0x8  }
0xdd: {  	v11 =	vpop (erf)  }
0xde: {  	v11 =	vadd.f32 $1.000000000e+00, v11;
	_ =	sdelay $0x1  }
0xdf: {  	(erf) = vrcp.f32 v11;
	_ =	sdelay $0x4  }
0xe0: {  	v11 =	vld [tilespmem:$0x10C0];
	_ =	sdelay $0x3  }
0xe1: {  	v33 =	vpop (erf)  }
0xe2: {  	[tilespmem:$0x6080] =	vst v10;
	v11 =	vmul.f32 v33, v11  }
0xe3: {  	[tilespmem:$0x88C0] =	vst v33  }
0xe4: {  	[tilespmem:$0x8880] =	vst v11;
	v11 =	vld [tilespmem:$0x1090]  }
0xe5: {  	v12 =	vld [tilespmem:s0+$0x3880];
	_ =	sdelay $0x1  }
0xe6: {  	v13 =	vld [tilespmem:$0x6090];
	_ =	sdelay $0x2  }
0xe7: {  	v11 =	vadd.f32 v12, v11;
	_ =	sdelay $0x1  }
0xe8: {  	v11 =	vadd.f32 v13, v11;
	_ =	sdelay $0x1  }
0xe9: {  	v34 =	vsub.f32 $0.0e+00, v11;
	_ =	sdelay $0x1  }
0xea: {  	v12 =	vmul.f32 $1.442695020e+00, v34;
	_ =	sdelay $0x1  }
0xeb: {  	(erf) = vpow2.f32 v12;
	_ =	sdelay $0x8  }
0xec: {  	v12 =	vpop (erf)  }
0xed: {  	v12 =	vadd.f32 $1.000000000e+00, v12;
	_ =	sdelay $0x1  }
0xee: {  	(erf) = vrcp.f32 v12;
	_ =	sdelay $0x4  }
0xef: {  	v35 =	vld [tilespmem:$0x10D0];
	_ =	sdelay $0x3  }
0xf0: {  	v36 =	vpop (erf)  }
0xf1: {  	[tilespmem:$0x6090] =	vst v11;
	v12 =	vmul.f32 v36, v35  }
0xf2: {  	[tilespmem:$0x88D0] =	vst v36  }
0xf3: {  	v37 =	vld [tilespmem:$0x10A0];
	[tilespmem:$0x8890] =	vst v12  }
0xf4: {  	v13 =	vld [tilespmem:s10+$0x3880];
	_ =	sdelay $0x1  }
0xf5: {  	v14 =	vld [tilespmem:$0x60A0];
	_ =	sdelay $0x2  }
0xf6: {  	v12 =	vadd.f32 v13, v37;
	_ =	sdelay $0x1  }
0xf7: {  	v12 =	vadd.f32 v14, v12;
	_ =	sdelay $0x1  }
0xf8: {  	v38 =	vsub.f32 $0.0e+00, v12;
	_ =	sdelay $0x1  }
0xf9: {  	v13 =	vmul.f32 $1.442695020e+00, v38;
	_ =	sdelay $0x1  }
0xfa: {  	(erf) = vpow2.f32 v13;
	_ =	sdelay $0x8  }
0xfb: {  	v13 =	vpop (erf)  }
0xfc: {  	v13 =	vadd.f32 $1.000000000e+00, v13;
	_ =	sdelay $0x1  }
0xfd: {  	(erf) = vrcp.f32 v13;
	_ =	sdelay $0x4  }
0xfe: {  	v39 =	vld [tilespmem:$0x10E0];
	_ =	sdelay $0x3  }
0xff: {  	v40 =	vpop (erf)  }
0x100: {  	[tilespmem:$0x60A0] =	vst v12;
	v13 =	vmul.f32 v40, v39  }
0x101: {  	[tilespmem:$0x88E0] =	vst v40  }
0x102: {  	v41 =	vld [tilespmem:$0x10B0];
	[tilespmem:$0x88A0] =	vst v13  }
0x103: {  	v14 =	vld [tilespmem:s11+$0x3880];
	_ =	sdelay $0x1  }
0x104: {  	v15 =	vld [tilespmem:$0x60B0];
	_ =	sdelay $0x2  }
0x105: {  	v13 =	vadd.f32 v14, v41;
	_ =	sdelay $0x1  }
0x106: {  	v13 =	vadd.f32 v15, v13;
	_ =	sdelay $0x1  }
0x107: {  	v42 =	vsub.f32 $0.0e+00, v13;
	_ =	sdelay $0x1  }
0x108: {  	v14 =	vmul.f32 $1.442695020e+00, v42;
	_ =	sdelay $0x1  }
0x109: {  	(erf) = vpow2.f32 v14;
	_ =	sdelay $0x8  }
0x10a: {  	v14 =	vpop (erf)  }
0x10b: {  	v14 =	vadd.f32 $1.000000000e+00, v14;
	_ =	sdelay $0x1  }
0x10c: {  	(erf) = vrcp.f32 v14;
	_ =	sdelay $0x4  }
0x10d: {  	v43 =	vld [tilespmem:$0x10F0];
	_ =	sdelay $0x3  }
0x10e: {  	v44 =	vpop (erf)  }
0x10f: {  	[tilespmem:$0x60B0] =	vst v13;
	v14 =	vmul.f32 v44, v43  }
0x110: {  	[tilespmem:$0x88F0] =	vst v44  }
0x111: {  	[tilespmem:$0x88B0] =	vst v14  }
0x112: {  	v14 =	vld [tilespmem:s6+$0xFFFFFFD8];
	_ =	sdelay $0x4  }
0x113: {  	[tilespmem:$0x1000] =	vst v14  }
0x114: {  	v14 =	vld [tilespmem:s6+$0xFFFFFFE8];
	_ =	sdelay $0x4  }
0x115: {  	[tilespmem:$0x1010] =	vst v14  }
0x116: {  	v14 =	vld [tilespmem:s6+$0xFFFFFFF0];
	_ =	sdelay $0x4  }
0x117: {  	s20 =	sadd.s32 s31, s22;
	[tilespmem:$0x1018] =	vst v14  }
0x118: {  	[hbm4b:s20+s4] =	stream.linear.scatter [tilespmem:s26], [sflag:$0x3], $0x1400, $0x38;
	[tilespmem:$0x1D600] =	vst v63  }
0x119: {  	_ =	swait.ge [sflag:s13], $0x1400  }
0x11a: {  	[sflag:s13] =	ssyncset.done $0x0  }
0x11b: {  	s20 =	smin.u32 s5, $0x2F;
	[sflag:s13] =	ssyncadd.s32 $0xFFFFEC00  }
0x11c: {  	[spmem:s2] =	stream.indirect.scatter.add.f32 [tilespmem:s12], [sflag:$0x3], $0x80, s3, s28, $0xb8;
	[tilespmem:$0x1D600] =	vst v63  }
0x11d: {  	s14 =	smul.u32 $0x28, s20;
	_ =	swait.ge [sflag:s13], $0x1400  }
0x11e: {  	[sflag:s13] =	ssyncset.done $0x0  }
0x11f: {  	s20 =	sadd.s32 $0x50, s14;
	[sflag:s13] =	ssyncadd.s32 $0xFFFFEC00  }
0x120: {  	[tilespmem:s17], [sflag:$0x1] =	stream.indirect.gather [hbm4b:s1+s28], $0x80, s20, s28, $0xb8;
	[tilespmem:$0x1D600] =	vst v63  }
0x121: {  	s14 =	sadd.s32 $0x850, s14;
	s20 =	sadd.s32 s9, s20  }
0x122: {  	[tilespmem:s25], [sflag:$0x1] =	stream.indirect.gather [hbm4b:s7+s28], $0x80, s14, s28, $0xb8;
	[tilespmem:$0x1D600] =	vst v63  }
0x123: {  	s14 =	sshll.u32 s20, $0x7  }
0x124: {  	s14 =	sadd.s32 s15, s14  }
0x125: {  	s14 =	sshrl.u32 s14, $0x3  }
0x126: {  	s14 =	sadd.s32 s8, s14  }
0x127: {  	[tilespmem:s26], [sflag:$0x1] =	stream.linear.gather [hbm4b:s14+s4], $0x1400, $0x38;
	[tilespmem:$0x1D600] =	vst v63  }
0x128: {  	_ =	swait.ge [sflag:s16], $0x1400  }
0x129: {  	[sflag:s16] =	ssyncset.done $0x0  }
0x12a: {  	[sflag:s16] =	ssyncadd.s32 $0xFFFFEC00  }
0x12b: {  	_ =	swait.ge [sflag:s16], $0x1400  }
0x12c: {  	[sflag:s16] =	ssyncset.done $0x0  }
0x12d: {  	[sflag:s16] =	ssyncadd.s32 $0xFFFFEC00  }
0x12e: {  	_ =	swait.ge [sflag:s16], $0x1400  }
0x12f: {  	[sflag:s16] =	ssyncset.done $0x0  }
0x130: {  	[sflag:s16] =	ssyncadd.s32 $0xFFFFEC00  }
0x131: {  	v45 =	vld [tilespmem:$0x2480]  }
0x132: {  	v46 =	vld [tilespmem:s19+$0x4C80];
	_ =	sdelay $0x1  }
0x133: {  	v16 =	vld [tilespmem:$0x7480];
	_ =	sdelay $0x2  }
0x134: {  	v14 =	vadd.f32 v46, v45;
	_ =	sdelay $0x1  }
0x135: {  	v14 =	vadd.f32 v16, v14;
	_ =	sdelay $0x1  }
0x136: {  	v47 =	vsub.f32 $0.0e+00, v14;
	_ =	sdelay $0x1  }
0x137: {  	v15 =	vmul.f32 $1.442695020e+00, v47;
	_ =	sdelay $0x1  }
0x138: {  	(erf) = vpow2.f32 v15;
	_ =	sdelay $0x8  }
0x139: {  	v15 =	vpop (erf)  }
0x13a: {  	v15 =	vadd.f32 $1.000000000e+00, v15;
	_ =	sdelay $0x1  }
0x13b: {  	(erf) = vrcp.f32 v15;
	_ =	sdelay $0x4  }
0x13c: {  	v48 =	vld [tilespmem:$0x24C0];
	_ =	sdelay $0x3  }
0x13d: {  	v49 =	vpop (erf)  }
0x13e: {  	[tilespmem:$0x7480] =	vst v14;
	v15 =	vmul.f32 v49, v48  }
0x13f: {  	[tilespmem:$0x88C0] =	vst v49  }
0x140: {  	v50 =	vld [tilespmem:$0x2490];
	[tilespmem:$0x8880] =	vst v15  }
0x141: {  	v16 =	vld [tilespmem:s0+$0x4C80];
	_ =	sdelay $0x1  }
0x142: {  	v17 =	vld [tilespmem:$0x7490];
	_ =	sdelay $0x2  }
0x143: {  	v15 =	vadd.f32 v16, v50;
	_ =	sdelay $0x1  }
0x144: {  	v15 =	vadd.f32 v17, v15;
	_ =	sdelay $0x1  }
0x145: {  	v51 =	vsub.f32 $0.0e+00, v15;
	_ =	sdelay $0x1  }
0x146: {  	v16 =	vmul.f32 $1.442695020e+00, v51;
	_ =	sdelay $0x1  }
0x147: {  	(erf) = vpow2.f32 v16;
	_ =	sdelay $0x8  }
0x148: {  	v16 =	vpop (erf)  }
0x149: {  	v16 =	vadd.f32 $1.000000000e+00, v16;
	_ =	sdelay $0x1  }
0x14a: {  	(erf) = vrcp.f32 v16;
	_ =	sdelay $0x4  }
0x14b: {  	v52 =	vld [tilespmem:$0x24D0];
	_ =	sdelay $0x3  }
0x14c: {  	v53 =	vpop (erf)  }
0x14d: {  	[tilespmem:$0x7490] =	vst v15;
	v16 =	vmul.f32 v53, v52  }
0x14e: {  	[tilespmem:$0x88D0] =	vst v53  }
0x14f: {  	v54 =	vld [tilespmem:$0x24A0];
	[tilespmem:$0x8890] =	vst v16  }
0x150: {  	v17 =	vld [tilespmem:s10+$0x4C80];
	_ =	sdelay $0x1  }
0x151: {  	v18 =	vld [tilespmem:$0x74A0];
	_ =	sdelay $0x2  }
0x152: {  	v16 =	vadd.f32 v17, v54;
	_ =	sdelay $0x1  }
0x153: {  	v16 =	vadd.f32 v18, v16;
	_ =	sdelay $0x1  }
0x154: {  	v55 =	vsub.f32 $0.0e+00, v16;
	_ =	sdelay $0x1  }
0x155: {  	v17 =	vmul.f32 $1.442695020e+00, v55;
	_ =	sdelay $0x1  }
0x156: {  	(erf) = vpow2.f32 v17;
	_ =	sdelay $0x8  }
0x157: {  	v17 =	vpop (erf)  }
0x158: {  	v17 =	vadd.f32 $1.000000000e+00, v17;
	_ =	sdelay $0x1  }
0x159: {  	(erf) = vrcp.f32 v17;
	_ =	sdelay $0x4  }
0x15a: {  	v56 =	vld [tilespmem:$0x24E0];
	_ =	sdelay $0x3  }
0x15b: {  	v57 =	vpop (erf)  }
0x15c: {  	[tilespmem:$0x74A0] =	vst v16;
	v17 =	vmul.f32 v57, v56  }
0x15d: {  	[tilespmem:$0x88E0] =	vst v57  }
0x15e: {  	v58 =	vld [tilespmem:$0x24B0];
	[tilespmem:$0x88A0] =	vst v17  }
0x15f: {  	v18 =	vld [tilespmem:s11+$0x4C80];
	_ =	sdelay $0x1  }
0x160: {  	v19 =	vld [tilespmem:$0x74B0];
	_ =	sdelay $0x2  }
0x161: {  	v17 =	vadd.f32 v18, v58;
	_ =	sdelay $0x1  }
0x162: {  	v17 =	vadd.f32 v19, v17;
	_ =	sdelay $0x1  }
0x163: {  	v59 =	vsub.f32 $0.0e+00, v17;
	_ =	sdelay $0x1  }
0x164: {  	v18 =	vmul.f32 $1.442695020e+00, v59;
	_ =	sdelay $0x1  }
0x165: {  	(erf) = vpow2.f32 v18;
	_ =	sdelay $0x8  }
0x166: {  	v18 =	vpop (erf)  }
0x167: {  	v18 =	vadd.f32 $1.000000000e+00, v18;
	_ =	sdelay $0x1  }
0x168: {  	(erf) = vrcp.f32 v18;
	_ =	sdelay $0x4  }
0x169: {  	v60 =	vld [tilespmem:$0x24F0];
	_ =	sdelay $0x3  }
0x16a: {  	v61 =	vpop (erf)  }
0x16b: {  	[tilespmem:$0x74B0] =	vst v17;
	v18 =	vmul.f32 v61, v60  }
0x16c: {  	[tilespmem:$0x88F0] =	vst v61  }
0x16d: {  	[tilespmem:$0x88B0] =	vst v18  }
0x16e: {  	v18 =	vld [tilespmem:s6+$0x0];
	_ =	sdelay $0x4  }
0x16f: {  	[tilespmem:$0x1000] =	vst v18  }
0x170: {  	v18 =	vld [tilespmem:s6+$0x10];
	_ =	sdelay $0x4  }
0x171: {  	[tilespmem:$0x1010] =	vst v18  }
0x172: {  	v18 =	vld [tilespmem:s6+$0x18];
	_ =	sdelay $0x4  }
0x173: {  	v62 =	vmul.f32 v10, v10;
	v63 =	vmul.f32 v11, v11;
	s20 =	sadd.s32 s31, s23;
	[tilespmem:$0x1018] =	vst v18  }
0x174: {  	v9 =	vadd.f32 v10, v9;
	v8 =	vadd.f32 v11, v8;
	v11 =	vmul.f32 v12, v12;
	[hbm4b:s20+s4] =	stream.linear.scatter [tilespmem:s29], [sflag:$0x3], $0x1400, $0x38;
	[tilespmem:$0x1D600] =	vst v63  }
0x175: {  	v7 =	vadd.f32 v62, v7;
	v6 =	vadd.f32 v63, v6;
	v10 =	vmul.f32 v13, v13;
	_ =	swait.ge [sflag:s13], $0x1400  }
0x176: {  	p1 =	sne.s32 s31, $0x7800;
	v5 =	vadd.f32 v12, v5;
	v3 =	vadd.f32 v11, v3;
	v11 =	vmul.f32 v16, v16;
	[sflag:s13] =	ssyncset.done $0x0  }
.Ltmp3:
0x177: {  	v4 =	vadd.f32 v13, v4;
	v2 =	vadd.f32 v10, v2;
	v10 =	vmul.f32 v17, v17;
	[sflag:s13] =	ssyncadd.s32 $0xFFFFEC00;
	(pc) =	sbr.rel @p1 .LBB2_9-.Ltmp3, $4  }
0x178: {  	v9 =	vadd.f32 v14, v9;
	v3 =	vadd.f32 v11, v3;
	v11 =	vmul.f32 v14, v14;
	[spmem:s2] =	stream.indirect.scatter.add.f32 [tilespmem:s12], [sflag:$0x3], $0x80, s3, s28, $0xb8;
	[tilespmem:$0x1D600] =	vst v63  }
0x179: {  	v8 =	vadd.f32 v15, v8;
	v2 =	vadd.f32 v10, v2;
	v10 =	vmul.f32 v15, v15;
	_ =	swait.ge [sflag:s13], $0x1400  }
0x17a: {  	s18 =	sadd.s32 $0x50, s18;
	s5 =	sadd.s32 $0x2, s5;
	v5 =	vadd.f32 v16, v5;
	v7 =	vadd.f32 v11, v7;
	[sflag:s13] =	ssyncset.done $0x0  }
0x17b: {  	s31 =	sadd.s32 $0x500, s31;
	v4 =	vadd.f32 v17, v4;
	v6 =	vadd.f32 v10, v6;
	s6 =	sadd.s32 $0x50, s6;
	[sflag:s13] =	ssyncadd.s32 $0xFFFFEC00  }
0x17c: {  	_ =	swait.ge [sflag:s30], $0x1400  }
0x17d: {  	[sflag:s30] =	ssyncset.done $0x0  }
0x17e: {  	s21 =	sadd.s32 $0x1, s21;
	[sflag:s30] =	ssyncadd.s32 $0xFFFFEC00  }
0x17f: {  	p1 =	sne.s32 s21, $0xA;
	_ =	swait.ge [sflag:s30], $0x1400  }
.Ltmp4:
0x180: {  	[sflag:s30] =	ssyncset.done $0x0;
	(pc) =	sbr.rel @p1 .LBB2_6-.Ltmp4, $4  }
0x181: {  	[sflag:s30] =	ssyncadd.s32 $0xFFFFEC00  }
0x182: {  	_ =	swait.ge [sflag:s30], $0x1400  }
0x183: {  	s22 =	sadd.s32 $0x7D00, s22;
	s23 =	sadd.s32 $0x7D00, s23;
	[sflag:s30] =	ssyncset.done $0x0  }
0x184: {  	s24 =	sadd.s32 $0x7D00, s24;
	s14 =	simm.s32 $0x800;
	[sflag:s30] =	ssyncadd.s32 $0xFFFFEC00  }
0x185: {  	[tilespmem:$0x9C80] =	vst v9  }
0x186: {  	[tilespmem:$0x9D00] =	vst v7  }
0x187: {  	[tilespmem:$0x9C90] =	vst v8  }
0x188: {  	[tilespmem:$0x9D10] =	vst v6  }
0x189: {  	[tilespmem:$0x9CA0] =	vst v5  }
0x18a: {  	[tilespmem:$0x9D20] =	vst v3  }
0x18b: {  	[tilespmem:$0x9CB0] =	vst v4  }
0x18c: {  	[tilespmem:$0x9D30] =	vst v2;
	s5 =	rddreg [dreg:$0xe];
	s6 =	simm.s32 $0x9C80  }
0x18d: {  	[hbm4b:s5+s4] =	stream.linear.scatter [tilespmem:s6], [sflag:$0x3], $0x80, $0x38;
	[tilespmem:$0x1D600] =	vst v63  }
0x18e: {  	_ =	swait.ge [sflag:s13], $0x80  }
0x18f: {  	[sflag:s13] =	ssyncset.done $0x0  }
0x190: {  	s23 =	simm.s32 $0x9D00;
	s22 =	rddreg [dreg:$0x10];
	[sflag:s13] =	ssyncadd.s32 $0xFFFFFF80  }
0x191: {  	[hbm4b:s22+s4] =	stream.linear.scatter [tilespmem:s23], [sflag:$0x3], $0x80, $0x38;
	[tilespmem:$0x1D600] =	vst v63  }
0x192: {  	_ =	swait.ge [sflag:s13], $0x80  }
0x193: {  	[sflag:s13] =	ssyncset.done $0x0  }
0x194: {  	[sflag:s13] =	ssyncadd.s32 $0xFFFFFF80  }
0x195: {  	s5 =	stileid.u32;
	[bflag:$0x0] =	sbarrier.arrive $0xFFFF  }
0x196: {  	s5 =	sshll.u32 @!p0 s5, $0x6;
	s6 =	rddreg [dreg:$0x8]  }
0x197: {  	s5 =	sor.u32 @!p0 $0x1C03, s5;
	s9 =	rddreg [dreg:$0x11];
	s6 =	sshrl.u32 @!p0 s6, $0x3  }
0x198: {  	[hbm:s9], [sflag:s5] =	dma.local @!p0 [spmem:s6], $0x3E80  }
0x199: {  	s5 =	simm.s32 @!p0 $0x3  }
0x19a: {  	_ =	swait.ge @!p0 [sflag:s5], $0x3E80  }
0x19b: {  	s24 =	sld [smem:$0x7F4];
	_ =	sdelay $0x2  }
0x19c: {  	s31 =	rddreg [dreg:$0x12];
	s9 =	sadd.s32 $0x1, s24  }
0x19d: {  	p1 =	sne.s32 s9, s31  }
.Ltmp5:
0x19e: {  	_ = 	snop;
	(pc) =	sbr.rel @p1 .LBB2_1-.Ltmp5, $3  }
0x19f: {  	_ =	sdelay $0x1  }
0x1a0: {  	[sflag:s5] =	ssyncset.done @!p0 $0x0  }
0x1a1: {  	[sflag:s5] =	ssyncadd.s32 @!p0 $0xFFFFC180  }
0x1a2: {  	_ =	sfence.sel $0x180000  }
0x1a3: {  	[bflag:$0x0] =	sbarrier.arrive $0xFFFF  }
0x1a4: {  	_ =	strace $0x90000047  }
0x1a5: {  	s0 =	stileid.u32;
	[bflag:$0x2] =	sbarrier.arrive $0xFFFF  }
0x1a6: {  	p0 =	sne.s32 s0, $0x0;
	s0 =	rddreg [dreg:$0x3]  }
0x1a7: {  	s0 =	sadd.s32 @!p0 $0x100000, s0  }
0x1a8: {  	[sflag:s0] =	ssyncadd.tile.s32 @!p0 $0x1;
	_ =	shalt  }
.Lfunc_end2:
_tile_overlayer_lowered:
.L_overlay_start_2:
0x1a9: {  	(tag) =	ssettag $0x2  }
0x1aa: {  	s0 =	rddreg [dreg:$0x0];
	s2 =	stileid.u32  }
0x1ab: {  	s1 =	rddreg [dreg:$0x1];
	p0 =	sne.s32 s2, $0x0  }
0x1ac: {  	s3 =	rddreg [dreg:$0x2];
	[bflag:$0x3] =	sbarrier.arrive $0xFFFF;
	s2 =	simm.s32 @!p0 $0x1C03  }
0x1ad: {  	[timem:s3], [sflag:s2] =	dma.local @!p0 [hbm:s0], s1  }
0x1ae: {  	s0 =	simm.s32 @!p0 $0x3  }
0x1af: {  	_ =	swait.ge @!p0 [sflag:s0], s1  }
0x1b0: {  	s1 =	ssub.s32 @!p0 $0x0, s1;
	[sflag:s0] =	ssyncset.done @!p0 $0x0  }
0x1b1: {  	[sflag:s0] =	ssyncadd.s32 @!p0 s1  }
0x1b2: {  	[bflag:$0x3] =	sbarrier.arrive $0xFFFF  }
0x1b3: {  	_ =	shalt  }

</sc_bundles>
